<compile_context>
chip_gen: v7x
topology: tpu7x:2x2x1
jax: 0.10.2.dev20260603
libtpu: 0.0.44.dev20260713+nightly
codegen_flags: <defaults>
</compile_context>

<pallas_src>
import functools

import jax
import jax.numpy as jnp
from jax import lax
from jax.experimental import pallas as pl
from jax.experimental.pallas import tpu as pltpu
from jax.experimental.pallas import tpu_sc as plsc

N = 10000
E = 320000
D = 128
NT = 16
ECA = 19968
ECB = E - 15 * ECA
ECH = 10240
NPAD = 10240
SL = NPAD // NT
LANES = 16


def _scores_tc(x_ref, w1_ref, wp_ref, bp_ref, sd_ref, ss_ref, h_ref):
    w1 = w1_ref[...]
    wp = wp_ref[...]
    bp = bp_ref[0, 0]
    xk = x_ref[0]
    h = jax.lax.dot_general(xk, w1, (((1,), (1,)), ((), ())),
                            preferred_element_type=jnp.float32)
    h_ref[0] = h.astype(jnp.bfloat16)
    sd = jax.lax.dot_general(wp[:, :D], h, (((1,), (1,)), ((), ())),
                             preferred_element_type=jnp.float32)
    ss = jax.lax.dot_general(wp[:, D:], h, (((1,), (1,)), ((), ())),
                             preferred_element_type=jnp.float32)
    sd_ref[0, pl.ds(0, 1), pl.ds(0, N)] = sd + bp
    ss_ref[0, pl.ds(0, 1), pl.ds(0, N)] = ss


def _out_tc(h_ref, a_ref, b_ref, o_ref):
    b = b_ref[...]
    hk = h_ref[0].astype(jnp.float32)
    ak = a_ref[0, 0, pl.ds(0, N)]
    o_ref[0] = hk * ak[:, None] + b


_UNROLL = 4


def _edge_sc(sd_hbm, ss_hbm, ei_hbm, out_hbm,
             tbl_sd, tbl_ss, e_buf, acc_d, acc_s, red_d, red_s, a_sl,
             sh_pd, sh_ps, sem):
    c = lax.axis_index("c")
    t = lax.axis_index("s")

    in_copies = [
        pltpu.async_copy(sd_hbm.at[c, 0], tbl_sd, sem),
        pltpu.async_copy(ss_hbm.at[c, 0], tbl_ss, sem),
        pltpu.async_copy(ei_hbm.at[c, :, pl.ds(t * ECA, ECH)],
                         e_buf.at[:, pl.ds(0, ECH)], sem),
    ]
    cp2 = pltpu.async_copy(ei_hbm.at[c, :, pl.ds(t * ECA + ECH, ECB - ECH)],
                           e_buf.at[:, pl.ds(ECH, ECB - ECH)], sem)

    zeros = jnp.zeros((LANES,), jnp.float32)

    @plsc.parallel_loop(0, NPAD // LANES, unroll=_UNROLL)
    def _(i):
        acc_d[pl.ds(i * LANES, LANES)] = zeros
        acc_s[pl.ds(i * LANES, LANES)] = zeros

    for cp in in_copies:
        cp.wait()

    def _edge_vec(i):
        base = i * LANES
        s = e_buf[0, pl.ds(base, LANES)]
        d = e_buf[1, pl.ds(base, LANES)]
        sc = plsc.load_gather(tbl_sd, [d]) + plsc.load_gather(tbl_ss, [s])
        lr = jnp.where(sc >= 0, sc, 0.2 * sc)
        num = jnp.exp(lr)
        plsc.addupdate_scatter(acc_d, [d], num)
        plsc.addupdate_scatter(acc_s, [s], num)

    plsc.parallel_loop(0, ECH // LANES, unroll=_UNROLL)(_edge_vec)
    cp2.wait()
    plsc.parallel_loop(ECH // LANES, ECA // LANES, unroll=_UNROLL)(_edge_vec)

    @pl.when(t == NT - 1)
    def _():
        plsc.parallel_loop(ECA // LANES, ECB // LANES, unroll=_UNROLL)(_edge_vec)

    pltpu.sync_copy(acc_d, sh_pd.at[t])
    pltpu.sync_copy(acc_s, sh_ps.at[t])
    plsc.subcore_barrier()

    copies = []
    for r in range(NT):
        copies.append(pltpu.async_copy(
            sh_pd.at[r, pl.ds(t * SL, SL)], red_d.at[r], sem))
        copies.append(pltpu.async_copy(
            sh_ps.at[r, pl.ds(t * SL, SL)], red_s.at[r], sem))
    for cp in copies:
        cp.wait()

    @plsc.parallel_loop(0, SL // LANES, unroll=2)
    def _(j):
        jb = j * LANES
        den = red_d[0, pl.ds(jb, LANES)]
        sm = red_s[0, pl.ds(jb, LANES)]
        for r in range(1, NT):
            den = den + red_d[r, pl.ds(jb, LANES)]
            sm = sm + red_s[r, pl.ds(jb, LANES)]
        a_sl[pl.ds(jb, LANES)] = sm / (den + 1e-16)
    pltpu.sync_copy(a_sl, out_hbm.at[c, 0, pl.ds(t * SL, SL)])


@functools.cache
def _edge_kernel():
    return functools.partial(
        pl.kernel,
        mesh=plsc.VectorSubcoreMesh(core_axis_name="c", subcore_axis_name="s"),
        out_type=jax.ShapeDtypeStruct((2, 1, NPAD), jnp.float32),
        compiler_params=pltpu.CompilerParams(needs_layout_passes=False),
        scratch_types=[
            pltpu.VMEM((NPAD,), jnp.float32),
            pltpu.VMEM((NPAD,), jnp.float32),
            pltpu.VMEM((2, ECB), jnp.int32),
            pltpu.VMEM((NPAD,), jnp.float32),
            pltpu.VMEM((NPAD,), jnp.float32),
            pltpu.VMEM((NT, SL), jnp.float32),
            pltpu.VMEM((NT, SL), jnp.float32),
            pltpu.VMEM((SL,), jnp.float32),
            pltpu.VMEM_SHARED((NT, NPAD), jnp.float32),
            pltpu.VMEM_SHARED((NT, NPAD), jnp.float32),
            pltpu.SemaphoreType.DMA,
        ],
    )(_edge_sc)


@jax.jit
def kernel(x, edge_index, rank_mapping, W1, Wp, bp, bias):
    del rank_mapping

    sd, ss, h16 = pl.pallas_call(
        _scores_tc,
        grid=(2,),
        out_shape=[
            jax.ShapeDtypeStruct((2, 1, NPAD), jnp.float32),
            jax.ShapeDtypeStruct((2, 1, NPAD), jnp.float32),
            jax.ShapeDtypeStruct((2, N, D), jnp.bfloat16),
        ],
        in_specs=[
            pl.BlockSpec((1, N, D), lambda k: (k, 0, 0)),
            pl.BlockSpec((D, D), lambda k: (0, 0)),
            pl.BlockSpec((1, 2 * D), lambda k: (0, 0)),
            pl.BlockSpec(memory_space=pltpu.SMEM),
        ],
        out_specs=[
            pl.BlockSpec((1, 1, NPAD), lambda k: (k, 0, 0)),
            pl.BlockSpec((1, 1, NPAD), lambda k: (k, 0, 0)),
            pl.BlockSpec((1, N, D), lambda k: (k, 0, 0)),
        ],
    )(x, W1, Wp, bp.reshape(1, 1))

    a = _edge_kernel()(sd, ss, edge_index)

    out = pl.pallas_call(
        _out_tc,
        grid=(2,),
        out_shape=jax.ShapeDtypeStruct((2, N, D), jnp.float32),
        in_specs=[
            pl.BlockSpec((1, N, D), lambda k: (k, 0, 0)),
            pl.BlockSpec((1, 1, NPAD), lambda k: (k, 0, 0)),
            pl.BlockSpec((1, D), lambda k: (0, 0)),
        ],
        out_specs=pl.BlockSpec((1, N, D), lambda k: (k, 0, 0)),
    )(h16, a, bias.reshape(1, D))
    return out

# --- scband reference (transcript-rebuilt; emitter-appended) ---
"""Pipeline reference for scband-comm-aware-gat-23106924053104 (READ-ONLY COPY).

The authoritative reference and input builder live on the scoring server;
editing this copy changes nothing except your own understanding.
"""

import jax, jax.numpy as jnp
import numpy as np

N = 10000
E = 320000
D = 128

def _leaky_relu(v, slope=0.2):
    return jnp.where(v >= 0, v, slope * v)

def setup_inputs(seed: int = 0) -> dict:
    key = jax.random.key(seed)
    ks = jax.random.split(key, 6)
    x = jax.random.normal(ks[0], (2, N, D), dtype=jnp.float32)
    edge_index = jax.random.randint(ks[1], (2, 2, E), 0, N, dtype=jnp.int32)
    rank_mapping = jnp.zeros((2, E), dtype=jnp.int32)
    W1 = jax.random.normal(ks[2], (D, D), dtype=jnp.float32) * 0.05
    Wp = jax.random.normal(ks[3], (1, 2 * D), dtype=jnp.float32) * 0.05
    bp = jnp.zeros((1,), dtype=jnp.float32)
    bias = jnp.zeros((D,), dtype=jnp.float32)
    return {"x": x, "edge_index": edge_index, "rank_mapping": rank_mapping,
            "W1": W1, "Wp": Wp, "bp": bp, "bias": bias}

def reference(x, edge_index, rank_mapping, W1, Wp, bp, bias):
    # h = conv1(x) : Linear without bias
    h = jnp.einsum('knc,dc->knd', x, W1)  # [2, N, D]
    src = edge_index[:, 0, :]  # [2, E]
    dst = edge_index[:, 1, :]  # [2, E]
    row = jnp.arange(2)[:, None]
    # comm.gather -> per-replica row gather (single-device semantics; rank_mapping is routing metadata only)
    h_i = jnp.take_along_axis(h, dst[:, :, None], axis=1)  # [2, E, D]
    h_j = jnp.take_along_axis(h, src[:, :, None], axis=1)  # [2, E, D]
    messages = jnp.concatenate([h_i, h_j], axis=-1)  # [2, E, 2D]
    edge_scores = _leaky_relu(jnp.einsum('ked,od->keo', messages, Wp) + bp)[..., 0]  # [2, E]
    numerator = jnp.exp(edge_scores)  # [2, E]
    # comm.scatter -> scatter-add over dst indices into [2, N]
    denominator = jnp.zeros((2, N), dtype=h.dtype).at[row, dst].add(numerator)
    # comm.gather with SRC indices (faithful to original code)
    denominator = jnp.take_along_axis(denominator, src, axis=1)  # [2, E]
    alpha_ij = numerator / (denominator + 1e-16)
    attention_messages = h_j * alpha_ij[..., None]  # [2, E, D]
    out = jnp.zeros((2, N, D), dtype=h.dtype).at[row, src].add(attention_messages)
    out = out + bias
    return out

if __name__ == "__main__":
    import jax
    _d = setup_inputs()
    print(jax.jit(kernel)(*tuple(_d.values())))

</pallas_src>

<mosaic_0001>
#map = affine_map<(d0, d1) -> (0, 0, 0)>
module attributes {stable_mosaic.version = 14 : i64} {
  func.func @_edge_sc(%arg0: i32, %arg1: i32, %arg2: memref<2x1x10240xf32, #tpu.memory_space<hbm>>, %arg3: memref<2x1x10240xf32, #tpu.memory_space<hbm>>, %arg4: memref<2x2x320000xi32, #tpu.memory_space<hbm>>, %arg5: memref<2x1x10240xf32, #tpu.memory_space<hbm>>, %arg6: memref<10240xf32, #tpu.memory_space<vmem>>, %arg7: memref<10240xf32, #tpu.memory_space<vmem>>, %arg8: memref<2x20480xi32, #tpu.memory_space<vmem>>, %arg9: memref<10240xf32, #tpu.memory_space<vmem>>, %arg10: memref<10240xf32, #tpu.memory_space<vmem>>, %arg11: memref<16x640xf32, #tpu.memory_space<vmem>>, %arg12: memref<16x640xf32, #tpu.memory_space<vmem>>, %arg13: memref<640xf32, #tpu.memory_space<vmem>>, %arg14: memref<16x10240xf32, #tpu.memory_space<vmem_shared>>, %arg15: memref<16x10240xf32, #tpu.memory_space<vmem_shared>>, %arg16: memref<!tpu.dma_semaphore, #tpu.memory_space<semaphore_mem>>) attributes {dimension_semantics = [#tpu.dimension_semantics<core_parallel>, #tpu.dimension_semantics<subcore_parallel>], iteration_bounds = array<i64: 2, 16>, scalar_prefetch = 0 : i64, scratch_operands = 11 : i64, tpu.core_type = #tpu.core_type<sc_vector_subcore>, window_params = [{transform_indices = #map}, {transform_indices = #map}, {transform_indices = #map}, {transform_indices = #map}]} {
    %dma_start3A = arith.constant 0 : i32
    %dma_start3A_0 = arith.constant 0 : i32
    %dma_start3A_1 = tpu.memref_slice %arg2[%arg0, %dma_start3A, %dma_start3A_0] : memref<2x1x10240xf32, #tpu.memory_space<hbm>> -> memref<1x1x10240xf32, #tpu.memory_space<hbm>>
    %dma_start3A_2 = tpu.memref_squeeze %dma_start3A_1 : memref<1x1x10240xf32, #tpu.memory_space<hbm>> -> memref<10240xf32, #tpu.memory_space<hbm>>
    %dma_start3A_3 = arith.constant 0 : i32
    %dma_start3A_4 = tpu.memref_slice %arg2[%arg0, %dma_start3A, %dma_start3A_3] : memref<2x1x10240xf32, #tpu.memory_space<hbm>> -> memref<1x1x10240xf32, #tpu.memory_space<hbm>>
    %dma_start3A_5 = tpu.memref_squeeze %dma_start3A_4 : memref<1x1x10240xf32, #tpu.memory_space<hbm>> -> memref<10240xf32, #tpu.memory_space<hbm>>
    tpu.enqueue_dma source(%dma_start3A_5 : memref<10240xf32, #tpu.memory_space<hbm>>) target(%arg6 : memref<10240xf32, #tpu.memory_space<vmem>>) target_semaphore(%arg16 : memref<!tpu.dma_semaphore, #tpu.memory_space<semaphore_mem>>)
    %dma_start3A_6 = arith.constant 0 : i32
    %dma_start3A_7 = arith.constant 0 : i32
    %dma_start3A_8 = tpu.memref_slice %arg3[%arg0, %dma_start3A_6, %dma_start3A_7] : memref<2x1x10240xf32, #tpu.memory_space<hbm>> -> memref<1x1x10240xf32, #tpu.memory_space<hbm>>
    %dma_start3A_9 = tpu.memref_squeeze %dma_start3A_8 : memref<1x1x10240xf32, #tpu.memory_space<hbm>> -> memref<10240xf32, #tpu.memory_space<hbm>>
    %dma_start3A_10 = arith.constant 0 : i32
    %dma_start3A_11 = tpu.memref_slice %arg3[%arg0, %dma_start3A_6, %dma_start3A_10] : memref<2x1x10240xf32, #tpu.memory_space<hbm>> -> memref<1x1x10240xf32, #tpu.memory_space<hbm>>
    %dma_start3A_12 = tpu.memref_squeeze %dma_start3A_11 : memref<1x1x10240xf32, #tpu.memory_space<hbm>> -> memref<10240xf32, #tpu.memory_space<hbm>>
    tpu.enqueue_dma source(%dma_start3A_12 : memref<10240xf32, #tpu.memory_space<hbm>>) target(%arg7 : memref<10240xf32, #tpu.memory_space<vmem>>) target_semaphore(%arg16 : memref<!tpu.dma_semaphore, #tpu.memory_space<semaphore_mem>>)
    %mul3A = arith.constant 19968 : i32
    %mul3A_13 = arith.muli %arg1, %mul3A : i32
    %dma_start3A_14 = arith.constant 0 : i32
    %dma_start3A_15 = arith.constant 0 : i32
    %dma_start3A_16 = tpu.memref_slice %arg8[%dma_start3A_14, %dma_start3A_15] : memref<2x20480xi32, #tpu.memory_space<vmem>> -> memref<2x10240xi32, #tpu.memory_space<vmem>>
    %dma_start3A_17 = arith.constant 0 : i32
    %dma_start3A_18 = tpu.memref_slice %arg4[%arg0, %dma_start3A_17, %mul3A_13] : memref<2x2x320000xi32, #tpu.memory_space<hbm>> -> memref<1x2x10240xi32, #tpu.memory_space<hbm>>
    %dma_start3A_19 = tpu.memref_squeeze %dma_start3A_18 : memref<1x2x10240xi32, #tpu.memory_space<hbm>> -> memref<2x10240xi32, #tpu.memory_space<hbm>>
    %dma_start3A_20 = arith.constant 0 : i32
    %dma_start3A_21 = arith.constant 0 : i32
    %dma_start3A_22 = tpu.memref_slice %arg8[%dma_start3A_20, %dma_start3A_21] : memref<2x20480xi32, #tpu.memory_space<vmem>> -> memref<2x10240xi32, #tpu.memory_space<vmem>>
    %dma_start3A_23 = arith.constant 0 : i32
    %dma_start3A_24 = tpu.memref_slice %arg4[%arg0, %dma_start3A_23, %mul3A_13] : memref<2x2x320000xi32, #tpu.memory_space<hbm>> -> memref<1x2x10240xi32, #tpu.memory_space<hbm>>
    %dma_start3A_25 = tpu.memref_squeeze %dma_start3A_24 : memref<1x2x10240xi32, #tpu.memory_space<hbm>> -> memref<2x10240xi32, #tpu.memory_space<hbm>>
    tpu.enqueue_dma source(%dma_start3A_25 : memref<2x10240xi32, #tpu.memory_space<hbm>>) target(%dma_start3A_22 : memref<2x10240xi32, #tpu.memory_space<vmem>>) target_semaphore(%arg16 : memref<!tpu.dma_semaphore, #tpu.memory_space<semaphore_mem>>)
    %mul3A_26 = arith.constant 19968 : i32
    %mul3A_27 = arith.muli %arg1, %mul3A_26 : i32
    %add3A = arith.constant 10240 : i32
    %add3A_28 = arith.addi %mul3A_27, %add3A : i32
    %dma_start3A_29 = arith.constant 0 : i32
    %dma_start3A_30 = arith.constant 10240 : i32
    %dma_start3A_31 = tpu.memref_slice %arg8[%dma_start3A_29, %dma_start3A_30] : memref<2x20480xi32, #tpu.memory_space<vmem>> -> memref<2x10240xi32, #tpu.memory_space<vmem>>
    %dma_start3A_32 = arith.constant 0 : i32
    %dma_start3A_33 = tpu.memref_slice %arg4[%arg0, %dma_start3A_32, %add3A_28] : memref<2x2x320000xi32, #tpu.memory_space<hbm>> -> memref<1x2x10240xi32, #tpu.memory_space<hbm>>
    %dma_start3A_34 = tpu.memref_squeeze %dma_start3A_33 : memref<1x2x10240xi32, #tpu.memory_space<hbm>> -> memref<2x10240xi32, #tpu.memory_space<hbm>>
    %dma_start3A_35 = arith.constant 0 : i32
    %dma_start3A_36 = arith.constant 10240 : i32
    %dma_start3A_37 = tpu.memref_slice %arg8[%dma_start3A_35, %dma_start3A_36] : memref<2x20480xi32, #tpu.memory_space<vmem>> -> memref<2x10240xi32, #tpu.memory_space<vmem>>
    %dma_start3A_38 = arith.constant 0 : i32
    %dma_start3A_39 = tpu.memref_slice %arg4[%arg0, %dma_start3A_38, %add3A_28] : memref<2x2x320000xi32, #tpu.memory_space<hbm>> -> memref<1x2x10240xi32, #tpu.memory_space<hbm>>
    %dma_start3A_40 = tpu.memref_squeeze %dma_start3A_39 : memref<1x2x10240xi32, #tpu.memory_space<hbm>> -> memref<2x10240xi32, #tpu.memory_space<hbm>>
    tpu.enqueue_dma source(%dma_start3A_40 : memref<2x10240xi32, #tpu.memory_space<hbm>>) target(%dma_start3A_37 : memref<2x10240xi32, #tpu.memory_space<vmem>>) target_semaphore(%arg16 : memref<!tpu.dma_semaphore, #tpu.memory_space<semaphore_mem>>)
    %broadcast_in_dim3A = arith.constant 0.000000e+00 : f32
    %broadcast_in_dim3A_41 = vector.broadcast %broadcast_in_dim3A : f32 to vector<16xf32>
    %parallel_loop3A = arith.constant 0 : i32
    %parallel_loop3A_42 = arith.constant 640 : i32
    %parallel_loop3A_43 = arith.constant 1 : i32
    scf.for %parallel_loop3A_926 = %parallel_loop3A to %parallel_loop3A_42 step %parallel_loop3A_43  : i32 {
      %parallel_loop3A_927 = arith.constant 16 : i32
      %parallel_loop3A_928 = arith.muli %parallel_loop3A_926, %parallel_loop3A_927 : i32
      %parallel_loop3A_929 = arith.index_cast %parallel_loop3A_928 : i32 to index
      %parallel_loop3A_930 = tpu.vector_load %arg9[%parallel_loop3A_929] {strides = array<i32>} : memref<10240xf32, #tpu.memory_space<vmem>>, vector<16xf32>,
      tpu.vector_store %arg9[%parallel_loop3A_929], %broadcast_in_dim3A_41 {strides = array<i32>} : memref<10240xf32, #tpu.memory_space<vmem>>, vector<16xf32>,
      %parallel_loop3A_931 = arith.constant 16 : i32
      %parallel_loop3A_932 = arith.muli %parallel_loop3A_926, %parallel_loop3A_931 : i32
      %parallel_loop3A_933 = arith.index_cast %parallel_loop3A_932 : i32 to index
      %parallel_loop3A_934 = tpu.vector_load %arg10[%parallel_loop3A_933] {strides = array<i32>} : memref<10240xf32, #tpu.memory_space<vmem>>, vector<16xf32>,
      tpu.vector_store %arg10[%parallel_loop3A_933], %broadcast_in_dim3A_41 {strides = array<i32>} : memref<10240xf32, #tpu.memory_space<vmem>>, vector<16xf32>,
    } {sc.loop_unroll_factor = 4 : i64, sc.parallel_access}
    %dma_wait3A = arith.constant 0 : i32
    %dma_wait3A_44 = arith.constant 0 : i32
    %dma_wait3A_45 = tpu.memref_slice %arg2[%arg0, %dma_wait3A, %dma_wait3A_44] : memref<2x1x10240xf32, #tpu.memory_space<hbm>> -> memref<1x1x10240xf32, #tpu.memory_space<hbm>>
    %dma_wait3A_46 = tpu.memref_squeeze %dma_wait3A_45 : memref<1x1x10240xf32, #tpu.memory_space<hbm>> -> memref<10240xf32, #tpu.memory_space<hbm>>
    %dma_wait3A_47 = arith.constant 0 : i32
    %dma_wait3A_48 = tpu.memref_slice %arg2[%arg0, %dma_wait3A, %dma_wait3A_47] : memref<2x1x10240xf32, #tpu.memory_space<hbm>> -> memref<1x1x10240xf32, #tpu.memory_space<hbm>>
    %dma_wait3A_49 = tpu.memref_squeeze %dma_wait3A_48 : memref<1x1x10240xf32, #tpu.memory_space<hbm>> -> memref<10240xf32, #tpu.memory_space<hbm>>
    tpu.wait_dma2 semaphore(%arg16 : memref<!tpu.dma_semaphore, #tpu.memory_space<semaphore_mem>>) src(%dma_wait3A_49 : memref<10240xf32, #tpu.memory_space<hbm>>) dst(%arg6 : memref<10240xf32, #tpu.memory_space<vmem>>)
    %dma_wait3A_50 = arith.constant 0 : i32
    %dma_wait3A_51 = arith.constant 0 : i32
    %dma_wait3A_52 = tpu.memref_slice %arg3[%arg0, %dma_wait3A_50, %dma_wait3A_51] : memref<2x1x10240xf32, #tpu.memory_space<hbm>> -> memref<1x1x10240xf32, #tpu.memory_space<hbm>>
    %dma_wait3A_53 = tpu.memref_squeeze %dma_wait3A_52 : memref<1x1x10240xf32, #tpu.memory_space<hbm>> -> memref<10240xf32, #tpu.memory_space<hbm>>
    %dma_wait3A_54 = arith.constant 0 : i32
    %dma_wait3A_55 = tpu.memref_slice %arg3[%arg0, %dma_wait3A_50, %dma_wait3A_54] : memref<2x1x10240xf32, #tpu.memory_space<hbm>> -> memref<1x1x10240xf32, #tpu.memory_space<hbm>>
    %dma_wait3A_56 = tpu.memref_squeeze %dma_wait3A_55 : memref<1x1x10240xf32, #tpu.memory_space<hbm>> -> memref<10240xf32, #tpu.memory_space<hbm>>
    tpu.wait_dma2 semaphore(%arg16 : memref<!tpu.dma_semaphore, #tpu.memory_space<semaphore_mem>>) src(%dma_wait3A_56 : memref<10240xf32, #tpu.memory_space<hbm>>) dst(%arg7 : memref<10240xf32, #tpu.memory_space<vmem>>)
    %dma_wait3A_57 = arith.constant 0 : i32
    %dma_wait3A_58 = arith.constant 0 : i32
    %dma_wait3A_59 = tpu.memref_slice %arg8[%dma_wait3A_57, %dma_wait3A_58] : memref<2x20480xi32, #tpu.memory_space<vmem>> -> memref<2x10240xi32, #tpu.memory_space<vmem>>
    %dma_wait3A_60 = arith.constant 0 : i32
    %dma_wait3A_61 = tpu.memref_slice %arg4[%arg0, %dma_wait3A_60, %mul3A_13] : memref<2x2x320000xi32, #tpu.memory_space<hbm>> -> memref<1x2x10240xi32, #tpu.memory_space<hbm>>
    %dma_wait3A_62 = tpu.memref_squeeze %dma_wait3A_61 : memref<1x2x10240xi32, #tpu.memory_space<hbm>> -> memref<2x10240xi32, #tpu.memory_space<hbm>>
    %dma_wait3A_63 = arith.constant 0 : i32
    %dma_wait3A_64 = arith.constant 0 : i32
    %dma_wait3A_65 = tpu.memref_slice %arg8[%dma_wait3A_63, %dma_wait3A_64] : memref<2x20480xi32, #tpu.memory_space<vmem>> -> memref<2x10240xi32, #tpu.memory_space<vmem>>
    %dma_wait3A_66 = arith.constant 0 : i32
    %dma_wait3A_67 = tpu.memref_slice %arg4[%arg0, %dma_wait3A_66, %mul3A_13] : memref<2x2x320000xi32, #tpu.memory_space<hbm>> -> memref<1x2x10240xi32, #tpu.memory_space<hbm>>
    %dma_wait3A_68 = tpu.memref_squeeze %dma_wait3A_67 : memref<1x2x10240xi32, #tpu.memory_space<hbm>> -> memref<2x10240xi32, #tpu.memory_space<hbm>>
    tpu.wait_dma2 semaphore(%arg16 : memref<!tpu.dma_semaphore, #tpu.memory_space<semaphore_mem>>) src(%dma_wait3A_68 : memref<2x10240xi32, #tpu.memory_space<hbm>>) dst(%dma_wait3A_65 : memref<2x10240xi32, #tpu.memory_space<vmem>>)
    %parallel_loop3A_69 = arith.constant 0 : i32
    %parallel_loop3A_70 = arith.constant 640 : i32
    %parallel_loop3A_71 = arith.constant 1 : i32
    scf.for %parallel_loop3A_926 = %parallel_loop3A_69 to %parallel_loop3A_70 step %parallel_loop3A_71  : i32 {
      %parallel_loop3A_927 = arith.constant 16 : i32
      %parallel_loop3A_928 = arith.muli %parallel_loop3A_926, %parallel_loop3A_927 : i32
      %parallel_loop3A_929 = arith.constant 0 : i32
      %parallel_loop3A_930 = arith.index_cast %parallel_loop3A_929 : i32 to index
      %parallel_loop3A_931 = arith.index_cast %parallel_loop3A_928 : i32 to index
      %parallel_loop3A_932 = tpu.vector_load %arg8[%parallel_loop3A_930, %parallel_loop3A_931] {strides = array<i32>} : memref<2x20480xi32, #tpu.memory_space<vmem>>, vector<16xi32>,
      %parallel_loop3A_933 = arith.constant 1 : i32
      %parallel_loop3A_934 = arith.index_cast %parallel_loop3A_933 : i32 to index
      %parallel_loop3A_935 = arith.index_cast %parallel_loop3A_928 : i32 to index
      %parallel_loop3A_936 = tpu.vector_load %arg8[%parallel_loop3A_934, %parallel_loop3A_935] {strides = array<i32>} : memref<2x20480xi32, #tpu.memory_space<vmem>>, vector<16xi32>,
      %parallel_loop3A_937 = tpu.vector_load_idx %arg6[%parallel_loop3A_936] : memref<10240xf32, #tpu.memory_space<vmem>>[vector<16xi32>], vector<16xf32>,
      %parallel_loop3A_938 = tpu.vector_load_idx %arg7[%parallel_loop3A_932] : memref<10240xf32, #tpu.memory_space<vmem>>[vector<16xi32>], vector<16xf32>,
      %parallel_loop3A_939 = arith.addf %parallel_loop3A_937, %parallel_loop3A_938 : vector<16xf32>
      %parallel_loop3A_940 = arith.constant 0.000000e+00 : f32
      %parallel_loop3A_941 = vector.broadcast %parallel_loop3A_940 : f32 to vector<16xf32>
      %parallel_loop3A_942 = arith.cmpf oge, %parallel_loop3A_939, %parallel_loop3A_941 : vector<16xf32>
      %parallel_loop3A_943 = arith.constant 2.000000e-01 : f32
      %parallel_loop3A_944 = vector.broadcast %parallel_loop3A_943 : f32 to vector<16xf32>
      %parallel_loop3A_945 = arith.mulf %parallel_loop3A_944, %parallel_loop3A_939 : vector<16xf32>
      %parallel_loop3A_946 = arith.select %parallel_loop3A_942, %parallel_loop3A_939, %parallel_loop3A_945 : vector<16xi1>, vector<16xf32>
      %parallel_loop3A_947 = math.exp %parallel_loop3A_946 : vector<16xf32>
      tpu.vector_store_idx %arg9[%parallel_loop3A_936], %parallel_loop3A_947 {add = true} : memref<10240xf32, #tpu.memory_space<vmem>>[vector<16xi32>], vector<16xf32>,
      tpu.vector_store_idx %arg10[%parallel_loop3A_932], %parallel_loop3A_947 {add = true} : memref<10240xf32, #tpu.memory_space<vmem>>[vector<16xi32>], vector<16xf32>,
    } {sc.loop_unroll_factor = 4 : i64, sc.parallel_access}
    %dma_wait3A_72 = arith.constant 0 : i32
    %dma_wait3A_73 = arith.constant 10240 : i32
    %dma_wait3A_74 = tpu.memref_slice %arg8[%dma_wait3A_72, %dma_wait3A_73] : memref<2x20480xi32, #tpu.memory_space<vmem>> -> memref<2x10240xi32, #tpu.memory_space<vmem>>
    %dma_wait3A_75 = arith.constant 0 : i32
    %dma_wait3A_76 = tpu.memref_slice %arg4[%arg0, %dma_wait3A_75, %add3A_28] : memref<2x2x320000xi32, #tpu.memory_space<hbm>> -> memref<1x2x10240xi32, #tpu.memory_space<hbm>>
    %dma_wait3A_77 = tpu.memref_squeeze %dma_wait3A_76 : memref<1x2x10240xi32, #tpu.memory_space<hbm>> -> memref<2x10240xi32, #tpu.memory_space<hbm>>
    %dma_wait3A_78 = arith.constant 0 : i32
    %dma_wait3A_79 = arith.constant 10240 : i32
    %dma_wait3A_80 = tpu.memref_slice %arg8[%dma_wait3A_78, %dma_wait3A_79] : memref<2x20480xi32, #tpu.memory_space<vmem>> -> memref<2x10240xi32, #tpu.memory_space<vmem>>
    %dma_wait3A_81 = arith.constant 0 : i32
    %dma_wait3A_82 = tpu.memref_slice %arg4[%arg0, %dma_wait3A_81, %add3A_28] : memref<2x2x320000xi32, #tpu.memory_space<hbm>> -> memref<1x2x10240xi32, #tpu.memory_space<hbm>>
    %dma_wait3A_83 = tpu.memref_squeeze %dma_wait3A_82 : memref<1x2x10240xi32, #tpu.memory_space<hbm>> -> memref<2x10240xi32, #tpu.memory_space<hbm>>
    tpu.wait_dma2 semaphore(%arg16 : memref<!tpu.dma_semaphore, #tpu.memory_space<semaphore_mem>>) src(%dma_wait3A_83 : memref<2x10240xi32, #tpu.memory_space<hbm>>) dst(%dma_wait3A_80 : memref<2x10240xi32, #tpu.memory_space<vmem>>)
    %parallel_loop3A_84 = arith.constant 640 : i32
    %parallel_loop3A_85 = arith.constant 1248 : i32
    %parallel_loop3A_86 = arith.constant 1 : i32
    scf.for %parallel_loop3A_926 = %parallel_loop3A_84 to %parallel_loop3A_85 step %parallel_loop3A_86  : i32 {
      %parallel_loop3A_927 = arith.constant 16 : i32
      %parallel_loop3A_928 = arith.muli %parallel_loop3A_926, %parallel_loop3A_927 : i32
      %parallel_loop3A_929 = arith.constant 0 : i32
      %parallel_loop3A_930 = arith.index_cast %parallel_loop3A_929 : i32 to index
      %parallel_loop3A_931 = arith.index_cast %parallel_loop3A_928 : i32 to index
      %parallel_loop3A_932 = tpu.vector_load %arg8[%parallel_loop3A_930, %parallel_loop3A_931] {strides = array<i32>} : memref<2x20480xi32, #tpu.memory_space<vmem>>, vector<16xi32>,
      %parallel_loop3A_933 = arith.constant 1 : i32
      %parallel_loop3A_934 = arith.index_cast %parallel_loop3A_933 : i32 to index
      %parallel_loop3A_935 = arith.index_cast %parallel_loop3A_928 : i32 to index
      %parallel_loop3A_936 = tpu.vector_load %arg8[%parallel_loop3A_934, %parallel_loop3A_935] {strides = array<i32>} : memref<2x20480xi32, #tpu.memory_space<vmem>>, vector<16xi32>,
      %parallel_loop3A_937 = tpu.vector_load_idx %arg6[%parallel_loop3A_936] : memref<10240xf32, #tpu.memory_space<vmem>>[vector<16xi32>], vector<16xf32>,
      %parallel_loop3A_938 = tpu.vector_load_idx %arg7[%parallel_loop3A_932] : memref<10240xf32, #tpu.memory_space<vmem>>[vector<16xi32>], vector<16xf32>,
      %parallel_loop3A_939 = arith.addf %parallel_loop3A_937, %parallel_loop3A_938 : vector<16xf32>
      %parallel_loop3A_940 = arith.constant 0.000000e+00 : f32
      %parallel_loop3A_941 = vector.broadcast %parallel_loop3A_940 : f32 to vector<16xf32>
      %parallel_loop3A_942 = arith.cmpf oge, %parallel_loop3A_939, %parallel_loop3A_941 : vector<16xf32>
      %parallel_loop3A_943 = arith.constant 2.000000e-01 : f32
      %parallel_loop3A_944 = vector.broadcast %parallel_loop3A_943 : f32 to vector<16xf32>
      %parallel_loop3A_945 = arith.mulf %parallel_loop3A_944, %parallel_loop3A_939 : vector<16xf32>
      %parallel_loop3A_946 = arith.select %parallel_loop3A_942, %parallel_loop3A_939, %parallel_loop3A_945 : vector<16xi1>, vector<16xf32>
      %parallel_loop3A_947 = math.exp %parallel_loop3A_946 : vector<16xf32>
      tpu.vector_store_idx %arg9[%parallel_loop3A_936], %parallel_loop3A_947 {add = true} : memref<10240xf32, #tpu.memory_space<vmem>>[vector<16xi32>], vector<16xf32>,
      tpu.vector_store_idx %arg10[%parallel_loop3A_932], %parallel_loop3A_947 {add = true} : memref<10240xf32, #tpu.memory_space<vmem>>[vector<16xi32>], vector<16xf32>,
    } {sc.loop_unroll_factor = 4 : i64, sc.parallel_access}
    %eq3A = arith.constant 15 : i32
    %eq3A_87 = arith.cmpi eq, %arg1, %eq3A : i32
    %convert_element_type3A = arith.extui %eq3A_87 : i1 to i32
    %cond3A = arith.constant 0 : i32
    %cond3A_88 = arith.cmpi ne, %convert_element_type3A, %cond3A : i32
    scf.if %cond3A_88 {
      %parallel_loop3A_926 = arith.constant 1248 : i32
      %parallel_loop3A_927 = arith.constant 1280 : i32
      %parallel_loop3A_928 = arith.constant 1 : i32
      scf.for %parallel_loop3A_929 = %parallel_loop3A_926 to %parallel_loop3A_927 step %parallel_loop3A_928  : i32 {
        %parallel_loop3A_930 = arith.constant 16 : i32
        %parallel_loop3A_931 = arith.muli %parallel_loop3A_929, %parallel_loop3A_930 : i32
        %parallel_loop3A_932 = arith.constant 0 : i32
        %parallel_loop3A_933 = arith.index_cast %parallel_loop3A_932 : i32 to index
        %parallel_loop3A_934 = arith.index_cast %parallel_loop3A_931 : i32 to index
        %parallel_loop3A_935 = tpu.vector_load %arg8[%parallel_loop3A_933, %parallel_loop3A_934] {strides = array<i32>} : memref<2x20480xi32, #tpu.memory_space<vmem>>, vector<16xi32>,
        %parallel_loop3A_936 = arith.constant 1 : i32
        %parallel_loop3A_937 = arith.index_cast %parallel_loop3A_936 : i32 to index
        %parallel_loop3A_938 = arith.index_cast %parallel_loop3A_931 : i32 to index
        %parallel_loop3A_939 = tpu.vector_load %arg8[%parallel_loop3A_937, %parallel_loop3A_938] {strides = array<i32>} : memref<2x20480xi32, #tpu.memory_space<vmem>>, vector<16xi32>,
        %parallel_loop3A_940 = tpu.vector_load_idx %arg6[%parallel_loop3A_939] : memref<10240xf32, #tpu.memory_space<vmem>>[vector<16xi32>], vector<16xf32>,
        %parallel_loop3A_941 = tpu.vector_load_idx %arg7[%parallel_loop3A_935] : memref<10240xf32, #tpu.memory_space<vmem>>[vector<16xi32>], vector<16xf32>,
        %parallel_loop3A_942 = arith.addf %parallel_loop3A_940, %parallel_loop3A_941 : vector<16xf32>
        %parallel_loop3A_943 = arith.constant 0.000000e+00 : f32
        %parallel_loop3A_944 = vector.broadcast %parallel_loop3A_943 : f32 to vector<16xf32>
        %parallel_loop3A_945 = arith.cmpf oge, %parallel_loop3A_942, %parallel_loop3A_944 : vector<16xf32>
        %parallel_loop3A_946 = arith.constant 2.000000e-01 : f32
        %parallel_loop3A_947 = vector.broadcast %parallel_loop3A_946 : f32 to vector<16xf32>
        %parallel_loop3A_948 = arith.mulf %parallel_loop3A_947, %parallel_loop3A_942 : vector<16xf32>
        %parallel_loop3A_949 = arith.select %parallel_loop3A_945, %parallel_loop3A_942, %parallel_loop3A_948 : vector<16xi1>, vector<16xf32>
        %parallel_loop3A_950 = math.exp %parallel_loop3A_949 : vector<16xf32>
        tpu.vector_store_idx %arg9[%parallel_loop3A_939], %parallel_loop3A_950 {add = true} : memref<10240xf32, #tpu.memory_space<vmem>>[vector<16xi32>], vector<16xf32>,
        tpu.vector_store_idx %arg10[%parallel_loop3A_935], %parallel_loop3A_950 {add = true} : memref<10240xf32, #tpu.memory_space<vmem>>[vector<16xi32>], vector<16xf32>,
      } {sc.loop_unroll_factor = 4 : i64, sc.parallel_access}
    } else {
    }
    "tpu.region"() ({
      %run_scoped3A_926 = tpu.sem_alloc : memref<!tpu.dma_semaphore, #tpu.memory_space<semaphore_mem>>
      %dma_start3A_927 = arith.constant 0 : i32
      %dma_start3A_928 = tpu.memref_slice %arg14[%arg1, %dma_start3A_927] : memref<16x10240xf32, #tpu.memory_space<vmem_shared>> -> memref<1x10240xf32, #tpu.memory_space<vmem_shared>>
      %dma_start3A_929 = tpu.memref_squeeze %dma_start3A_928 : memref<1x10240xf32, #tpu.memory_space<vmem_shared>> -> memref<10240xf32, #tpu.memory_space<vmem_shared>>
      %dma_start3A_930 = arith.constant 0 : i32
      %dma_start3A_931 = tpu.memref_slice %arg14[%arg1, %dma_start3A_930] : memref<16x10240xf32, #tpu.memory_space<vmem_shared>> -> memref<1x10240xf32, #tpu.memory_space<vmem_shared>>
      %dma_start3A_932 = tpu.memref_squeeze %dma_start3A_931 : memref<1x10240xf32, #tpu.memory_space<vmem_shared>> -> memref<10240xf32, #tpu.memory_space<vmem_shared>>
      tpu.enqueue_dma source(%arg9 : memref<10240xf32, #tpu.memory_space<vmem>>) target(%dma_start3A_932 : memref<10240xf32, #tpu.memory_space<vmem_shared>>) target_semaphore(%run_scoped3A_926 : memref<!tpu.dma_semaphore, #tpu.memory_space<semaphore_mem>>)
      %dma_wait3A_933 = arith.constant 0 : i32
      %dma_wait3A_934 = tpu.memref_slice %arg14[%arg1, %dma_wait3A_933] : memref<16x10240xf32, #tpu.memory_space<vmem_shared>> -> memref<1x10240xf32, #tpu.memory_space<vmem_shared>>
      %dma_wait3A_935 = tpu.memref_squeeze %dma_wait3A_934 : memref<1x10240xf32, #tpu.memory_space<vmem_shared>> -> memref<10240xf32, #tpu.memory_space<vmem_shared>>
      %dma_wait3A_936 = arith.constant 0 : i32
      %dma_wait3A_937 = tpu.memref_slice %arg14[%arg1, %dma_wait3A_936] : memref<16x10240xf32, #tpu.memory_space<vmem_shared>> -> memref<1x10240xf32, #tpu.memory_space<vmem_shared>>
      %dma_wait3A_938 = tpu.memref_squeeze %dma_wait3A_937 : memref<1x10240xf32, #tpu.memory_space<vmem_shared>> -> memref<10240xf32, #tpu.memory_space<vmem_shared>>
      tpu.wait_dma2 semaphore(%run_scoped3A_926 : memref<!tpu.dma_semaphore, #tpu.memory_space<semaphore_mem>>) src(%arg9 : memref<10240xf32, #tpu.memory_space<vmem>>) dst(%dma_wait3A_938 : memref<10240xf32, #tpu.memory_space<vmem_shared>>)
      tpu.yield
    }) : () -> ()
    "tpu.region"() ({
      %run_scoped3A_926 = tpu.sem_alloc : memref<!tpu.dma_semaphore, #tpu.memory_space<semaphore_mem>>
      %dma_start3A_927 = arith.constant 0 : i32
      %dma_start3A_928 = tpu.memref_slice %arg15[%arg1, %dma_start3A_927] : memref<16x10240xf32, #tpu.memory_space<vmem_shared>> -> memref<1x10240xf32, #tpu.memory_space<vmem_shared>>
      %dma_start3A_929 = tpu.memref_squeeze %dma_start3A_928 : memref<1x10240xf32, #tpu.memory_space<vmem_shared>> -> memref<10240xf32, #tpu.memory_space<vmem_shared>>
      %dma_start3A_930 = arith.constant 0 : i32
      %dma_start3A_931 = tpu.memref_slice %arg15[%arg1, %dma_start3A_930] : memref<16x10240xf32, #tpu.memory_space<vmem_shared>> -> memref<1x10240xf32, #tpu.memory_space<vmem_shared>>
      %dma_start3A_932 = tpu.memref_squeeze %dma_start3A_931 : memref<1x10240xf32, #tpu.memory_space<vmem_shared>> -> memref<10240xf32, #tpu.memory_space<vmem_shared>>
      tpu.enqueue_dma source(%arg10 : memref<10240xf32, #tpu.memory_space<vmem>>) target(%dma_start3A_932 : memref<10240xf32, #tpu.memory_space<vmem_shared>>) target_semaphore(%run_scoped3A_926 : memref<!tpu.dma_semaphore, #tpu.memory_space<semaphore_mem>>)
      %dma_wait3A_933 = arith.constant 0 : i32
      %dma_wait3A_934 = tpu.memref_slice %arg15[%arg1, %dma_wait3A_933] : memref<16x10240xf32, #tpu.memory_space<vmem_shared>> -> memref<1x10240xf32, #tpu.memory_space<vmem_shared>>
      %dma_wait3A_935 = tpu.memref_squeeze %dma_wait3A_934 : memref<1x10240xf32, #tpu.memory_space<vmem_shared>> -> memref<10240xf32, #tpu.memory_space<vmem_shared>>
      %dma_wait3A_936 = arith.constant 0 : i32
      %dma_wait3A_937 = tpu.memref_slice %arg15[%arg1, %dma_wait3A_936] : memref<16x10240xf32, #tpu.memory_space<vmem_shared>> -> memref<1x10240xf32, #tpu.memory_space<vmem_shared>>
      %dma_wait3A_938 = tpu.memref_squeeze %dma_wait3A_937 : memref<1x10240xf32, #tpu.memory_space<vmem_shared>> -> memref<10240xf32, #tpu.memory_space<vmem_shared>>
      tpu.wait_dma2 semaphore(%run_scoped3A_926 : memref<!tpu.dma_semaphore, #tpu.memory_space<semaphore_mem>>) src(%arg10 : memref<10240xf32, #tpu.memory_space<vmem>>) dst(%dma_wait3A_938 : memref<10240xf32, #tpu.memory_space<vmem_shared>>)
      tpu.yield
    }) : () -> ()
    %barrier3A = arith.constant 0 : index
    tpu.barrier barrier_id(%barrier3A)
    %mul3A_89 = arith.constant 640 : i32
    %mul3A_90 = arith.muli %arg1, %mul3A_89 : i32
    %dma_start3A_91 = arith.constant 0 : i32
    %dma_start3A_92 = arith.constant 0 : i32
    %dma_start3A_93 = arith.constant 0 : i32
    %dma_start3A_94 = tpu.memref_slice %arg11[%dma_start3A_92, %dma_start3A_93] : memref<16x640xf32, #tpu.memory_space<vmem>> -> memref<1x640xf32, #tpu.memory_space<vmem>>
    %dma_start3A_95 = tpu.memref_squeeze %dma_start3A_94 : memref<1x640xf32, #tpu.memory_space<vmem>> -> memref<640xf32, #tpu.memory_space<vmem>>
    %dma_start3A_96 = tpu.memref_slice %arg14[%dma_start3A_91, %mul3A_90] : memref<16x10240xf32, #tpu.memory_space<vmem_shared>> -> memref<1x640xf32, #tpu.memory_space<vmem_shared>>
    %dma_start3A_97 = tpu.memref_squeeze %dma_start3A_96 : memref<1x640xf32, #tpu.memory_space<vmem_shared>> -> memref<640xf32, #tpu.memory_space<vmem_shared>>
    %dma_start3A_98 = arith.constant 0 : i32
    %dma_start3A_99 = tpu.memref_slice %arg11[%dma_start3A_92, %dma_start3A_98] : memref<16x640xf32, #tpu.memory_space<vmem>> -> memref<1x640xf32, #tpu.memory_space<vmem>>
    %dma_start3A_100 = tpu.memref_squeeze %dma_start3A_99 : memref<1x640xf32, #tpu.memory_space<vmem>> -> memref<640xf32, #tpu.memory_space<vmem>>
    %dma_start3A_101 = tpu.memref_slice %arg14[%dma_start3A_91, %mul3A_90] : memref<16x10240xf32, #tpu.memory_space<vmem_shared>> -> memref<1x640xf32, #tpu.memory_space<vmem_shared>>
    %dma_start3A_102 = tpu.memref_squeeze %dma_start3A_101 : memref<1x640xf32, #tpu.memory_space<vmem_shared>> -> memref<640xf32, #tpu.memory_space<vmem_shared>>
    tpu.enqueue_dma source(%dma_start3A_102 : memref<640xf32, #tpu.memory_space<vmem_shared>>) target(%dma_start3A_100 : memref<640xf32, #tpu.memory_space<vmem>>) target_semaphore(%arg16 : memref<!tpu.dma_semaphore, #tpu.memory_space<semaphore_mem>>)
    %mul3A_103 = arith.constant 640 : i32
    %mul3A_104 = arith.muli %arg1, %mul3A_103 : i32
    %dma_start3A_105 = arith.constant 0 : i32
    %dma_start3A_106 = arith.constant 0 : i32
    %dma_start3A_107 = arith.constant 0 : i32
    %dma_start3A_108 = tpu.memref_slice %arg12[%dma_start3A_106, %dma_start3A_107] : memref<16x640xf32, #tpu.memory_space<vmem>> -> memref<1x640xf32, #tpu.memory_space<vmem>>
    %dma_start3A_109 = tpu.memref_squeeze %dma_start3A_108 : memref<1x640xf32, #tpu.memory_space<vmem>> -> memref<640xf32, #tpu.memory_space<vmem>>
    %dma_start3A_110 = tpu.memref_slice %arg15[%dma_start3A_105, %mul3A_104] : memref<16x10240xf32, #tpu.memory_space<vmem_shared>> -> memref<1x640xf32, #tpu.memory_space<vmem_shared>>
    %dma_start3A_111 = tpu.memref_squeeze %dma_start3A_110 : memref<1x640xf32, #tpu.memory_space<vmem_shared>> -> memref<640xf32, #tpu.memory_space<vmem_shared>>
    %dma_start3A_112 = arith.constant 0 : i32
    %dma_start3A_113 = tpu.memref_slice %arg12[%dma_start3A_106, %dma_start3A_112] : memref<16x640xf32, #tpu.memory_space<vmem>> -> memref<1x640xf32, #tpu.memory_space<vmem>>
    %dma_start3A_114 = tpu.memref_squeeze %dma_start3A_113 : memref<1x640xf32, #tpu.memory_space<vmem>> -> memref<640xf32, #tpu.memory_space<vmem>>
    %dma_start3A_115 = tpu.memref_slice %arg15[%dma_start3A_105, %mul3A_104] : memref<16x10240xf32, #tpu.memory_space<vmem_shared>> -> memref<1x640xf32, #tpu.memory_space<vmem_shared>>
    %dma_start3A_116 = tpu.memref_squeeze %dma_start3A_115 : memref<1x640xf32, #tpu.memory_space<vmem_shared>> -> memref<640xf32, #tpu.memory_space<vmem_shared>>
    tpu.enqueue_dma source(%dma_start3A_116 : memref<640xf32, #tpu.memory_space<vmem_shared>>) target(%dma_start3A_114 : memref<640xf32, #tpu.memory_space<vmem>>) target_semaphore(%arg16 : memref<!tpu.dma_semaphore, #tpu.memory_space<semaphore_mem>>)
    %mul3A_117 = arith.constant 640 : i32
    %mul3A_118 = arith.muli %arg1, %mul3A_117 : i32
    %dma_start3A_119 = arith.constant 1 : i32
    %dma_start3A_120 = arith.constant 1 : i32
    %dma_start3A_121 = arith.constant 0 : i32
    %dma_start3A_122 = tpu.memref_slice %arg11[%dma_start3A_120, %dma_start3A_121] : memref<16x640xf32, #tpu.memory_space<vmem>> -> memref<1x640xf32, #tpu.memory_space<vmem>>
    %dma_start3A_123 = tpu.memref_squeeze %dma_start3A_122 : memref<1x640xf32, #tpu.memory_space<vmem>> -> memref<640xf32, #tpu.memory_space<vmem>>
    %dma_start3A_124 = tpu.memref_slice %arg14[%dma_start3A_119, %mul3A_118] : memref<16x10240xf32, #tpu.memory_space<vmem_shared>> -> memref<1x640xf32, #tpu.memory_space<vmem_shared>>
    %dma_start3A_125 = tpu.memref_squeeze %dma_start3A_124 : memref<1x640xf32, #tpu.memory_space<vmem_shared>> -> memref<640xf32, #tpu.memory_space<vmem_shared>>
    %dma_start3A_126 = arith.constant 0 : i32
    %dma_start3A_127 = tpu.memref_slice %arg11[%dma_start3A_120, %dma_start3A_126] : memref<16x640xf32, #tpu.memory_space<vmem>> -> memref<1x640xf32, #tpu.memory_space<vmem>>
    %dma_start3A_128 = tpu.memref_squeeze %dma_start3A_127 : memref<1x640xf32, #tpu.memory_space<vmem>> -> memref<640xf32, #tpu.memory_space<vmem>>
    %dma_start3A_129 = tpu.memref_slice %arg14[%dma_start3A_119, %mul3A_118] : memref<16x10240xf32, #tpu.memory_space<vmem_shared>> -> memref<1x640xf32, #tpu.memory_space<vmem_shared>>
    %dma_start3A_130 = tpu.memref_squeeze %dma_start3A_129 : memref<1x640xf32, #tpu.memory_space<vmem_shared>> -> memref<640xf32, #tpu.memory_space<vmem_shared>>
    tpu.enqueue_dma source(%dma_start3A_130 : memref<640xf32, #tpu.memory_space<vmem_shared>>) target(%dma_start3A_128 : memref<640xf32, #tpu.memory_space<vmem>>) target_semaphore(%arg16 : memref<!tpu.dma_semaphore, #tpu.memory_space<semaphore_mem>>)
    %mul3A_131 = arith.constant 640 : i32
    %mul3A_132 = arith.muli %arg1, %mul3A_131 : i32
    %dma_start3A_133 = arith.constant 1 : i32
    %dma_start3A_134 = arith.constant 1 : i32
    %dma_start3A_135 = arith.constant 0 : i32
    %dma_start3A_136 = tpu.memref_slice %arg12[%dma_start3A_134, %dma_start3A_135] : memref<16x640xf32, #tpu.memory_space<vmem>> -> memref<1x640xf32, #tpu.memory_space<vmem>>
    %dma_start3A_137 = tpu.memref_squeeze %dma_start3A_136 : memref<1x640xf32, #tpu.memory_space<vmem>> -> memref<640xf32, #tpu.memory_space<vmem>>
    %dma_start3A_138 = tpu.memref_slice %arg15[%dma_start3A_133, %mul3A_132] : memref<16x10240xf32, #tpu.memory_space<vmem_shared>> -> memref<1x640xf32, #tpu.memory_space<vmem_shared>>
    %dma_start3A_139 = tpu.memref_squeeze %dma_start3A_138 : memref<1x640xf32, #tpu.memory_space<vmem_shared>> -> memref<640xf32, #tpu.memory_space<vmem_shared>>
    %dma_start3A_140 = arith.constant 0 : i32
    %dma_start3A_141 = tpu.memref_slice %arg12[%dma_start3A_134, %dma_start3A_140] : memref<16x640xf32, #tpu.memory_space<vmem>> -> memref<1x640xf32, #tpu.memory_space<vmem>>
    %dma_start3A_142 = tpu.memref_squeeze %dma_start3A_141 : memref<1x640xf32, #tpu.memory_space<vmem>> -> memref<640xf32, #tpu.memory_space<vmem>>
    %dma_start3A_143 = tpu.memref_slice %arg15[%dma_start3A_133, %mul3A_132] : memref<16x10240xf32, #tpu.memory_space<vmem_shared>> -> memref<1x640xf32, #tpu.memory_space<vmem_shared>>
    %dma_start3A_144 = tpu.memref_squeeze %dma_start3A_143 : memref<1x640xf32, #tpu.memory_space<vmem_shared>> -> memref<640xf32, #tpu.memory_space<vmem_shared>>
    tpu.enqueue_dma source(%dma_start3A_144 : memref<640xf32, #tpu.memory_space<vmem_shared>>) target(%dma_start3A_142 : memref<640xf32, #tpu.memory_space<vmem>>) target_semaphore(%arg16 : memref<!tpu.dma_semaphore, #tpu.memory_space<semaphore_mem>>)
    %mul3A_145 = arith.constant 640 : i32
    %mul3A_146 = arith.muli %arg1, %mul3A_145 : i32
    %dma_start3A_147 = arith.constant 2 : i32
    %dma_start3A_148 = arith.constant 2 : i32
    %dma_start3A_149 = arith.constant 0 : i32
    %dma_start3A_150 = tpu.memref_slice %arg11[%dma_start3A_148, %dma_start3A_149] : memref<16x640xf32, #tpu.memory_space<vmem>> -> memref<1x640xf32, #tpu.memory_space<vmem>>
    %dma_start3A_151 = tpu.memref_squeeze %dma_start3A_150 : memref<1x640xf32, #tpu.memory_space<vmem>> -> memref<640xf32, #tpu.memory_space<vmem>>
    %dma_start3A_152 = tpu.memref_slice %arg14[%dma_start3A_147, %mul3A_146] : memref<16x10240xf32, #tpu.memory_space<vmem_shared>> -> memref<1x640xf32, #tpu.memory_space<vmem_shared>>
    %dma_start3A_153 = tpu.memref_squeeze %dma_start3A_152 : memref<1x640xf32, #tpu.memory_space<vmem_shared>> -> memref<640xf32, #tpu.memory_space<vmem_shared>>
    %dma_start3A_154 = arith.constant 0 : i32
    %dma_start3A_155 = tpu.memref_slice %arg11[%dma_start3A_148, %dma_start3A_154] : memref<16x640xf32, #tpu.memory_space<vmem>> -> memref<1x640xf32, #tpu.memory_space<vmem>>
    %dma_start3A_156 = tpu.memref_squeeze %dma_start3A_155 : memref<1x640xf32, #tpu.memory_space<vmem>> -> memref<640xf32, #tpu.memory_space<vmem>>
    %dma_start3A_157 = tpu.memref_slice %arg14[%dma_start3A_147, %mul3A_146] : memref<16x10240xf32, #tpu.memory_space<vmem_shared>> -> memref<1x640xf32, #tpu.memory_space<vmem_shared>>
    %dma_start3A_158 = tpu.memref_squeeze %dma_start3A_157 : memref<1x640xf32, #tpu.memory_space<vmem_shared>> -> memref<640xf32, #tpu.memory_space<vmem_shared>>
    tpu.enqueue_dma source(%dma_start3A_158 : memref<640xf32, #tpu.memory_space<vmem_shared>>) target(%dma_start3A_156 : memref<640xf32, #tpu.memory_space<vmem>>) target_semaphore(%arg16 : memref<!tpu.dma_semaphore, #tpu.memory_space<semaphore_mem>>)
    %mul3A_159 = arith.constant 640 : i32
    %mul3A_160 = arith.muli %arg1, %mul3A_159 : i32
    %dma_start3A_161 = arith.constant 2 : i32
    %dma_start3A_162 = arith.constant 2 : i32
    %dma_start3A_163 = arith.constant 0 : i32
    %dma_start3A_164 = tpu.memref_slice %arg12[%dma_start3A_162, %dma_start3A_163] : memref<16x640xf32, #tpu.memory_space<vmem>> -> memref<1x640xf32, #tpu.memory_space<vmem>>
    %dma_start3A_165 = tpu.memref_squeeze %dma_start3A_164 : memref<1x640xf32, #tpu.memory_space<vmem>> -> memref<640xf32, #tpu.memory_space<vmem>>
    %dma_start3A_166 = tpu.memref_slice %arg15[%dma_start3A_161, %mul3A_160] : memref<16x10240xf32, #tpu.memory_space<vmem_shared>> -> memref<1x640xf32, #tpu.memory_space<vmem_shared>>
    %dma_start3A_167 = tpu.memref_squeeze %dma_start3A_166 : memref<1x640xf32, #tpu.memory_space<vmem_shared>> -> memref<640xf32, #tpu.memory_space<vmem_shared>>
    %dma_start3A_168 = arith.constant 0 : i32
    %dma_start3A_169 = tpu.memref_slice %arg12[%dma_start3A_162, %dma_start3A_168] : memref<16x640xf32, #tpu.memory_space<vmem>> -> memref<1x640xf32, #tpu.memory_space<vmem>>
    %dma_start3A_170 = tpu.memref_squeeze %dma_start3A_169 : memref<1x640xf32, #tpu.memory_space<vmem>> -> memref<640xf32, #tpu.memory_space<vmem>>
    %dma_start3A_171 = tpu.memref_slice %arg15[%dma_start3A_161, %mul3A_160] : memref<16x10240xf32, #tpu.memory_space<vmem_shared>> -> memref<1x640xf32, #tpu.memory_space<vmem_shared>>
    %dma_start3A_172 = tpu.memref_squeeze %dma_start3A_171 : memref<1x640xf32, #tpu.memory_space<vmem_shared>> -> memref<640xf32, #tpu.memory_space<vmem_shared>>
    tpu.enqueue_dma source(%dma_start3A_172 : memref<640xf32, #tpu.memory_space<vmem_shared>>) target(%dma_start3A_170 : memref<640xf32, #tpu.memory_space<vmem>>) target_semaphore(%arg16 : memref<!tpu.dma_semaphore, #tpu.memory_space<semaphore_mem>>)
    %mul3A_173 = arith.constant 640 : i32
    %mul3A_174 = arith.muli %arg1, %mul3A_173 : i32
    %dma_start3A_175 = arith.constant 3 : i32
    %dma_start3A_176 = arith.constant 3 : i32
    %dma_start3A_177 = arith.constant 0 : i32
    %dma_start3A_178 = tpu.memref_slice %arg11[%dma_start3A_176, %dma_start3A_177] : memref<16x640xf32, #tpu.memory_space<vmem>> -> memref<1x640xf32, #tpu.memory_space<vmem>>
    %dma_start3A_179 = tpu.memref_squeeze %dma_start3A_178 : memref<1x640xf32, #tpu.memory_space<vmem>> -> memref<640xf32, #tpu.memory_space<vmem>>
    %dma_start3A_180 = tpu.memref_slice %arg14[%dma_start3A_175, %mul3A_174] : memref<16x10240xf32, #tpu.memory_space<vmem_shared>> -> memref<1x640xf32, #tpu.memory_space<vmem_shared>>
    %dma_start3A_181 = tpu.memref_squeeze %dma_start3A_180 : memref<1x640xf32, #tpu.memory_space<vmem_shared>> -> memref<640xf32, #tpu.memory_space<vmem_shared>>
    %dma_start3A_182 = arith.constant 0 : i32
    %dma_start3A_183 = tpu.memref_slice %arg11[%dma_start3A_176, %dma_start3A_182] : memref<16x640xf32, #tpu.memory_space<vmem>> -> memref<1x640xf32, #tpu.memory_space<vmem>>
    %dma_start3A_184 = tpu.memref_squeeze %dma_start3A_183 : memref<1x640xf32, #tpu.memory_space<vmem>> -> memref<640xf32, #tpu.memory_space<vmem>>
    %dma_start3A_185 = tpu.memref_slice %arg14[%dma_start3A_175, %mul3A_174] : memref<16x10240xf32, #tpu.memory_space<vmem_shared>> -> memref<1x640xf32, #tpu.memory_space<vmem_shared>>
    %dma_start3A_186 = tpu.memref_squeeze %dma_start3A_185 : memref<1x640xf32, #tpu.memory_space<vmem_shared>> -> memref<640xf32, #tpu.memory_space<vmem_shared>>
    tpu.enqueue_dma source(%dma_start3A_186 : memref<640xf32, #tpu.memory_space<vmem_shared>>) target(%dma_start3A_184 : memref<640xf32, #tpu.memory_space<vmem>>) target_semaphore(%arg16 : memref<!tpu.dma_semaphore, #tpu.memory_space<semaphore_mem>>)
    %mul3A_187 = arith.constant 640 : i32
    %mul3A_188 = arith.muli %arg1, %mul3A_187 : i32
    %dma_start3A_189 = arith.constant 3 : i32
    %dma_start3A_190 = arith.constant 3 : i32
    %dma_start3A_191 = arith.constant 0 : i32
    %dma_start3A_192 = tpu.memref_slice %arg12[%dma_start3A_190, %dma_start3A_191] : memref<16x640xf32, #tpu.memory_space<vmem>> -> memref<1x640xf32, #tpu.memory_space<vmem>>
    %dma_start3A_193 = tpu.memref_squeeze %dma_start3A_192 : memref<1x640xf32, #tpu.memory_space<vmem>> -> memref<640xf32, #tpu.memory_space<vmem>>
    %dma_start3A_194 = tpu.memref_slice %arg15[%dma_start3A_189, %mul3A_188] : memref<16x10240xf32, #tpu.memory_space<vmem_shared>> -> memref<1x640xf32, #tpu.memory_space<vmem_shared>>
    %dma_start3A_195 = tpu.memref_squeeze %dma_start3A_194 : memref<1x640xf32, #tpu.memory_space<vmem_shared>> -> memref<640xf32, #tpu.memory_space<vmem_shared>>
    %dma_start3A_196 = arith.constant 0 : i32
    %dma_start3A_197 = tpu.memref_slice %arg12[%dma_start3A_190, %dma_start3A_196] : memref<16x640xf32, #tpu.memory_space<vmem>> -> memref<1x640xf32, #tpu.memory_space<vmem>>
    %dma_start3A_198 = tpu.memref_squeeze %dma_start3A_197 : memref<1x640xf32, #tpu.memory_space<vmem>> -> memref<640xf32, #tpu.memory_space<vmem>>
    %dma_start3A_199 = tpu.memref_slice %arg15[%dma_start3A_189, %mul3A_188] : memref<16x10240xf32, #tpu.memory_space<vmem_shared>> -> memref<1x640xf32, #tpu.memory_space<vmem_shared>>
    %dma_start3A_200 = tpu.memref_squeeze %dma_start3A_199 : memref<1x640xf32, #tpu.memory_space<vmem_shared>> -> memref<640xf32, #tpu.memory_space<vmem_shared>>
    tpu.enqueue_dma source(%dma_start3A_200 : memref<640xf32, #tpu.memory_space<vmem_shared>>) target(%dma_start3A_198 : memref<640xf32, #tpu.memory_space<vmem>>) target_semaphore(%arg16 : memref<!tpu.dma_semaphore, #tpu.memory_space<semaphore_mem>>)
    %mul3A_201 = arith.constant 640 : i32
    %mul3A_202 = arith.muli %arg1, %mul3A_201 : i32
    %dma_start3A_203 = arith.constant 4 : i32
    %dma_start3A_204 = arith.constant 4 : i32
    %dma_start3A_205 = arith.constant 0 : i32
    %dma_start3A_206 = tpu.memref_slice %arg11[%dma_start3A_204, %dma_start3A_205] : memref<16x640xf32, #tpu.memory_space<vmem>> -> memref<1x640xf32, #tpu.memory_space<vmem>>
    %dma_start3A_207 = tpu.memref_squeeze %dma_start3A_206 : memref<1x640xf32, #tpu.memory_space<vmem>> -> memref<640xf32, #tpu.memory_space<vmem>>
    %dma_start3A_208 = tpu.memref_slice %arg14[%dma_start3A_203, %mul3A_202] : memref<16x10240xf32, #tpu.memory_space<vmem_shared>> -> memref<1x640xf32, #tpu.memory_space<vmem_shared>>
    %dma_start3A_209 = tpu.memref_squeeze %dma_start3A_208 : memref<1x640xf32, #tpu.memory_space<vmem_shared>> -> memref<640xf32, #tpu.memory_space<vmem_shared>>
    %dma_start3A_210 = arith.constant 0 : i32
    %dma_start3A_211 = tpu.memref_slice %arg11[%dma_start3A_204, %dma_start3A_210] : memref<16x640xf32, #tpu.memory_space<vmem>> -> memref<1x640xf32, #tpu.memory_space<vmem>>
    %dma_start3A_212 = tpu.memref_squeeze %dma_start3A_211 : memref<1x640xf32, #tpu.memory_space<vmem>> -> memref<640xf32, #tpu.memory_space<vmem>>
    %dma_start3A_213 = tpu.memref_slice %arg14[%dma_start3A_203, %mul3A_202] : memref<16x10240xf32, #tpu.memory_space<vmem_shared>> -> memref<1x640xf32, #tpu.memory_space<vmem_shared>>
    %dma_start3A_214 = tpu.memref_squeeze %dma_start3A_213 : memref<1x640xf32, #tpu.memory_space<vmem_shared>> -> memref<640xf32, #tpu.memory_space<vmem_shared>>
    tpu.enqueue_dma source(%dma_start3A_214 : memref<640xf32, #tpu.memory_space<vmem_shared>>) target(%dma_start3A_212 : memref<640xf32, #tpu.memory_space<vmem>>) target_semaphore(%arg16 : memref<!tpu.dma_semaphore, #tpu.memory_space<semaphore_mem>>)
    %mul3A_215 = arith.constant 640 : i32
    %mul3A_216 = arith.muli %arg1, %mul3A_215 : i32
    %dma_start3A_217 = arith.constant 4 : i32
    %dma_start3A_218 = arith.constant 4 : i32
    %dma_start3A_219 = arith.constant 0 : i32
    %dma_start3A_220 = tpu.memref_slice %arg12[%dma_start3A_218, %dma_start3A_219] : memref<16x640xf32, #tpu.memory_space<vmem>> -> memref<1x640xf32, #tpu.memory_space<vmem>>
    %dma_start3A_221 = tpu.memref_squeeze %dma_start3A_220 : memref<1x640xf32, #tpu.memory_space<vmem>> -> memref<640xf32, #tpu.memory_space<vmem>>
    %dma_start3A_222 = tpu.memref_slice %arg15[%dma_start3A_217, %mul3A_216] : memref<16x10240xf32, #tpu.memory_space<vmem_shared>> -> memref<1x640xf32, #tpu.memory_space<vmem_shared>>
    %dma_start3A_223 = tpu.memref_squeeze %dma_start3A_222 : memref<1x640xf32, #tpu.memory_space<vmem_shared>> -> memref<640xf32, #tpu.memory_space<vmem_shared>>
    %dma_start3A_224 = arith.constant 0 : i32
    %dma_start3A_225 = tpu.memref_slice %arg12[%dma_start3A_218, %dma_start3A_224] : memref<16x640xf32, #tpu.memory_space<vmem>> -> memref<1x640xf32, #tpu.memory_space<vmem>>
    %dma_start3A_226 = tpu.memref_squeeze %dma_start3A_225 : memref<1x640xf32, #tpu.memory_space<vmem>> -> memref<640xf32, #tpu.memory_space<vmem>>
    %dma_start3A_227 = tpu.memref_slice %arg15[%dma_start3A_217, %mul3A_216] : memref<16x10240xf32, #tpu.memory_space<vmem_shared>> -> memref<1x640xf32, #tpu.memory_space<vmem_shared>>
    %dma_start3A_228 = tpu.memref_squeeze %dma_start3A_227 : memref<1x640xf32, #tpu.memory_space<vmem_shared>> -> memref<640xf32, #tpu.memory_space<vmem_shared>>
    tpu.enqueue_dma source(%dma_start3A_228 : memref<640xf32, #tpu.memory_space<vmem_shared>>) target(%dma_start3A_226 : memref<640xf32, #tpu.memory_space<vmem>>) target_semaphore(%arg16 : memref<!tpu.dma_semaphore, #tpu.memory_space<semaphore_mem>>)
    %mul3A_229 = arith.constant 640 : i32
    %mul3A_230 = arith.muli %arg1, %mul3A_229 : i32
    %dma_start3A_231 = arith.constant 5 : i32
    %dma_start3A_232 = arith.constant 5 : i32
    %dma_start3A_233 = arith.constant 0 : i32
    %dma_start3A_234 = tpu.memref_slice %arg11[%dma_start3A_232, %dma_start3A_233] : memref<16x640xf32, #tpu.memory_space<vmem>> -> memref<1x640xf32, #tpu.memory_space<vmem>>
    %dma_start3A_235 = tpu.memref_squeeze %dma_start3A_234 : memref<1x640xf32, #tpu.memory_space<vmem>> -> memref<640xf32, #tpu.memory_space<vmem>>
    %dma_start3A_236 = tpu.memref_slice %arg14[%dma_start3A_231, %mul3A_230] : memref<16x10240xf32, #tpu.memory_space<vmem_shared>> -> memref<1x640xf32, #tpu.memory_space<vmem_shared>>
    %dma_start3A_237 = tpu.memref_squeeze %dma_start3A_236 : memref<1x640xf32, #tpu.memory_space<vmem_shared>> -> memref<640xf32, #tpu.memory_space<vmem_shared>>
    %dma_start3A_238 = arith.constant 0 : i32
    %dma_start3A_239 = tpu.memref_slice %arg11[%dma_start3A_232, %dma_start3A_238] : memref<16x640xf32, #tpu.memory_space<vmem>> -> memref<1x640xf32, #tpu.memory_space<vmem>>
    %dma_start3A_240 = tpu.memref_squeeze %dma_start3A_239 : memref<1x640xf32, #tpu.memory_space<vmem>> -> memref<640xf32, #tpu.memory_space<vmem>>
    %dma_start3A_241 = tpu.memref_slice %arg14[%dma_start3A_231, %mul3A_230] : memref<16x10240xf32, #tpu.memory_space<vmem_shared>> -> memref<1x640xf32, #tpu.memory_space<vmem_shared>>
    %dma_start3A_242 = tpu.memref_squeeze %dma_start3A_241 : memref<1x640xf32, #tpu.memory_space<vmem_shared>> -> memref<640xf32, #tpu.memory_space<vmem_shared>>
    tpu.enqueue_dma source(%dma_start3A_242 : memref<640xf32, #tpu.memory_space<vmem_shared>>) target(%dma_start3A_240 : memref<640xf32, #tpu.memory_space<vmem>>) target_semaphore(%arg16 : memref<!tpu.dma_semaphore, #tpu.memory_space<semaphore_mem>>)
    %mul3A_243 = arith.constant 640 : i32
    %mul3A_244 = arith.muli %arg1, %mul3A_243 : i32
    %dma_start3A_245 = arith.constant 5 : i32
    %dma_start3A_246 = arith.constant 5 : i32
    %dma_start3A_247 = arith.constant 0 : i32
    %dma_start3A_248 = tpu.memref_slice %arg12[%dma_start3A_246, %dma_start3A_247] : memref<16x640xf32, #tpu.memory_space<vmem>> -> memref<1x640xf32, #tpu.memory_space<vmem>>
    %dma_start3A_249 = tpu.memref_squeeze %dma_start3A_248 : memref<1x640xf32, #tpu.memory_space<vmem>> -> memref<640xf32, #tpu.memory_space<vmem>>
    %dma_start3A_250 = tpu.memref_slice %arg15[%dma_start3A_245, %mul3A_244] : memref<16x10240xf32, #tpu.memory_space<vmem_shared>> -> memref<1x640xf32, #tpu.memory_space<vmem_shared>>
    %dma_start3A_251 = tpu.memref_squeeze %dma_start3A_250 : memref<1x640xf32, #tpu.memory_space<vmem_shared>> -> memref<640xf32, #tpu.memory_space<vmem_shared>>
    %dma_start3A_252 = arith.constant 0 : i32
    %dma_start3A_253 = tpu.memref_slice %arg12[%dma_start3A_246, %dma_start3A_252] : memref<16x640xf32, #tpu.memory_space<vmem>> -> memref<1x640xf32, #tpu.memory_space<vmem>>
    %dma_start3A_254 = tpu.memref_squeeze %dma_start3A_253 : memref<1x640xf32, #tpu.memory_space<vmem>> -> memref<640xf32, #tpu.memory_space<vmem>>
    %dma_start3A_255 = tpu.memref_slice %arg15[%dma_start3A_245, %mul3A_244] : memref<16x10240xf32, #tpu.memory_space<vmem_shared>> -> memref<1x640xf32, #tpu.memory_space<vmem_shared>>
    %dma_start3A_256 = tpu.memref_squeeze %dma_start3A_255 : memref<1x640xf32, #tpu.memory_space<vmem_shared>> -> memref<640xf32, #tpu.memory_space<vmem_shared>>
    tpu.enqueue_dma source(%dma_start3A_256 : memref<640xf32, #tpu.memory_space<vmem_shared>>) target(%dma_start3A_254 : memref<640xf32, #tpu.memory_space<vmem>>) target_semaphore(%arg16 : memref<!tpu.dma_semaphore, #tpu.memory_space<semaphore_mem>>)
    %mul3A_257 = arith.constant 640 : i32
    %mul3A_258 = arith.muli %arg1, %mul3A_257 : i32
    %dma_start3A_259 = arith.constant 6 : i32
    %dma_start3A_260 = arith.constant 6 : i32
    %dma_start3A_261 = arith.constant 0 : i32
    %dma_start3A_262 = tpu.memref_slice %arg11[%dma_start3A_260, %dma_start3A_261] : memref<16x640xf32, #tpu.memory_space<vmem>> -> memref<1x640xf32, #tpu.memory_space<vmem>>
    %dma_start3A_263 = tpu.memref_squeeze %dma_start3A_262 : memref<1x640xf32, #tpu.memory_space<vmem>> -> memref<640xf32, #tpu.memory_space<vmem>>
    %dma_start3A_264 = tpu.memref_slice %arg14[%dma_start3A_259, %mul3A_258] : memref<16x10240xf32, #tpu.memory_space<vmem_shared>> -> memref<1x640xf32, #tpu.memory_space<vmem_shared>>
    %dma_start3A_265 = tpu.memref_squeeze %dma_start3A_264 : memref<1x640xf32, #tpu.memory_space<vmem_shared>> -> memref<640xf32, #tpu.memory_space<vmem_shared>>
    %dma_start3A_266 = arith.constant 0 : i32
    %dma_start3A_267 = tpu.memref_slice %arg11[%dma_start3A_260, %dma_start3A_266] : memref<16x640xf32, #tpu.memory_space<vmem>> -> memref<1x640xf32, #tpu.memory_space<vmem>>
    %dma_start3A_268 = tpu.memref_squeeze %dma_start3A_267 : memref<1x640xf32, #tpu.memory_space<vmem>> -> memref<640xf32, #tpu.memory_space<vmem>>
    %dma_start3A_269 = tpu.memref_slice %arg14[%dma_start3A_259, %mul3A_258] : memref<16x10240xf32, #tpu.memory_space<vmem_shared>> -> memref<1x640xf32, #tpu.memory_space<vmem_shared>>
    %dma_start3A_270 = tpu.memref_squeeze %dma_start3A_269 : memref<1x640xf32, #tpu.memory_space<vmem_shared>> -> memref<640xf32, #tpu.memory_space<vmem_shared>>
    tpu.enqueue_dma source(%dma_start3A_270 : memref<640xf32, #tpu.memory_space<vmem_shared>>) target(%dma_start3A_268 : memref<640xf32, #tpu.memory_space<vmem>>) target_semaphore(%arg16 : memref<!tpu.dma_semaphore, #tpu.memory_space<semaphore_mem>>)
    %mul3A_271 = arith.constant 640 : i32
    %mul3A_272 = arith.muli %arg1, %mul3A_271 : i32
    %dma_start3A_273 = arith.constant 6 : i32
    %dma_start3A_274 = arith.constant 6 : i32
    %dma_start3A_275 = arith.constant 0 : i32
    %dma_start3A_276 = tpu.memref_slice %arg12[%dma_start3A_274, %dma_start3A_275] : memref<16x640xf32, #tpu.memory_space<vmem>> -> memref<1x640xf32, #tpu.memory_space<vmem>>
    %dma_start3A_277 = tpu.memref_squeeze %dma_start3A_276 : memref<1x640xf32, #tpu.memory_space<vmem>> -> memref<640xf32, #tpu.memory_space<vmem>>
    %dma_start3A_278 = tpu.memref_slice %arg15[%dma_start3A_273, %mul3A_272] : memref<16x10240xf32, #tpu.memory_space<vmem_shared>> -> memref<1x640xf32, #tpu.memory_space<vmem_shared>>
    %dma_start3A_279 = tpu.memref_squeeze %dma_start3A_278 : memref<1x640xf32, #tpu.memory_space<vmem_shared>> -> memref<640xf32, #tpu.memory_space<vmem_shared>>
    %dma_start3A_280 = arith.constant 0 : i32
    %dma_start3A_281 = tpu.memref_slice %arg12[%dma_start3A_274, %dma_start3A_280] : memref<16x640xf32, #tpu.memory_space<vmem>> -> memref<1x640xf32, #tpu.memory_space<vmem>>
    %dma_start3A_282 = tpu.memref_squeeze %dma_start3A_281 : memref<1x640xf32, #tpu.memory_space<vmem>> -> memref<640xf32, #tpu.memory_space<vmem>>
    %dma_start3A_283 = tpu.memref_slice %arg15[%dma_start3A_273, %mul3A_272] : memref<16x10240xf32, #tpu.memory_space<vmem_shared>> -> memref<1x640xf32, #tpu.memory_space<vmem_shared>>
    %dma_start3A_284 = tpu.memref_squeeze %dma_start3A_283 : memref<1x640xf32, #tpu.memory_space<vmem_shared>> -> memref<640xf32, #tpu.memory_space<vmem_shared>>
    tpu.enqueue_dma source(%dma_start3A_284 : memref<640xf32, #tpu.memory_space<vmem_shared>>) target(%dma_start3A_282 : memref<640xf32, #tpu.memory_space<vmem>>) target_semaphore(%arg16 : memref<!tpu.dma_semaphore, #tpu.memory_space<semaphore_mem>>)
    %mul3A_285 = arith.constant 640 : i32
    %mul3A_286 = arith.muli %arg1, %mul3A_285 : i32
    %dma_start3A_287 = arith.constant 7 : i32
    %dma_start3A_288 = arith.constant 7 : i32
    %dma_start3A_289 = arith.constant 0 : i32
    %dma_start3A_290 = tpu.memref_slice %arg11[%dma_start3A_288, %dma_start3A_289] : memref<16x640xf32, #tpu.memory_space<vmem>> -> memref<1x640xf32, #tpu.memory_space<vmem>>
    %dma_start3A_291 = tpu.memref_squeeze %dma_start3A_290 : memref<1x640xf32, #tpu.memory_space<vmem>> -> memref<640xf32, #tpu.memory_space<vmem>>
    %dma_start3A_292 = tpu.memref_slice %arg14[%dma_start3A_287, %mul3A_286] : memref<16x10240xf32, #tpu.memory_space<vmem_shared>> -> memref<1x640xf32, #tpu.memory_space<vmem_shared>>
    %dma_start3A_293 = tpu.memref_squeeze %dma_start3A_292 : memref<1x640xf32, #tpu.memory_space<vmem_shared>> -> memref<640xf32, #tpu.memory_space<vmem_shared>>
    %dma_start3A_294 = arith.constant 0 : i32
    %dma_start3A_295 = tpu.memref_slice %arg11[%dma_start3A_288, %dma_start3A_294] : memref<16x640xf32, #tpu.memory_space<vmem>> -> memref<1x640xf32, #tpu.memory_space<vmem>>
    %dma_start3A_296 = tpu.memref_squeeze %dma_start3A_295 : memref<1x640xf32, #tpu.memory_space<vmem>> -> memref<640xf32, #tpu.memory_space<vmem>>
    %dma_start3A_297 = tpu.memref_slice %arg14[%dma_start3A_287, %mul3A_286] : memref<16x10240xf32, #tpu.memory_space<vmem_shared>> -> memref<1x640xf32, #tpu.memory_space<vmem_shared>>
    %dma_start3A_298 = tpu.memref_squeeze %dma_start3A_297 : memref<1x640xf32, #tpu.memory_space<vmem_shared>> -> memref<640xf32, #tpu.memory_space<vmem_shared>>
    tpu.enqueue_dma source(%dma_start3A_298 : memref<640xf32, #tpu.memory_space<vmem_shared>>) target(%dma_start3A_296 : memref<640xf32, #tpu.memory_space<vmem>>) target_semaphore(%arg16 : memref<!tpu.dma_semaphore, #tpu.memory_space<semaphore_mem>>)
    %mul3A_299 = arith.constant 640 : i32
    %mul3A_300 = arith.muli %arg1, %mul3A_299 : i32
    %dma_start3A_301 = arith.constant 7 : i32
    %dma_start3A_302 = arith.constant 7 : i32
    %dma_start3A_303 = arith.constant 0 : i32
    %dma_start3A_304 = tpu.memref_slice %arg12[%dma_start3A_302, %dma_start3A_303] : memref<16x640xf32, #tpu.memory_space<vmem>> -> memref<1x640xf32, #tpu.memory_space<vmem>>
    %dma_start3A_305 = tpu.memref_squeeze %dma_start3A_304 : memref<1x640xf32, #tpu.memory_space<vmem>> -> memref<640xf32, #tpu.memory_space<vmem>>
    %dma_start3A_306 = tpu.memref_slice %arg15[%dma_start3A_301, %mul3A_300] : memref<16x10240xf32, #tpu.memory_space<vmem_shared>> -> memref<1x640xf32, #tpu.memory_space<vmem_shared>>
    %dma_start3A_307 = tpu.memref_squeeze %dma_start3A_306 : memref<1x640xf32, #tpu.memory_space<vmem_shared>> -> memref<640xf32, #tpu.memory_space<vmem_shared>>
    %dma_start3A_308 = arith.constant 0 : i32
    %dma_start3A_309 = tpu.memref_slice %arg12[%dma_start3A_302, %dma_start3A_308] : memref<16x640xf32, #tpu.memory_space<vmem>> -> memref<1x640xf32, #tpu.memory_space<vmem>>
    %dma_start3A_310 = tpu.memref_squeeze %dma_start3A_309 : memref<1x640xf32, #tpu.memory_space<vmem>> -> memref<640xf32, #tpu.memory_space<vmem>>
    %dma_start3A_311 = tpu.memref_slice %arg15[%dma_start3A_301, %mul3A_300] : memref<16x10240xf32, #tpu.memory_space<vmem_shared>> -> memref<1x640xf32, #tpu.memory_space<vmem_shared>>
    %dma_start3A_312 = tpu.memref_squeeze %dma_start3A_311 : memref<1x640xf32, #tpu.memory_space<vmem_shared>> -> memref<640xf32, #tpu.memory_space<vmem_shared>>
    tpu.enqueue_dma source(%dma_start3A_312 : memref<640xf32, #tpu.memory_space<vmem_shared>>) target(%dma_start3A_310 : memref<640xf32, #tpu.memory_space<vmem>>) target_semaphore(%arg16 : memref<!tpu.dma_semaphore, #tpu.memory_space<semaphore_mem>>)
    %mul3A_313 = arith.constant 640 : i32
    %mul3A_314 = arith.muli %arg1, %mul3A_313 : i32
    %dma_start3A_315 = arith.constant 8 : i32
    %dma_start3A_316 = arith.constant 8 : i32
    %dma_start3A_317 = arith.constant 0 : i32
    %dma_start3A_318 = tpu.memref_slice %arg11[%dma_start3A_316, %dma_start3A_317] : memref<16x640xf32, #tpu.memory_space<vmem>> -> memref<1x640xf32, #tpu.memory_space<vmem>>
    %dma_start3A_319 = tpu.memref_squeeze %dma_start3A_318 : memref<1x640xf32, #tpu.memory_space<vmem>> -> memref<640xf32, #tpu.memory_space<vmem>>
    %dma_start3A_320 = tpu.memref_slice %arg14[%dma_start3A_315, %mul3A_314] : memref<16x10240xf32, #tpu.memory_space<vmem_shared>> -> memref<1x640xf32, #tpu.memory_space<vmem_shared>>
    %dma_start3A_321 = tpu.memref_squeeze %dma_start3A_320 : memref<1x640xf32, #tpu.memory_space<vmem_shared>> -> memref<640xf32, #tpu.memory_space<vmem_shared>>
    %dma_start3A_322 = arith.constant 0 : i32
    %dma_start3A_323 = tpu.memref_slice %arg11[%dma_start3A_316, %dma_start3A_322] : memref<16x640xf32, #tpu.memory_space<vmem>> -> memref<1x640xf32, #tpu.memory_space<vmem>>
    %dma_start3A_324 = tpu.memref_squeeze %dma_start3A_323 : memref<1x640xf32, #tpu.memory_space<vmem>> -> memref<640xf32, #tpu.memory_space<vmem>>
    %dma_start3A_325 = tpu.memref_slice %arg14[%dma_start3A_315, %mul3A_314] : memref<16x10240xf32, #tpu.memory_space<vmem_shared>> -> memref<1x640xf32, #tpu.memory_space<vmem_shared>>
    %dma_start3A_326 = tpu.memref_squeeze %dma_start3A_325 : memref<1x640xf32, #tpu.memory_space<vmem_shared>> -> memref<640xf32, #tpu.memory_space<vmem_shared>>
    tpu.enqueue_dma source(%dma_start3A_326 : memref<640xf32, #tpu.memory_space<vmem_shared>>) target(%dma_start3A_324 : memref<640xf32, #tpu.memory_space<vmem>>) target_semaphore(%arg16 : memref<!tpu.dma_semaphore, #tpu.memory_space<semaphore_mem>>)
    %mul3A_327 = arith.constant 640 : i32
    %mul3A_328 = arith.muli %arg1, %mul3A_327 : i32
    %dma_start3A_329 = arith.constant 8 : i32
    %dma_start3A_330 = arith.constant 8 : i32
    %dma_start3A_331 = arith.constant 0 : i32
    %dma_start3A_332 = tpu.memref_slice %arg12[%dma_start3A_330, %dma_start3A_331] : memref<16x640xf32, #tpu.memory_space<vmem>> -> memref<1x640xf32, #tpu.memory_space<vmem>>
    %dma_start3A_333 = tpu.memref_squeeze %dma_start3A_332 : memref<1x640xf32, #tpu.memory_space<vmem>> -> memref<640xf32, #tpu.memory_space<vmem>>
    %dma_start3A_334 = tpu.memref_slice %arg15[%dma_start3A_329, %mul3A_328] : memref<16x10240xf32, #tpu.memory_space<vmem_shared>> -> memref<1x640xf32, #tpu.memory_space<vmem_shared>>
    %dma_start3A_335 = tpu.memref_squeeze %dma_start3A_334 : memref<1x640xf32, #tpu.memory_space<vmem_shared>> -> memref<640xf32, #tpu.memory_space<vmem_shared>>
    %dma_start3A_336 = arith.constant 0 : i32
    %dma_start3A_337 = tpu.memref_slice %arg12[%dma_start3A_330, %dma_start3A_336] : memref<16x640xf32, #tpu.memory_space<vmem>> -> memref<1x640xf32, #tpu.memory_space<vmem>>
    %dma_start3A_338 = tpu.memref_squeeze %dma_start3A_337 : memref<1x640xf32, #tpu.memory_space<vmem>> -> memref<640xf32, #tpu.memory_space<vmem>>
    %dma_start3A_339 = tpu.memref_slice %arg15[%dma_start3A_329, %mul3A_328] : memref<16x10240xf32, #tpu.memory_space<vmem_shared>> -> memref<1x640xf32, #tpu.memory_space<vmem_shared>>
    %dma_start3A_340 = tpu.memref_squeeze %dma_start3A_339 : memref<1x640xf32, #tpu.memory_space<vmem_shared>> -> memref<640xf32, #tpu.memory_space<vmem_shared>>
    tpu.enqueue_dma source(%dma_start3A_340 : memref<640xf32, #tpu.memory_space<vmem_shared>>) target(%dma_start3A_338 : memref<640xf32, #tpu.memory_space<vmem>>) target_semaphore(%arg16 : memref<!tpu.dma_semaphore, #tpu.memory_space<semaphore_mem>>)
    %mul3A_341 = arith.constant 640 : i32
    %mul3A_342 = arith.muli %arg1, %mul3A_341 : i32
    %dma_start3A_343 = arith.constant 9 : i32
    %dma_start3A_344 = arith.constant 9 : i32
    %dma_start3A_345 = arith.constant 0 : i32
    %dma_start3A_346 = tpu.memref_slice %arg11[%dma_start3A_344, %dma_start3A_345] : memref<16x640xf32, #tpu.memory_space<vmem>> -> memref<1x640xf32, #tpu.memory_space<vmem>>
    %dma_start3A_347 = tpu.memref_squeeze %dma_start3A_346 : memref<1x640xf32, #tpu.memory_space<vmem>> -> memref<640xf32, #tpu.memory_space<vmem>>
    %dma_start3A_348 = tpu.memref_slice %arg14[%dma_start3A_343, %mul3A_342] : memref<16x10240xf32, #tpu.memory_space<vmem_shared>> -> memref<1x640xf32, #tpu.memory_space<vmem_shared>>
    %dma_start3A_349 = tpu.memref_squeeze %dma_start3A_348 : memref<1x640xf32, #tpu.memory_space<vmem_shared>> -> memref<640xf32, #tpu.memory_space<vmem_shared>>
    %dma_start3A_350 = arith.constant 0 : i32
    %dma_start3A_351 = tpu.memref_slice %arg11[%dma_start3A_344, %dma_start3A_350] : memref<16x640xf32, #tpu.memory_space<vmem>> -> memref<1x640xf32, #tpu.memory_space<vmem>>
    %dma_start3A_352 = tpu.memref_squeeze %dma_start3A_351 : memref<1x640xf32, #tpu.memory_space<vmem>> -> memref<640xf32, #tpu.memory_space<vmem>>
    %dma_start3A_353 = tpu.memref_slice %arg14[%dma_start3A_343, %mul3A_342] : memref<16x10240xf32, #tpu.memory_space<vmem_shared>> -> memref<1x640xf32, #tpu.memory_space<vmem_shared>>
    %dma_start3A_354 = tpu.memref_squeeze %dma_start3A_353 : memref<1x640xf32, #tpu.memory_space<vmem_shared>> -> memref<640xf32, #tpu.memory_space<vmem_shared>>
    tpu.enqueue_dma source(%dma_start3A_354 : memref<640xf32, #tpu.memory_space<vmem_shared>>) target(%dma_start3A_352 : memref<640xf32, #tpu.memory_space<vmem>>) target_semaphore(%arg16 : memref<!tpu.dma_semaphore, #tpu.memory_space<semaphore_mem>>)
    %mul3A_355 = arith.constant 640 : i32
    %mul3A_356 = arith.muli %arg1, %mul3A_355 : i32
    %dma_start3A_357 = arith.constant 9 : i32
    %dma_start3A_358 = arith.constant 9 : i32
    %dma_start3A_359 = arith.constant 0 : i32
    %dma_start3A_360 = tpu.memref_slice %arg12[%dma_start3A_358, %dma_start3A_359] : memref<16x640xf32, #tpu.memory_space<vmem>> -> memref<1x640xf32, #tpu.memory_space<vmem>>
    %dma_start3A_361 = tpu.memref_squeeze %dma_start3A_360 : memref<1x640xf32, #tpu.memory_space<vmem>> -> memref<640xf32, #tpu.memory_space<vmem>>
    %dma_start3A_362 = tpu.memref_slice %arg15[%dma_start3A_357, %mul3A_356] : memref<16x10240xf32, #tpu.memory_space<vmem_shared>> -> memref<1x640xf32, #tpu.memory_space<vmem_shared>>
    %dma_start3A_363 = tpu.memref_squeeze %dma_start3A_362 : memref<1x640xf32, #tpu.memory_space<vmem_shared>> -> memref<640xf32, #tpu.memory_space<vmem_shared>>
    %dma_start3A_364 = arith.constant 0 : i32
    %dma_start3A_365 = tpu.memref_slice %arg12[%dma_start3A_358, %dma_start3A_364] : memref<16x640xf32, #tpu.memory_space<vmem>> -> memref<1x640xf32, #tpu.memory_space<vmem>>
    %dma_start3A_366 = tpu.memref_squeeze %dma_start3A_365 : memref<1x640xf32, #tpu.memory_space<vmem>> -> memref<640xf32, #tpu.memory_space<vmem>>
    %dma_start3A_367 = tpu.memref_slice %arg15[%dma_start3A_357, %mul3A_356] : memref<16x10240xf32, #tpu.memory_space<vmem_shared>> -> memref<1x640xf32, #tpu.memory_space<vmem_shared>>
    %dma_start3A_368 = tpu.memref_squeeze %dma_start3A_367 : memref<1x640xf32, #tpu.memory_space<vmem_shared>> -> memref<640xf32, #tpu.memory_space<vmem_shared>>
    tpu.enqueue_dma source(%dma_start3A_368 : memref<640xf32, #tpu.memory_space<vmem_shared>>) target(%dma_start3A_366 : memref<640xf32, #tpu.memory_space<vmem>>) target_semaphore(%arg16 : memref<!tpu.dma_semaphore, #tpu.memory_space<semaphore_mem>>)
    %mul3A_369 = arith.constant 640 : i32
    %mul3A_370 = arith.muli %arg1, %mul3A_369 : i32
    %dma_start3A_371 = arith.constant 10 : i32
    %dma_start3A_372 = arith.constant 10 : i32
    %dma_start3A_373 = arith.constant 0 : i32
    %dma_start3A_374 = tpu.memref_slice %arg11[%dma_start3A_372, %dma_start3A_373] : memref<16x640xf32, #tpu.memory_space<vmem>> -> memref<1x640xf32, #tpu.memory_space<vmem>>
    %dma_start3A_375 = tpu.memref_squeeze %dma_start3A_374 : memref<1x640xf32, #tpu.memory_space<vmem>> -> memref<640xf32, #tpu.memory_space<vmem>>
    %dma_start3A_376 = tpu.memref_slice %arg14[%dma_start3A_371, %mul3A_370] : memref<16x10240xf32, #tpu.memory_space<vmem_shared>> -> memref<1x640xf32, #tpu.memory_space<vmem_shared>>
    %dma_start3A_377 = tpu.memref_squeeze %dma_start3A_376 : memref<1x640xf32, #tpu.memory_space<vmem_shared>> -> memref<640xf32, #tpu.memory_space<vmem_shared>>
    %dma_start3A_378 = arith.constant 0 : i32
    %dma_start3A_379 = tpu.memref_slice %arg11[%dma_start3A_372, %dma_start3A_378] : memref<16x640xf32, #tpu.memory_space<vmem>> -> memref<1x640xf32, #tpu.memory_space<vmem>>
    %dma_start3A_380 = tpu.memref_squeeze %dma_start3A_379 : memref<1x640xf32, #tpu.memory_space<vmem>> -> memref<640xf32, #tpu.memory_space<vmem>>
    %dma_start3A_381 = tpu.memref_slice %arg14[%dma_start3A_371, %mul3A_370] : memref<16x10240xf32, #tpu.memory_space<vmem_shared>> -> memref<1x640xf32, #tpu.memory_space<vmem_shared>>
    %dma_start3A_382 = tpu.memref_squeeze %dma_start3A_381 : memref<1x640xf32, #tpu.memory_space<vmem_shared>> -> memref<640xf32, #tpu.memory_space<vmem_shared>>
    tpu.enqueue_dma source(%dma_start3A_382 : memref<640xf32, #tpu.memory_space<vmem_shared>>) target(%dma_start3A_380 : memref<640xf32, #tpu.memory_space<vmem>>) target_semaphore(%arg16 : memref<!tpu.dma_semaphore, #tpu.memory_space<semaphore_mem>>)
    %mul3A_383 = arith.constant 640 : i32
    %mul3A_384 = arith.muli %arg1, %mul3A_383 : i32
    %dma_start3A_385 = arith.constant 10 : i32
    %dma_start3A_386 = arith.constant 10 : i32
    %dma_start3A_387 = arith.constant 0 : i32
    %dma_start3A_388 = tpu.memref_slice %arg12[%dma_start3A_386, %dma_start3A_387] : memref<16x640xf32, #tpu.memory_space<vmem>> -> memref<1x640xf32, #tpu.memory_space<vmem>>
    %dma_start3A_389 = tpu.memref_squeeze %dma_start3A_388 : memref<1x640xf32, #tpu.memory_space<vmem>> -> memref<640xf32, #tpu.memory_space<vmem>>
    %dma_start3A_390 = tpu.memref_slice %arg15[%dma_start3A_385, %mul3A_384] : memref<16x10240xf32, #tpu.memory_space<vmem_shared>> -> memref<1x640xf32, #tpu.memory_space<vmem_shared>>
    %dma_start3A_391 = tpu.memref_squeeze %dma_start3A_390 : memref<1x640xf32, #tpu.memory_space<vmem_shared>> -> memref<640xf32, #tpu.memory_space<vmem_shared>>
    %dma_start3A_392 = arith.constant 0 : i32
    %dma_start3A_393 = tpu.memref_slice %arg12[%dma_start3A_386, %dma_start3A_392] : memref<16x640xf32, #tpu.memory_space<vmem>> -> memref<1x640xf32, #tpu.memory_space<vmem>>
    %dma_start3A_394 = tpu.memref_squeeze %dma_start3A_393 : memref<1x640xf32, #tpu.memory_space<vmem>> -> memref<640xf32, #tpu.memory_space<vmem>>
    %dma_start3A_395 = tpu.memref_slice %arg15[%dma_start3A_385, %mul3A_384] : memref<16x10240xf32, #tpu.memory_space<vmem_shared>> -> memref<1x640xf32, #tpu.memory_space<vmem_shared>>
    %dma_start3A_396 = tpu.memref_squeeze %dma_start3A_395 : memref<1x640xf32, #tpu.memory_space<vmem_shared>> -> memref<640xf32, #tpu.memory_space<vmem_shared>>
    tpu.enqueue_dma source(%dma_start3A_396 : memref<640xf32, #tpu.memory_space<vmem_shared>>) target(%dma_start3A_394 : memref<640xf32, #tpu.memory_space<vmem>>) target_semaphore(%arg16 : memref<!tpu.dma_semaphore, #tpu.memory_space<semaphore_mem>>)
    %mul3A_397 = arith.constant 640 : i32
    %mul3A_398 = arith.muli %arg1, %mul3A_397 : i32
    %dma_start3A_399 = arith.constant 11 : i32
    %dma_start3A_400 = arith.constant 11 : i32
    %dma_start3A_401 = arith.constant 0 : i32
    %dma_start3A_402 = tpu.memref_slice %arg11[%dma_start3A_400, %dma_start3A_401] : memref<16x640xf32, #tpu.memory_space<vmem>> -> memref<1x640xf32, #tpu.memory_space<vmem>>
    %dma_start3A_403 = tpu.memref_squeeze %dma_start3A_402 : memref<1x640xf32, #tpu.memory_space<vmem>> -> memref<640xf32, #tpu.memory_space<vmem>>
    %dma_start3A_404 = tpu.memref_slice %arg14[%dma_start3A_399, %mul3A_398] : memref<16x10240xf32, #tpu.memory_space<vmem_shared>> -> memref<1x640xf32, #tpu.memory_space<vmem_shared>>
    %dma_start3A_405 = tpu.memref_squeeze %dma_start3A_404 : memref<1x640xf32, #tpu.memory_space<vmem_shared>> -> memref<640xf32, #tpu.memory_space<vmem_shared>>
    %dma_start3A_406 = arith.constant 0 : i32
    %dma_start3A_407 = tpu.memref_slice %arg11[%dma_start3A_400, %dma_start3A_406] : memref<16x640xf32, #tpu.memory_space<vmem>> -> memref<1x640xf32, #tpu.memory_space<vmem>>
    %dma_start3A_408 = tpu.memref_squeeze %dma_start3A_407 : memref<1x640xf32, #tpu.memory_space<vmem>> -> memref<640xf32, #tpu.memory_space<vmem>>
    %dma_start3A_409 = tpu.memref_slice %arg14[%dma_start3A_399, %mul3A_398] : memref<16x10240xf32, #tpu.memory_space<vmem_shared>> -> memref<1x640xf32, #tpu.memory_space<vmem_shared>>
    %dma_start3A_410 = tpu.memref_squeeze %dma_start3A_409 : memref<1x640xf32, #tpu.memory_space<vmem_shared>> -> memref<640xf32, #tpu.memory_space<vmem_shared>>
    tpu.enqueue_dma source(%dma_start3A_410 : memref<640xf32, #tpu.memory_space<vmem_shared>>) target(%dma_start3A_408 : memref<640xf32, #tpu.memory_space<vmem>>) target_semaphore(%arg16 : memref<!tpu.dma_semaphore, #tpu.memory_space<semaphore_mem>>)
    %mul3A_411 = arith.constant 640 : i32
    %mul3A_412 = arith.muli %arg1, %mul3A_411 : i32
    %dma_start3A_413 = arith.constant 11 : i32
    %dma_start3A_414 = arith.constant 11 : i32
    %dma_start3A_415 = arith.constant 0 : i32
    %dma_start3A_416 = tpu.memref_slice %arg12[%dma_start3A_414, %dma_start3A_415] : memref<16x640xf32, #tpu.memory_space<vmem>> -> memref<1x640xf32, #tpu.memory_space<vmem>>
    %dma_start3A_417 = tpu.memref_squeeze %dma_start3A_416 : memref<1x640xf32, #tpu.memory_space<vmem>> -> memref<640xf32, #tpu.memory_space<vmem>>
    %dma_start3A_418 = tpu.memref_slice %arg15[%dma_start3A_413, %mul3A_412] : memref<16x10240xf32, #tpu.memory_space<vmem_shared>> -> memref<1x640xf32, #tpu.memory_space<vmem_shared>>
    %dma_start3A_419 = tpu.memref_squeeze %dma_start3A_418 : memref<1x640xf32, #tpu.memory_space<vmem_shared>> -> memref<640xf32, #tpu.memory_space<vmem_shared>>
    %dma_start3A_420 = arith.constant 0 : i32
    %dma_start3A_421 = tpu.memref_slice %arg12[%dma_start3A_414, %dma_start3A_420] : memref<16x640xf32, #tpu.memory_space<vmem>> -> memref<1x640xf32, #tpu.memory_space<vmem>>
    %dma_start3A_422 = tpu.memref_squeeze %dma_start3A_421 : memref<1x640xf32, #tpu.memory_space<vmem>> -> memref<640xf32, #tpu.memory_space<vmem>>
    %dma_start3A_423 = tpu.memref_slice %arg15[%dma_start3A_413, %mul3A_412] : memref<16x10240xf32, #tpu.memory_space<vmem_shared>> -> memref<1x640xf32, #tpu.memory_space<vmem_shared>>
    %dma_start3A_424 = tpu.memref_squeeze %dma_start3A_423 : memref<1x640xf32, #tpu.memory_space<vmem_shared>> -> memref<640xf32, #tpu.memory_space<vmem_shared>>
    tpu.enqueue_dma source(%dma_start3A_424 : memref<640xf32, #tpu.memory_space<vmem_shared>>) target(%dma_start3A_422 : memref<640xf32, #tpu.memory_space<vmem>>) target_semaphore(%arg16 : memref<!tpu.dma_semaphore, #tpu.memory_space<semaphore_mem>>)
    %mul3A_425 = arith.constant 640 : i32
    %mul3A_426 = arith.muli %arg1, %mul3A_425 : i32
    %dma_start3A_427 = arith.constant 12 : i32
    %dma_start3A_428 = arith.constant 12 : i32
    %dma_start3A_429 = arith.constant 0 : i32
    %dma_start3A_430 = tpu.memref_slice %arg11[%dma_start3A_428, %dma_start3A_429] : memref<16x640xf32, #tpu.memory_space<vmem>> -> memref<1x640xf32, #tpu.memory_space<vmem>>
    %dma_start3A_431 = tpu.memref_squeeze %dma_start3A_430 : memref<1x640xf32, #tpu.memory_space<vmem>> -> memref<640xf32, #tpu.memory_space<vmem>>
    %dma_start3A_432 = tpu.memref_slice %arg14[%dma_start3A_427, %mul3A_426] : memref<16x10240xf32, #tpu.memory_space<vmem_shared>> -> memref<1x640xf32, #tpu.memory_space<vmem_shared>>
    %dma_start3A_433 = tpu.memref_squeeze %dma_start3A_432 : memref<1x640xf32, #tpu.memory_space<vmem_shared>> -> memref<640xf32, #tpu.memory_space<vmem_shared>>
    %dma_start3A_434 = arith.constant 0 : i32
    %dma_start3A_435 = tpu.memref_slice %arg11[%dma_start3A_428, %dma_start3A_434] : memref<16x640xf32, #tpu.memory_space<vmem>> -> memref<1x640xf32, #tpu.memory_space<vmem>>
    %dma_start3A_436 = tpu.memref_squeeze %dma_start3A_435 : memref<1x640xf32, #tpu.memory_space<vmem>> -> memref<640xf32, #tpu.memory_space<vmem>>
    %dma_start3A_437 = tpu.memref_slice %arg14[%dma_start3A_427, %mul3A_426] : memref<16x10240xf32, #tpu.memory_space<vmem_shared>> -> memref<1x640xf32, #tpu.memory_space<vmem_shared>>
    %dma_start3A_438 = tpu.memref_squeeze %dma_start3A_437 : memref<1x640xf32, #tpu.memory_space<vmem_shared>> -> memref<640xf32, #tpu.memory_space<vmem_shared>>
    tpu.enqueue_dma source(%dma_start3A_438 : memref<640xf32, #tpu.memory_space<vmem_shared>>) target(%dma_start3A_436 : memref<640xf32, #tpu.memory_space<vmem>>) target_semaphore(%arg16 : memref<!tpu.dma_semaphore, #tpu.memory_space<semaphore_mem>>)
    %mul3A_439 = arith.constant 640 : i32
    %mul3A_440 = arith.muli %arg1, %mul3A_439 : i32
    %dma_start3A_441 = arith.constant 12 : i32
    %dma_start3A_442 = arith.constant 12 : i32
    %dma_start3A_443 = arith.constant 0 : i32
    %dma_start3A_444 = tpu.memref_slice %arg12[%dma_start3A_442, %dma_start3A_443] : memref<16x640xf32, #tpu.memory_space<vmem>> -> memref<1x640xf32, #tpu.memory_space<vmem>>
    %dma_start3A_445 = tpu.memref_squeeze %dma_start3A_444 : memref<1x640xf32, #tpu.memory_space<vmem>> -> memref<640xf32, #tpu.memory_space<vmem>>
    %dma_start3A_446 = tpu.memref_slice %arg15[%dma_start3A_441, %mul3A_440] : memref<16x10240xf32, #tpu.memory_space<vmem_shared>> -> memref<1x640xf32, #tpu.memory_space<vmem_shared>>
    %dma_start3A_447 = tpu.memref_squeeze %dma_start3A_446 : memref<1x640xf32, #tpu.memory_space<vmem_shared>> -> memref<640xf32, #tpu.memory_space<vmem_shared>>
    %dma_start3A_448 = arith.constant 0 : i32
    %dma_start3A_449 = tpu.memref_slice %arg12[%dma_start3A_442, %dma_start3A_448] : memref<16x640xf32, #tpu.memory_space<vmem>> -> memref<1x640xf32, #tpu.memory_space<vmem>>
    %dma_start3A_450 = tpu.memref_squeeze %dma_start3A_449 : memref<1x640xf32, #tpu.memory_space<vmem>> -> memref<640xf32, #tpu.memory_space<vmem>>
    %dma_start3A_451 = tpu.memref_slice %arg15[%dma_start3A_441, %mul3A_440] : memref<16x10240xf32, #tpu.memory_space<vmem_shared>> -> memref<1x640xf32, #tpu.memory_space<vmem_shared>>
    %dma_start3A_452 = tpu.memref_squeeze %dma_start3A_451 : memref<1x640xf32, #tpu.memory_space<vmem_shared>> -> memref<640xf32, #tpu.memory_space<vmem_shared>>
    tpu.enqueue_dma source(%dma_start3A_452 : memref<640xf32, #tpu.memory_space<vmem_shared>>) target(%dma_start3A_450 : memref<640xf32, #tpu.memory_space<vmem>>) target_semaphore(%arg16 : memref<!tpu.dma_semaphore, #tpu.memory_space<semaphore_mem>>)
    %mul3A_453 = arith.constant 640 : i32
    %mul3A_454 = arith.muli %arg1, %mul3A_453 : i32
    %dma_start3A_455 = arith.constant 13 : i32
    %dma_start3A_456 = arith.constant 13 : i32
    %dma_start3A_457 = arith.constant 0 : i32
    %dma_start3A_458 = tpu.memref_slice %arg11[%dma_start3A_456, %dma_start3A_457] : memref<16x640xf32, #tpu.memory_space<vmem>> -> memref<1x640xf32, #tpu.memory_space<vmem>>
    %dma_start3A_459 = tpu.memref_squeeze %dma_start3A_458 : memref<1x640xf32, #tpu.memory_space<vmem>> -> memref<640xf32, #tpu.memory_space<vmem>>
    %dma_start3A_460 = tpu.memref_slice %arg14[%dma_start3A_455, %mul3A_454] : memref<16x10240xf32, #tpu.memory_space<vmem_shared>> -> memref<1x640xf32, #tpu.memory_space<vmem_shared>>
    %dma_start3A_461 = tpu.memref_squeeze %dma_start3A_460 : memref<1x640xf32, #tpu.memory_space<vmem_shared>> -> memref<640xf32, #tpu.memory_space<vmem_shared>>
    %dma_start3A_462 = arith.constant 0 : i32
    %dma_start3A_463 = tpu.memref_slice %arg11[%dma_start3A_456, %dma_start3A_462] : memref<16x640xf32, #tpu.memory_space<vmem>> -> memref<1x640xf32, #tpu.memory_space<vmem>>
    %dma_start3A_464 = tpu.memref_squeeze %dma_start3A_463 : memref<1x640xf32, #tpu.memory_space<vmem>> -> memref<640xf32, #tpu.memory_space<vmem>>
    %dma_start3A_465 = tpu.memref_slice %arg14[%dma_start3A_455, %mul3A_454] : memref<16x10240xf32, #tpu.memory_space<vmem_shared>> -> memref<1x640xf32, #tpu.memory_space<vmem_shared>>
    %dma_start3A_466 = tpu.memref_squeeze %dma_start3A_465 : memref<1x640xf32, #tpu.memory_space<vmem_shared>> -> memref<640xf32, #tpu.memory_space<vmem_shared>>
    tpu.enqueue_dma source(%dma_start3A_466 : memref<640xf32, #tpu.memory_space<vmem_shared>>) target(%dma_start3A_464 : memref<640xf32, #tpu.memory_space<vmem>>) target_semaphore(%arg16 : memref<!tpu.dma_semaphore, #tpu.memory_space<semaphore_mem>>)
    %mul3A_467 = arith.constant 640 : i32
    %mul3A_468 = arith.muli %arg1, %mul3A_467 : i32
    %dma_start3A_469 = arith.constant 13 : i32
    %dma_start3A_470 = arith.constant 13 : i32
    %dma_start3A_471 = arith.constant 0 : i32
    %dma_start3A_472 = tpu.memref_slice %arg12[%dma_start3A_470, %dma_start3A_471] : memref<16x640xf32, #tpu.memory_space<vmem>> -> memref<1x640xf32, #tpu.memory_space<vmem>>
    %dma_start3A_473 = tpu.memref_squeeze %dma_start3A_472 : memref<1x640xf32, #tpu.memory_space<vmem>> -> memref<640xf32, #tpu.memory_space<vmem>>
    %dma_start3A_474 = tpu.memref_slice %arg15[%dma_start3A_469, %mul3A_468] : memref<16x10240xf32, #tpu.memory_space<vmem_shared>> -> memref<1x640xf32, #tpu.memory_space<vmem_shared>>
    %dma_start3A_475 = tpu.memref_squeeze %dma_start3A_474 : memref<1x640xf32, #tpu.memory_space<vmem_shared>> -> memref<640xf32, #tpu.memory_space<vmem_shared>>
    %dma_start3A_476 = arith.constant 0 : i32
    %dma_start3A_477 = tpu.memref_slice %arg12[%dma_start3A_470, %dma_start3A_476] : memref<16x640xf32, #tpu.memory_space<vmem>> -> memref<1x640xf32, #tpu.memory_space<vmem>>
    %dma_start3A_478 = tpu.memref_squeeze %dma_start3A_477 : memref<1x640xf32, #tpu.memory_space<vmem>> -> memref<640xf32, #tpu.memory_space<vmem>>
    %dma_start3A_479 = tpu.memref_slice %arg15[%dma_start3A_469, %mul3A_468] : memref<16x10240xf32, #tpu.memory_space<vmem_shared>> -> memref<1x640xf32, #tpu.memory_space<vmem_shared>>
    %dma_start3A_480 = tpu.memref_squeeze %dma_start3A_479 : memref<1x640xf32, #tpu.memory_space<vmem_shared>> -> memref<640xf32, #tpu.memory_space<vmem_shared>>
    tpu.enqueue_dma source(%dma_start3A_480 : memref<640xf32, #tpu.memory_space<vmem_shared>>) target(%dma_start3A_478 : memref<640xf32, #tpu.memory_space<vmem>>) target_semaphore(%arg16 : memref<!tpu.dma_semaphore, #tpu.memory_space<semaphore_mem>>)
    %mul3A_481 = arith.constant 640 : i32
    %mul3A_482 = arith.muli %arg1, %mul3A_481 : i32
    %dma_start3A_483 = arith.constant 14 : i32
    %dma_start3A_484 = arith.constant 14 : i32
    %dma_start3A_485 = arith.constant 0 : i32
    %dma_start3A_486 = tpu.memref_slice %arg11[%dma_start3A_484, %dma_start3A_485] : memref<16x640xf32, #tpu.memory_space<vmem>> -> memref<1x640xf32, #tpu.memory_space<vmem>>
    %dma_start3A_487 = tpu.memref_squeeze %dma_start3A_486 : memref<1x640xf32, #tpu.memory_space<vmem>> -> memref<640xf32, #tpu.memory_space<vmem>>
    %dma_start3A_488 = tpu.memref_slice %arg14[%dma_start3A_483, %mul3A_482] : memref<16x10240xf32, #tpu.memory_space<vmem_shared>> -> memref<1x640xf32, #tpu.memory_space<vmem_shared>>
    %dma_start3A_489 = tpu.memref_squeeze %dma_start3A_488 : memref<1x640xf32, #tpu.memory_space<vmem_shared>> -> memref<640xf32, #tpu.memory_space<vmem_shared>>
    %dma_start3A_490 = arith.constant 0 : i32
    %dma_start3A_491 = tpu.memref_slice %arg11[%dma_start3A_484, %dma_start3A_490] : memref<16x640xf32, #tpu.memory_space<vmem>> -> memref<1x640xf32, #tpu.memory_space<vmem>>
    %dma_start3A_492 = tpu.memref_squeeze %dma_start3A_491 : memref<1x640xf32, #tpu.memory_space<vmem>> -> memref<640xf32, #tpu.memory_space<vmem>>
    %dma_start3A_493 = tpu.memref_slice %arg14[%dma_start3A_483, %mul3A_482] : memref<16x10240xf32, #tpu.memory_space<vmem_shared>> -> memref<1x640xf32, #tpu.memory_space<vmem_shared>>
    %dma_start3A_494 = tpu.memref_squeeze %dma_start3A_493 : memref<1x640xf32, #tpu.memory_space<vmem_shared>> -> memref<640xf32, #tpu.memory_space<vmem_shared>>
    tpu.enqueue_dma source(%dma_start3A_494 : memref<640xf32, #tpu.memory_space<vmem_shared>>) target(%dma_start3A_492 : memref<640xf32, #tpu.memory_space<vmem>>) target_semaphore(%arg16 : memref<!tpu.dma_semaphore, #tpu.memory_space<semaphore_mem>>)
    %mul3A_495 = arith.constant 640 : i32
    %mul3A_496 = arith.muli %arg1, %mul3A_495 : i32
    %dma_start3A_497 = arith.constant 14 : i32
    %dma_start3A_498 = arith.constant 14 : i32
    %dma_start3A_499 = arith.constant 0 : i32
    %dma_start3A_500 = tpu.memref_slice %arg12[%dma_start3A_498, %dma_start3A_499] : memref<16x640xf32, #tpu.memory_space<vmem>> -> memref<1x640xf32, #tpu.memory_space<vmem>>
    %dma_start3A_501 = tpu.memref_squeeze %dma_start3A_500 : memref<1x640xf32, #tpu.memory_space<vmem>> -> memref<640xf32, #tpu.memory_space<vmem>>
    %dma_start3A_502 = tpu.memref_slice %arg15[%dma_start3A_497, %mul3A_496] : memref<16x10240xf32, #tpu.memory_space<vmem_shared>> -> memref<1x640xf32, #tpu.memory_space<vmem_shared>>
    %dma_start3A_503 = tpu.memref_squeeze %dma_start3A_502 : memref<1x640xf32, #tpu.memory_space<vmem_shared>> -> memref<640xf32, #tpu.memory_space<vmem_shared>>
    %dma_start3A_504 = arith.constant 0 : i32
    %dma_start3A_505 = tpu.memref_slice %arg12[%dma_start3A_498, %dma_start3A_504] : memref<16x640xf32, #tpu.memory_space<vmem>> -> memref<1x640xf32, #tpu.memory_space<vmem>>
    %dma_start3A_506 = tpu.memref_squeeze %dma_start3A_505 : memref<1x640xf32, #tpu.memory_space<vmem>> -> memref<640xf32, #tpu.memory_space<vmem>>
    %dma_start3A_507 = tpu.memref_slice %arg15[%dma_start3A_497, %mul3A_496] : memref<16x10240xf32, #tpu.memory_space<vmem_shared>> -> memref<1x640xf32, #tpu.memory_space<vmem_shared>>
    %dma_start3A_508 = tpu.memref_squeeze %dma_start3A_507 : memref<1x640xf32, #tpu.memory_space<vmem_shared>> -> memref<640xf32, #tpu.memory_space<vmem_shared>>
    tpu.enqueue_dma source(%dma_start3A_508 : memref<640xf32, #tpu.memory_space<vmem_shared>>) target(%dma_start3A_506 : memref<640xf32, #tpu.memory_space<vmem>>) target_semaphore(%arg16 : memref<!tpu.dma_semaphore, #tpu.memory_space<semaphore_mem>>)
    %mul3A_509 = arith.constant 640 : i32
    %mul3A_510 = arith.muli %arg1, %mul3A_509 : i32
    %dma_start3A_511 = arith.constant 15 : i32
    %dma_start3A_512 = arith.constant 15 : i32
    %dma_start3A_513 = arith.constant 0 : i32
    %dma_start3A_514 = tpu.memref_slice %arg11[%dma_start3A_512, %dma_start3A_513] : memref<16x640xf32, #tpu.memory_space<vmem>> -> memref<1x640xf32, #tpu.memory_space<vmem>>
    %dma_start3A_515 = tpu.memref_squeeze %dma_start3A_514 : memref<1x640xf32, #tpu.memory_space<vmem>> -> memref<640xf32, #tpu.memory_space<vmem>>
    %dma_start3A_516 = tpu.memref_slice %arg14[%dma_start3A_511, %mul3A_510] : memref<16x10240xf32, #tpu.memory_space<vmem_shared>> -> memref<1x640xf32, #tpu.memory_space<vmem_shared>>
    %dma_start3A_517 = tpu.memref_squeeze %dma_start3A_516 : memref<1x640xf32, #tpu.memory_space<vmem_shared>> -> memref<640xf32, #tpu.memory_space<vmem_shared>>
    %dma_start3A_518 = arith.constant 0 : i32
    %dma_start3A_519 = tpu.memref_slice %arg11[%dma_start3A_512, %dma_start3A_518] : memref<16x640xf32, #tpu.memory_space<vmem>> -> memref<1x640xf32, #tpu.memory_space<vmem>>
    %dma_start3A_520 = tpu.memref_squeeze %dma_start3A_519 : memref<1x640xf32, #tpu.memory_space<vmem>> -> memref<640xf32, #tpu.memory_space<vmem>>
    %dma_start3A_521 = tpu.memref_slice %arg14[%dma_start3A_511, %mul3A_510] : memref<16x10240xf32, #tpu.memory_space<vmem_shared>> -> memref<1x640xf32, #tpu.memory_space<vmem_shared>>
    %dma_start3A_522 = tpu.memref_squeeze %dma_start3A_521 : memref<1x640xf32, #tpu.memory_space<vmem_shared>> -> memref<640xf32, #tpu.memory_space<vmem_shared>>
    tpu.enqueue_dma source(%dma_start3A_522 : memref<640xf32, #tpu.memory_space<vmem_shared>>) target(%dma_start3A_520 : memref<640xf32, #tpu.memory_space<vmem>>) target_semaphore(%arg16 : memref<!tpu.dma_semaphore, #tpu.memory_space<semaphore_mem>>)
    %mul3A_523 = arith.constant 640 : i32
    %mul3A_524 = arith.muli %arg1, %mul3A_523 : i32
    %dma_start3A_525 = arith.constant 15 : i32
    %dma_start3A_526 = arith.constant 15 : i32
    %dma_start3A_527 = arith.constant 0 : i32
    %dma_start3A_528 = tpu.memref_slice %arg12[%dma_start3A_526, %dma_start3A_527] : memref<16x640xf32, #tpu.memory_space<vmem>> -> memref<1x640xf32, #tpu.memory_space<vmem>>
    %dma_start3A_529 = tpu.memref_squeeze %dma_start3A_528 : memref<1x640xf32, #tpu.memory_space<vmem>> -> memref<640xf32, #tpu.memory_space<vmem>>
    %dma_start3A_530 = tpu.memref_slice %arg15[%dma_start3A_525, %mul3A_524] : memref<16x10240xf32, #tpu.memory_space<vmem_shared>> -> memref<1x640xf32, #tpu.memory_space<vmem_shared>>
    %dma_start3A_531 = tpu.memref_squeeze %dma_start3A_530 : memref<1x640xf32, #tpu.memory_space<vmem_shared>> -> memref<640xf32, #tpu.memory_space<vmem_shared>>
    %dma_start3A_532 = arith.constant 0 : i32
    %dma_start3A_533 = tpu.memref_slice %arg12[%dma_start3A_526, %dma_start3A_532] : memref<16x640xf32, #tpu.memory_space<vmem>> -> memref<1x640xf32, #tpu.memory_space<vmem>>
    %dma_start3A_534 = tpu.memref_squeeze %dma_start3A_533 : memref<1x640xf32, #tpu.memory_space<vmem>> -> memref<640xf32, #tpu.memory_space<vmem>>
    %dma_start3A_535 = tpu.memref_slice %arg15[%dma_start3A_525, %mul3A_524] : memref<16x10240xf32, #tpu.memory_space<vmem_shared>> -> memref<1x640xf32, #tpu.memory_space<vmem_shared>>
    %dma_start3A_536 = tpu.memref_squeeze %dma_start3A_535 : memref<1x640xf32, #tpu.memory_space<vmem_shared>> -> memref<640xf32, #tpu.memory_space<vmem_shared>>
    tpu.enqueue_dma source(%dma_start3A_536 : memref<640xf32, #tpu.memory_space<vmem_shared>>) target(%dma_start3A_534 : memref<640xf32, #tpu.memory_space<vmem>>) target_semaphore(%arg16 : memref<!tpu.dma_semaphore, #tpu.memory_space<semaphore_mem>>)
    %dma_wait3A_537 = arith.constant 0 : i32
    %dma_wait3A_538 = arith.constant 0 : i32
    %dma_wait3A_539 = arith.constant 0 : i32
    %dma_wait3A_540 = tpu.memref_slice %arg11[%dma_wait3A_538, %dma_wait3A_539] : memref<16x640xf32, #tpu.memory_space<vmem>> -> memref<1x640xf32, #tpu.memory_space<vmem>>
    %dma_wait3A_541 = tpu.memref_squeeze %dma_wait3A_540 : memref<1x640xf32, #tpu.memory_space<vmem>> -> memref<640xf32, #tpu.memory_space<vmem>>
    %dma_wait3A_542 = tpu.memref_slice %arg14[%dma_wait3A_537, %mul3A_90] : memref<16x10240xf32, #tpu.memory_space<vmem_shared>> -> memref<1x640xf32, #tpu.memory_space<vmem_shared>>
    %dma_wait3A_543 = tpu.memref_squeeze %dma_wait3A_542 : memref<1x640xf32, #tpu.memory_space<vmem_shared>> -> memref<640xf32, #tpu.memory_space<vmem_shared>>
    %dma_wait3A_544 = arith.constant 0 : i32
    %dma_wait3A_545 = tpu.memref_slice %arg11[%dma_wait3A_538, %dma_wait3A_544] : memref<16x640xf32, #tpu.memory_space<vmem>> -> memref<1x640xf32, #tpu.memory_space<vmem>>
    %dma_wait3A_546 = tpu.memref_squeeze %dma_wait3A_545 : memref<1x640xf32, #tpu.memory_space<vmem>> -> memref<640xf32, #tpu.memory_space<vmem>>
    %dma_wait3A_547 = tpu.memref_slice %arg14[%dma_wait3A_537, %mul3A_90] : memref<16x10240xf32, #tpu.memory_space<vmem_shared>> -> memref<1x640xf32, #tpu.memory_space<vmem_shared>>
    %dma_wait3A_548 = tpu.memref_squeeze %dma_wait3A_547 : memref<1x640xf32, #tpu.memory_space<vmem_shared>> -> memref<640xf32, #tpu.memory_space<vmem_shared>>
    tpu.wait_dma2 semaphore(%arg16 : memref<!tpu.dma_semaphore, #tpu.memory_space<semaphore_mem>>) src(%dma_wait3A_548 : memref<640xf32, #tpu.memory_space<vmem_shared>>) dst(%dma_wait3A_546 : memref<640xf32, #tpu.memory_space<vmem>>)
    %dma_wait3A_549 = arith.constant 0 : i32
    %dma_wait3A_550 = arith.constant 0 : i32
    %dma_wait3A_551 = arith.constant 0 : i32
    %dma_wait3A_552 = tpu.memref_slice %arg12[%dma_wait3A_550, %dma_wait3A_551] : memref<16x640xf32, #tpu.memory_space<vmem>> -> memref<1x640xf32, #tpu.memory_space<vmem>>
    %dma_wait3A_553 = tpu.memref_squeeze %dma_wait3A_552 : memref<1x640xf32, #tpu.memory_space<vmem>> -> memref<640xf32, #tpu.memory_space<vmem>>
    %dma_wait3A_554 = tpu.memref_slice %arg15[%dma_wait3A_549, %mul3A_104] : memref<16x10240xf32, #tpu.memory_space<vmem_shared>> -> memref<1x640xf32, #tpu.memory_space<vmem_shared>>
    %dma_wait3A_555 = tpu.memref_squeeze %dma_wait3A_554 : memref<1x640xf32, #tpu.memory_space<vmem_shared>> -> memref<640xf32, #tpu.memory_space<vmem_shared>>
    %dma_wait3A_556 = arith.constant 0 : i32
    %dma_wait3A_557 = tpu.memref_slice %arg12[%dma_wait3A_550, %dma_wait3A_556] : memref<16x640xf32, #tpu.memory_space<vmem>> -> memref<1x640xf32, #tpu.memory_space<vmem>>
    %dma_wait3A_558 = tpu.memref_squeeze %dma_wait3A_557 : memref<1x640xf32, #tpu.memory_space<vmem>> -> memref<640xf32, #tpu.memory_space<vmem>>
    %dma_wait3A_559 = tpu.memref_slice %arg15[%dma_wait3A_549, %mul3A_104] : memref<16x10240xf32, #tpu.memory_space<vmem_shared>> -> memref<1x640xf32, #tpu.memory_space<vmem_shared>>
    %dma_wait3A_560 = tpu.memref_squeeze %dma_wait3A_559 : memref<1x640xf32, #tpu.memory_space<vmem_shared>> -> memref<640xf32, #tpu.memory_space<vmem_shared>>
    tpu.wait_dma2 semaphore(%arg16 : memref<!tpu.dma_semaphore, #tpu.memory_space<semaphore_mem>>) src(%dma_wait3A_560 : memref<640xf32, #tpu.memory_space<vmem_shared>>) dst(%dma_wait3A_558 : memref<640xf32, #tpu.memory_space<vmem>>)
    %dma_wait3A_561 = arith.constant 1 : i32
    %dma_wait3A_562 = arith.constant 1 : i32
    %dma_wait3A_563 = arith.constant 0 : i32
    %dma_wait3A_564 = tpu.memref_slice %arg11[%dma_wait3A_562, %dma_wait3A_563] : memref<16x640xf32, #tpu.memory_space<vmem>> -> memref<1x640xf32, #tpu.memory_space<vmem>>
    %dma_wait3A_565 = tpu.memref_squeeze %dma_wait3A_564 : memref<1x640xf32, #tpu.memory_space<vmem>> -> memref<640xf32, #tpu.memory_space<vmem>>
    %dma_wait3A_566 = tpu.memref_slice %arg14[%dma_wait3A_561, %mul3A_118] : memref<16x10240xf32, #tpu.memory_space<vmem_shared>> -> memref<1x640xf32, #tpu.memory_space<vmem_shared>>
    %dma_wait3A_567 = tpu.memref_squeeze %dma_wait3A_566 : memref<1x640xf32, #tpu.memory_space<vmem_shared>> -> memref<640xf32, #tpu.memory_space<vmem_shared>>
    %dma_wait3A_568 = arith.constant 0 : i32
    %dma_wait3A_569 = tpu.memref_slice %arg11[%dma_wait3A_562, %dma_wait3A_568] : memref<16x640xf32, #tpu.memory_space<vmem>> -> memref<1x640xf32, #tpu.memory_space<vmem>>
    %dma_wait3A_570 = tpu.memref_squeeze %dma_wait3A_569 : memref<1x640xf32, #tpu.memory_space<vmem>> -> memref<640xf32, #tpu.memory_space<vmem>>
    %dma_wait3A_571 = tpu.memref_slice %arg14[%dma_wait3A_561, %mul3A_118] : memref<16x10240xf32, #tpu.memory_space<vmem_shared>> -> memref<1x640xf32, #tpu.memory_space<vmem_shared>>
    %dma_wait3A_572 = tpu.memref_squeeze %dma_wait3A_571 : memref<1x640xf32, #tpu.memory_space<vmem_shared>> -> memref<640xf32, #tpu.memory_space<vmem_shared>>
    tpu.wait_dma2 semaphore(%arg16 : memref<!tpu.dma_semaphore, #tpu.memory_space<semaphore_mem>>) src(%dma_wait3A_572 : memref<640xf32, #tpu.memory_space<vmem_shared>>) dst(%dma_wait3A_570 : memref<640xf32, #tpu.memory_space<vmem>>)
    %dma_wait3A_573 = arith.constant 1 : i32
    %dma_wait3A_574 = arith.constant 1 : i32
    %dma_wait3A_575 = arith.constant 0 : i32
    %dma_wait3A_576 = tpu.memref_slice %arg12[%dma_wait3A_574, %dma_wait3A_575] : memref<16x640xf32, #tpu.memory_space<vmem>> -> memref<1x640xf32, #tpu.memory_space<vmem>>
    %dma_wait3A_577 = tpu.memref_squeeze %dma_wait3A_576 : memref<1x640xf32, #tpu.memory_space<vmem>> -> memref<640xf32, #tpu.memory_space<vmem>>
    %dma_wait3A_578 = tpu.memref_slice %arg15[%dma_wait3A_573, %mul3A_132] : memref<16x10240xf32, #tpu.memory_space<vmem_shared>> -> memref<1x640xf32, #tpu.memory_space<vmem_shared>>
    %dma_wait3A_579 = tpu.memref_squeeze %dma_wait3A_578 : memref<1x640xf32, #tpu.memory_space<vmem_shared>> -> memref<640xf32, #tpu.memory_space<vmem_shared>>
    %dma_wait3A_580 = arith.constant 0 : i32
    %dma_wait3A_581 = tpu.memref_slice %arg12[%dma_wait3A_574, %dma_wait3A_580] : memref<16x640xf32, #tpu.memory_space<vmem>> -> memref<1x640xf32, #tpu.memory_space<vmem>>
    %dma_wait3A_582 = tpu.memref_squeeze %dma_wait3A_581 : memref<1x640xf32, #tpu.memory_space<vmem>> -> memref<640xf32, #tpu.memory_space<vmem>>
    %dma_wait3A_583 = tpu.memref_slice %arg15[%dma_wait3A_573, %mul3A_132] : memref<16x10240xf32, #tpu.memory_space<vmem_shared>> -> memref<1x640xf32, #tpu.memory_space<vmem_shared>>
    %dma_wait3A_584 = tpu.memref_squeeze %dma_wait3A_583 : memref<1x640xf32, #tpu.memory_space<vmem_shared>> -> memref<640xf32, #tpu.memory_space<vmem_shared>>
    tpu.wait_dma2 semaphore(%arg16 : memref<!tpu.dma_semaphore, #tpu.memory_space<semaphore_mem>>) src(%dma_wait3A_584 : memref<640xf32, #tpu.memory_space<vmem_shared>>) dst(%dma_wait3A_582 : memref<640xf32, #tpu.memory_space<vmem>>)
    %dma_wait3A_585 = arith.constant 2 : i32
    %dma_wait3A_586 = arith.constant 2 : i32
    %dma_wait3A_587 = arith.constant 0 : i32
    %dma_wait3A_588 = tpu.memref_slice %arg11[%dma_wait3A_586, %dma_wait3A_587] : memref<16x640xf32, #tpu.memory_space<vmem>> -> memref<1x640xf32, #tpu.memory_space<vmem>>
    %dma_wait3A_589 = tpu.memref_squeeze %dma_wait3A_588 : memref<1x640xf32, #tpu.memory_space<vmem>> -> memref<640xf32, #tpu.memory_space<vmem>>
    %dma_wait3A_590 = tpu.memref_slice %arg14[%dma_wait3A_585, %mul3A_146] : memref<16x10240xf32, #tpu.memory_space<vmem_shared>> -> memref<1x640xf32, #tpu.memory_space<vmem_shared>>
    %dma_wait3A_591 = tpu.memref_squeeze %dma_wait3A_590 : memref<1x640xf32, #tpu.memory_space<vmem_shared>> -> memref<640xf32, #tpu.memory_space<vmem_shared>>
    %dma_wait3A_592 = arith.constant 0 : i32
    %dma_wait3A_593 = tpu.memref_slice %arg11[%dma_wait3A_586, %dma_wait3A_592] : memref<16x640xf32, #tpu.memory_space<vmem>> -> memref<1x640xf32, #tpu.memory_space<vmem>>
    %dma_wait3A_594 = tpu.memref_squeeze %dma_wait3A_593 : memref<1x640xf32, #tpu.memory_space<vmem>> -> memref<640xf32, #tpu.memory_space<vmem>>
    %dma_wait3A_595 = tpu.memref_slice %arg14[%dma_wait3A_585, %mul3A_146] : memref<16x10240xf32, #tpu.memory_space<vmem_shared>> -> memref<1x640xf32, #tpu.memory_space<vmem_shared>>
    %dma_wait3A_596 = tpu.memref_squeeze %dma_wait3A_595 : memref<1x640xf32, #tpu.memory_space<vmem_shared>> -> memref<640xf32, #tpu.memory_space<vmem_shared>>
    tpu.wait_dma2 semaphore(%arg16 : memref<!tpu.dma_semaphore, #tpu.memory_space<semaphore_mem>>) src(%dma_wait3A_596 : memref<640xf32, #tpu.memory_space<vmem_shared>>) dst(%dma_wait3A_594 : memref<640xf32, #tpu.memory_space<vmem>>)
    %dma_wait3A_597 = arith.constant 2 : i32
    %dma_wait3A_598 = arith.constant 2 : i32
    %dma_wait3A_599 = arith.constant 0 : i32
    %dma_wait3A_600 = tpu.memref_slice %arg12[%dma_wait3A_598, %dma_wait3A_599] : memref<16x640xf32, #tpu.memory_space<vmem>> -> memref<1x640xf32, #tpu.memory_space<vmem>>
    %dma_wait3A_601 = tpu.memref_squeeze %dma_wait3A_600 : memref<1x640xf32, #tpu.memory_space<vmem>> -> memref<640xf32, #tpu.memory_space<vmem>>
    %dma_wait3A_602 = tpu.memref_slice %arg15[%dma_wait3A_597, %mul3A_160] : memref<16x10240xf32, #tpu.memory_space<vmem_shared>> -> memref<1x640xf32, #tpu.memory_space<vmem_shared>>
    %dma_wait3A_603 = tpu.memref_squeeze %dma_wait3A_602 : memref<1x640xf32, #tpu.memory_space<vmem_shared>> -> memref<640xf32, #tpu.memory_space<vmem_shared>>
    %dma_wait3A_604 = arith.constant 0 : i32
    %dma_wait3A_605 = tpu.memref_slice %arg12[%dma_wait3A_598, %dma_wait3A_604] : memref<16x640xf32, #tpu.memory_space<vmem>> -> memref<1x640xf32, #tpu.memory_space<vmem>>
    %dma_wait3A_606 = tpu.memref_squeeze %dma_wait3A_605 : memref<1x640xf32, #tpu.memory_space<vmem>> -> memref<640xf32, #tpu.memory_space<vmem>>
    %dma_wait3A_607 = tpu.memref_slice %arg15[%dma_wait3A_597, %mul3A_160] : memref<16x10240xf32, #tpu.memory_space<vmem_shared>> -> memref<1x640xf32, #tpu.memory_space<vmem_shared>>
    %dma_wait3A_608 = tpu.memref_squeeze %dma_wait3A_607 : memref<1x640xf32, #tpu.memory_space<vmem_shared>> -> memref<640xf32, #tpu.memory_space<vmem_shared>>
    tpu.wait_dma2 semaphore(%arg16 : memref<!tpu.dma_semaphore, #tpu.memory_space<semaphore_mem>>) src(%dma_wait3A_608 : memref<640xf32, #tpu.memory_space<vmem_shared>>) dst(%dma_wait3A_606 : memref<640xf32, #tpu.memory_space<vmem>>)
    %dma_wait3A_609 = arith.constant 3 : i32
    %dma_wait3A_610 = arith.constant 3 : i32
    %dma_wait3A_611 = arith.constant 0 : i32
    %dma_wait3A_612 = tpu.memref_slice %arg11[%dma_wait3A_610, %dma_wait3A_611] : memref<16x640xf32, #tpu.memory_space<vmem>> -> memref<1x640xf32, #tpu.memory_space<vmem>>
    %dma_wait3A_613 = tpu.memref_squeeze %dma_wait3A_612 : memref<1x640xf32, #tpu.memory_space<vmem>> -> memref<640xf32, #tpu.memory_space<vmem>>
    %dma_wait3A_614 = tpu.memref_slice %arg14[%dma_wait3A_609, %mul3A_174] : memref<16x10240xf32, #tpu.memory_space<vmem_shared>> -> memref<1x640xf32, #tpu.memory_space<vmem_shared>>
    %dma_wait3A_615 = tpu.memref_squeeze %dma_wait3A_614 : memref<1x640xf32, #tpu.memory_space<vmem_shared>> -> memref<640xf32, #tpu.memory_space<vmem_shared>>
    %dma_wait3A_616 = arith.constant 0 : i32
    %dma_wait3A_617 = tpu.memref_slice %arg11[%dma_wait3A_610, %dma_wait3A_616] : memref<16x640xf32, #tpu.memory_space<vmem>> -> memref<1x640xf32, #tpu.memory_space<vmem>>
    %dma_wait3A_618 = tpu.memref_squeeze %dma_wait3A_617 : memref<1x640xf32, #tpu.memory_space<vmem>> -> memref<640xf32, #tpu.memory_space<vmem>>
    %dma_wait3A_619 = tpu.memref_slice %arg14[%dma_wait3A_609, %mul3A_174] : memref<16x10240xf32, #tpu.memory_space<vmem_shared>> -> memref<1x640xf32, #tpu.memory_space<vmem_shared>>
    %dma_wait3A_620 = tpu.memref_squeeze %dma_wait3A_619 : memref<1x640xf32, #tpu.memory_space<vmem_shared>> -> memref<640xf32, #tpu.memory_space<vmem_shared>>
    tpu.wait_dma2 semaphore(%arg16 : memref<!tpu.dma_semaphore, #tpu.memory_space<semaphore_mem>>) src(%dma_wait3A_620 : memref<640xf32, #tpu.memory_space<vmem_shared>>) dst(%dma_wait3A_618 : memref<640xf32, #tpu.memory_space<vmem>>)
    %dma_wait3A_621 = arith.constant 3 : i32
    %dma_wait3A_622 = arith.constant 3 : i32
    %dma_wait3A_623 = arith.constant 0 : i32
    %dma_wait3A_624 = tpu.memref_slice %arg12[%dma_wait3A_622, %dma_wait3A_623] : memref<16x640xf32, #tpu.memory_space<vmem>> -> memref<1x640xf32, #tpu.memory_space<vmem>>
    %dma_wait3A_625 = tpu.memref_squeeze %dma_wait3A_624 : memref<1x640xf32, #tpu.memory_space<vmem>> -> memref<640xf32, #tpu.memory_space<vmem>>
    %dma_wait3A_626 = tpu.memref_slice %arg15[%dma_wait3A_621, %mul3A_188] : memref<16x10240xf32, #tpu.memory_space<vmem_shared>> -> memref<1x640xf32, #tpu.memory_space<vmem_shared>>
    %dma_wait3A_627 = tpu.memref_squeeze %dma_wait3A_626 : memref<1x640xf32, #tpu.memory_space<vmem_shared>> -> memref<640xf32, #tpu.memory_space<vmem_shared>>
    %dma_wait3A_628 = arith.constant 0 : i32
    %dma_wait3A_629 = tpu.memref_slice %arg12[%dma_wait3A_622, %dma_wait3A_628] : memref<16x640xf32, #tpu.memory_space<vmem>> -> memref<1x640xf32, #tpu.memory_space<vmem>>
    %dma_wait3A_630 = tpu.memref_squeeze %dma_wait3A_629 : memref<1x640xf32, #tpu.memory_space<vmem>> -> memref<640xf32, #tpu.memory_space<vmem>>
    %dma_wait3A_631 = tpu.memref_slice %arg15[%dma_wait3A_621, %mul3A_188] : memref<16x10240xf32, #tpu.memory_space<vmem_shared>> -> memref<1x640xf32, #tpu.memory_space<vmem_shared>>
    %dma_wait3A_632 = tpu.memref_squeeze %dma_wait3A_631 : memref<1x640xf32, #tpu.memory_space<vmem_shared>> -> memref<640xf32, #tpu.memory_space<vmem_shared>>
    tpu.wait_dma2 semaphore(%arg16 : memref<!tpu.dma_semaphore, #tpu.memory_space<semaphore_mem>>) src(%dma_wait3A_632 : memref<640xf32, #tpu.memory_space<vmem_shared>>) dst(%dma_wait3A_630 : memref<640xf32, #tpu.memory_space<vmem>>)
    %dma_wait3A_633 = arith.constant 4 : i32
    %dma_wait3A_634 = arith.constant 4 : i32
    %dma_wait3A_635 = arith.constant 0 : i32
    %dma_wait3A_636 = tpu.memref_slice %arg11[%dma_wait3A_634, %dma_wait3A_635] : memref<16x640xf32, #tpu.memory_space<vmem>> -> memref<1x640xf32, #tpu.memory_space<vmem>>
    %dma_wait3A_637 = tpu.memref_squeeze %dma_wait3A_636 : memref<1x640xf32, #tpu.memory_space<vmem>> -> memref<640xf32, #tpu.memory_space<vmem>>
    %dma_wait3A_638 = tpu.memref_slice %arg14[%dma_wait3A_633, %mul3A_202] : memref<16x10240xf32, #tpu.memory_space<vmem_shared>> -> memref<1x640xf32, #tpu.memory_space<vmem_shared>>
    %dma_wait3A_639 = tpu.memref_squeeze %dma_wait3A_638 : memref<1x640xf32, #tpu.memory_space<vmem_shared>> -> memref<640xf32, #tpu.memory_space<vmem_shared>>
    %dma_wait3A_640 = arith.constant 0 : i32
    %dma_wait3A_641 = tpu.memref_slice %arg11[%dma_wait3A_634, %dma_wait3A_640] : memref<16x640xf32, #tpu.memory_space<vmem>> -> memref<1x640xf32, #tpu.memory_space<vmem>>
    %dma_wait3A_642 = tpu.memref_squeeze %dma_wait3A_641 : memref<1x640xf32, #tpu.memory_space<vmem>> -> memref<640xf32, #tpu.memory_space<vmem>>
    %dma_wait3A_643 = tpu.memref_slice %arg14[%dma_wait3A_633, %mul3A_202] : memref<16x10240xf32, #tpu.memory_space<vmem_shared>> -> memref<1x640xf32, #tpu.memory_space<vmem_shared>>
    %dma_wait3A_644 = tpu.memref_squeeze %dma_wait3A_643 : memref<1x640xf32, #tpu.memory_space<vmem_shared>> -> memref<640xf32, #tpu.memory_space<vmem_shared>>
    tpu.wait_dma2 semaphore(%arg16 : memref<!tpu.dma_semaphore, #tpu.memory_space<semaphore_mem>>) src(%dma_wait3A_644 : memref<640xf32, #tpu.memory_space<vmem_shared>>) dst(%dma_wait3A_642 : memref<640xf32, #tpu.memory_space<vmem>>)
    %dma_wait3A_645 = arith.constant 4 : i32
    %dma_wait3A_646 = arith.constant 4 : i32
    %dma_wait3A_647 = arith.constant 0 : i32
    %dma_wait3A_648 = tpu.memref_slice %arg12[%dma_wait3A_646, %dma_wait3A_647] : memref<16x640xf32, #tpu.memory_space<vmem>> -> memref<1x640xf32, #tpu.memory_space<vmem>>
    %dma_wait3A_649 = tpu.memref_squeeze %dma_wait3A_648 : memref<1x640xf32, #tpu.memory_space<vmem>> -> memref<640xf32, #tpu.memory_space<vmem>>
    %dma_wait3A_650 = tpu.memref_slice %arg15[%dma_wait3A_645, %mul3A_216] : memref<16x10240xf32, #tpu.memory_space<vmem_shared>> -> memref<1x640xf32, #tpu.memory_space<vmem_shared>>
    %dma_wait3A_651 = tpu.memref_squeeze %dma_wait3A_650 : memref<1x640xf32, #tpu.memory_space<vmem_shared>> -> memref<640xf32, #tpu.memory_space<vmem_shared>>
    %dma_wait3A_652 = arith.constant 0 : i32
    %dma_wait3A_653 = tpu.memref_slice %arg12[%dma_wait3A_646, %dma_wait3A_652] : memref<16x640xf32, #tpu.memory_space<vmem>> -> memref<1x640xf32, #tpu.memory_space<vmem>>
    %dma_wait3A_654 = tpu.memref_squeeze %dma_wait3A_653 : memref<1x640xf32, #tpu.memory_space<vmem>> -> memref<640xf32, #tpu.memory_space<vmem>>
    %dma_wait3A_655 = tpu.memref_slice %arg15[%dma_wait3A_645, %mul3A_216] : memref<16x10240xf32, #tpu.memory_space<vmem_shared>> -> memref<1x640xf32, #tpu.memory_space<vmem_shared>>
    %dma_wait3A_656 = tpu.memref_squeeze %dma_wait3A_655 : memref<1x640xf32, #tpu.memory_space<vmem_shared>> -> memref<640xf32, #tpu.memory_space<vmem_shared>>
    tpu.wait_dma2 semaphore(%arg16 : memref<!tpu.dma_semaphore, #tpu.memory_space<semaphore_mem>>) src(%dma_wait3A_656 : memref<640xf32, #tpu.memory_space<vmem_shared>>) dst(%dma_wait3A_654 : memref<640xf32, #tpu.memory_space<vmem>>)
    %dma_wait3A_657 = arith.constant 5 : i32
    %dma_wait3A_658 = arith.constant 5 : i32
    %dma_wait3A_659 = arith.constant 0 : i32
    %dma_wait3A_660 = tpu.memref_slice %arg11[%dma_wait3A_658, %dma_wait3A_659] : memref<16x640xf32, #tpu.memory_space<vmem>> -> memref<1x640xf32, #tpu.memory_space<vmem>>
    %dma_wait3A_661 = tpu.memref_squeeze %dma_wait3A_660 : memref<1x640xf32, #tpu.memory_space<vmem>> -> memref<640xf32, #tpu.memory_space<vmem>>
    %dma_wait3A_662 = tpu.memref_slice %arg14[%dma_wait3A_657, %mul3A_230] : memref<16x10240xf32, #tpu.memory_space<vmem_shared>> -> memref<1x640xf32, #tpu.memory_space<vmem_shared>>
    %dma_wait3A_663 = tpu.memref_squeeze %dma_wait3A_662 : memref<1x640xf32, #tpu.memory_space<vmem_shared>> -> memref<640xf32, #tpu.memory_space<vmem_shared>>
    %dma_wait3A_664 = arith.constant 0 : i32
    %dma_wait3A_665 = tpu.memref_slice %arg11[%dma_wait3A_658, %dma_wait3A_664] : memref<16x640xf32, #tpu.memory_space<vmem>> -> memref<1x640xf32, #tpu.memory_space<vmem>>
    %dma_wait3A_666 = tpu.memref_squeeze %dma_wait3A_665 : memref<1x640xf32, #tpu.memory_space<vmem>> -> memref<640xf32, #tpu.memory_space<vmem>>
    %dma_wait3A_667 = tpu.memref_slice %arg14[%dma_wait3A_657, %mul3A_230] : memref<16x10240xf32, #tpu.memory_space<vmem_shared>> -> memref<1x640xf32, #tpu.memory_space<vmem_shared>>
    %dma_wait3A_668 = tpu.memref_squeeze %dma_wait3A_667 : memref<1x640xf32, #tpu.memory_space<vmem_shared>> -> memref<640xf32, #tpu.memory_space<vmem_shared>>
    tpu.wait_dma2 semaphore(%arg16 : memref<!tpu.dma_semaphore, #tpu.memory_space<semaphore_mem>>) src(%dma_wait3A_668 : memref<640xf32, #tpu.memory_space<vmem_shared>>) dst(%dma_wait3A_666 : memref<640xf32, #tpu.memory_space<vmem>>)
    %dma_wait3A_669 = arith.constant 5 : i32
    %dma_wait3A_670 = arith.constant 5 : i32
    %dma_wait3A_671 = arith.constant 0 : i32
    %dma_wait3A_672 = tpu.memref_slice %arg12[%dma_wait3A_670, %dma_wait3A_671] : memref<16x640xf32, #tpu.memory_space<vmem>> -> memref<1x640xf32, #tpu.memory_space<vmem>>
    %dma_wait3A_673 = tpu.memref_squeeze %dma_wait3A_672 : memref<1x640xf32, #tpu.memory_space<vmem>> -> memref<640xf32, #tpu.memory_space<vmem>>
    %dma_wait3A_674 = tpu.memref_slice %arg15[%dma_wait3A_669, %mul3A_244] : memref<16x10240xf32, #tpu.memory_space<vmem_shared>> -> memref<1x640xf32, #tpu.memory_space<vmem_shared>>
    %dma_wait3A_675 = tpu.memref_squeeze %dma_wait3A_674 : memref<1x640xf32, #tpu.memory_space<vmem_shared>> -> memref<640xf32, #tpu.memory_space<vmem_shared>>
    %dma_wait3A_676 = arith.constant 0 : i32
    %dma_wait3A_677 = tpu.memref_slice %arg12[%dma_wait3A_670, %dma_wait3A_676] : memref<16x640xf32, #tpu.memory_space<vmem>> -> memref<1x640xf32, #tpu.memory_space<vmem>>
    %dma_wait3A_678 = tpu.memref_squeeze %dma_wait3A_677 : memref<1x640xf32, #tpu.memory_space<vmem>> -> memref<640xf32, #tpu.memory_space<vmem>>
    %dma_wait3A_679 = tpu.memref_slice %arg15[%dma_wait3A_669, %mul3A_244] : memref<16x10240xf32, #tpu.memory_space<vmem_shared>> -> memref<1x640xf32, #tpu.memory_space<vmem_shared>>
    %dma_wait3A_680 = tpu.memref_squeeze %dma_wait3A_679 : memref<1x640xf32, #tpu.memory_space<vmem_shared>> -> memref<640xf32, #tpu.memory_space<vmem_shared>>
    tpu.wait_dma2 semaphore(%arg16 : memref<!tpu.dma_semaphore, #tpu.memory_space<semaphore_mem>>) src(%dma_wait3A_680 : memref<640xf32, #tpu.memory_space<vmem_shared>>) dst(%dma_wait3A_678 : memref<640xf32, #tpu.memory_space<vmem>>)
    %dma_wait3A_681 = arith.constant 6 : i32
    %dma_wait3A_682 = arith.constant 6 : i32
    %dma_wait3A_683 = arith.constant 0 : i32
    %dma_wait3A_684 = tpu.memref_slice %arg11[%dma_wait3A_682, %dma_wait3A_683] : memref<16x640xf32, #tpu.memory_space<vmem>> -> memref<1x640xf32, #tpu.memory_space<vmem>>
    %dma_wait3A_685 = tpu.memref_squeeze %dma_wait3A_684 : memref<1x640xf32, #tpu.memory_space<vmem>> -> memref<640xf32, #tpu.memory_space<vmem>>
    %dma_wait3A_686 = tpu.memref_slice %arg14[%dma_wait3A_681, %mul3A_258] : memref<16x10240xf32, #tpu.memory_space<vmem_shared>> -> memref<1x640xf32, #tpu.memory_space<vmem_shared>>
    %dma_wait3A_687 = tpu.memref_squeeze %dma_wait3A_686 : memref<1x640xf32, #tpu.memory_space<vmem_shared>> -> memref<640xf32, #tpu.memory_space<vmem_shared>>
    %dma_wait3A_688 = arith.constant 0 : i32
    %dma_wait3A_689 = tpu.memref_slice %arg11[%dma_wait3A_682, %dma_wait3A_688] : memref<16x640xf32, #tpu.memory_space<vmem>> -> memref<1x640xf32, #tpu.memory_space<vmem>>
    %dma_wait3A_690 = tpu.memref_squeeze %dma_wait3A_689 : memref<1x640xf32, #tpu.memory_space<vmem>> -> memref<640xf32, #tpu.memory_space<vmem>>
    %dma_wait3A_691 = tpu.memref_slice %arg14[%dma_wait3A_681, %mul3A_258] : memref<16x10240xf32, #tpu.memory_space<vmem_shared>> -> memref<1x640xf32, #tpu.memory_space<vmem_shared>>
    %dma_wait3A_692 = tpu.memref_squeeze %dma_wait3A_691 : memref<1x640xf32, #tpu.memory_space<vmem_shared>> -> memref<640xf32, #tpu.memory_space<vmem_shared>>
    tpu.wait_dma2 semaphore(%arg16 : memref<!tpu.dma_semaphore, #tpu.memory_space<semaphore_mem>>) src(%dma_wait3A_692 : memref<640xf32, #tpu.memory_space<vmem_shared>>) dst(%dma_wait3A_690 : memref<640xf32, #tpu.memory_space<vmem>>)
    %dma_wait3A_693 = arith.constant 6 : i32
    %dma_wait3A_694 = arith.constant 6 : i32
    %dma_wait3A_695 = arith.constant 0 : i32
    %dma_wait3A_696 = tpu.memref_slice %arg12[%dma_wait3A_694, %dma_wait3A_695] : memref<16x640xf32, #tpu.memory_space<vmem>> -> memref<1x640xf32, #tpu.memory_space<vmem>>
    %dma_wait3A_697 = tpu.memref_squeeze %dma_wait3A_696 : memref<1x640xf32, #tpu.memory_space<vmem>> -> memref<640xf32, #tpu.memory_space<vmem>>
    %dma_wait3A_698 = tpu.memref_slice %arg15[%dma_wait3A_693, %mul3A_272] : memref<16x10240xf32, #tpu.memory_space<vmem_shared>> -> memref<1x640xf32, #tpu.memory_space<vmem_shared>>
    %dma_wait3A_699 = tpu.memref_squeeze %dma_wait3A_698 : memref<1x640xf32, #tpu.memory_space<vmem_shared>> -> memref<640xf32, #tpu.memory_space<vmem_shared>>
    %dma_wait3A_700 = arith.constant 0 : i32
    %dma_wait3A_701 = tpu.memref_slice %arg12[%dma_wait3A_694, %dma_wait3A_700] : memref<16x640xf32, #tpu.memory_space<vmem>> -> memref<1x640xf32, #tpu.memory_space<vmem>>
    %dma_wait3A_702 = tpu.memref_squeeze %dma_wait3A_701 : memref<1x640xf32, #tpu.memory_space<vmem>> -> memref<640xf32, #tpu.memory_space<vmem>>
    %dma_wait3A_703 = tpu.memref_slice %arg15[%dma_wait3A_693, %mul3A_272] : memref<16x10240xf32, #tpu.memory_space<vmem_shared>> -> memref<1x640xf32, #tpu.memory_space<vmem_shared>>
    %dma_wait3A_704 = tpu.memref_squeeze %dma_wait3A_703 : memref<1x640xf32, #tpu.memory_space<vmem_shared>> -> memref<640xf32, #tpu.memory_space<vmem_shared>>
    tpu.wait_dma2 semaphore(%arg16 : memref<!tpu.dma_semaphore, #tpu.memory_space<semaphore_mem>>) src(%dma_wait3A_704 : memref<640xf32, #tpu.memory_space<vmem_shared>>) dst(%dma_wait3A_702 : memref<640xf32, #tpu.memory_space<vmem>>)
    %dma_wait3A_705 = arith.constant 7 : i32
    %dma_wait3A_706 = arith.constant 7 : i32
    %dma_wait3A_707 = arith.constant 0 : i32
    %dma_wait3A_708 = tpu.memref_slice %arg11[%dma_wait3A_706, %dma_wait3A_707] : memref<16x640xf32, #tpu.memory_space<vmem>> -> memref<1x640xf32, #tpu.memory_space<vmem>>
    %dma_wait3A_709 = tpu.memref_squeeze %dma_wait3A_708 : memref<1x640xf32, #tpu.memory_space<vmem>> -> memref<640xf32, #tpu.memory_space<vmem>>
    %dma_wait3A_710 = tpu.memref_slice %arg14[%dma_wait3A_705, %mul3A_286] : memref<16x10240xf32, #tpu.memory_space<vmem_shared>> -> memref<1x640xf32, #tpu.memory_space<vmem_shared>>
    %dma_wait3A_711 = tpu.memref_squeeze %dma_wait3A_710 : memref<1x640xf32, #tpu.memory_space<vmem_shared>> -> memref<640xf32, #tpu.memory_space<vmem_shared>>
    %dma_wait3A_712 = arith.constant 0 : i32
    %dma_wait3A_713 = tpu.memref_slice %arg11[%dma_wait3A_706, %dma_wait3A_712] : memref<16x640xf32, #tpu.memory_space<vmem>> -> memref<1x640xf32, #tpu.memory_space<vmem>>
    %dma_wait3A_714 = tpu.memref_squeeze %dma_wait3A_713 : memref<1x640xf32, #tpu.memory_space<vmem>> -> memref<640xf32, #tpu.memory_space<vmem>>
    %dma_wait3A_715 = tpu.memref_slice %arg14[%dma_wait3A_705, %mul3A_286] : memref<16x10240xf32, #tpu.memory_space<vmem_shared>> -> memref<1x640xf32, #tpu.memory_space<vmem_shared>>
    %dma_wait3A_716 = tpu.memref_squeeze %dma_wait3A_715 : memref<1x640xf32, #tpu.memory_space<vmem_shared>> -> memref<640xf32, #tpu.memory_space<vmem_shared>>
    tpu.wait_dma2 semaphore(%arg16 : memref<!tpu.dma_semaphore, #tpu.memory_space<semaphore_mem>>) src(%dma_wait3A_716 : memref<640xf32, #tpu.memory_space<vmem_shared>>) dst(%dma_wait3A_714 : memref<640xf32, #tpu.memory_space<vmem>>)
    %dma_wait3A_717 = arith.constant 7 : i32
    %dma_wait3A_718 = arith.constant 7 : i32
    %dma_wait3A_719 = arith.constant 0 : i32
    %dma_wait3A_720 = tpu.memref_slice %arg12[%dma_wait3A_718, %dma_wait3A_719] : memref<16x640xf32, #tpu.memory_space<vmem>> -> memref<1x640xf32, #tpu.memory_space<vmem>>
    %dma_wait3A_721 = tpu.memref_squeeze %dma_wait3A_720 : memref<1x640xf32, #tpu.memory_space<vmem>> -> memref<640xf32, #tpu.memory_space<vmem>>
    %dma_wait3A_722 = tpu.memref_slice %arg15[%dma_wait3A_717, %mul3A_300] : memref<16x10240xf32, #tpu.memory_space<vmem_shared>> -> memref<1x640xf32, #tpu.memory_space<vmem_shared>>
    %dma_wait3A_723 = tpu.memref_squeeze %dma_wait3A_722 : memref<1x640xf32, #tpu.memory_space<vmem_shared>> -> memref<640xf32, #tpu.memory_space<vmem_shared>>
    %dma_wait3A_724 = arith.constant 0 : i32
    %dma_wait3A_725 = tpu.memref_slice %arg12[%dma_wait3A_718, %dma_wait3A_724] : memref<16x640xf32, #tpu.memory_space<vmem>> -> memref<1x640xf32, #tpu.memory_space<vmem>>
    %dma_wait3A_726 = tpu.memref_squeeze %dma_wait3A_725 : memref<1x640xf32, #tpu.memory_space<vmem>> -> memref<640xf32, #tpu.memory_space<vmem>>
    %dma_wait3A_727 = tpu.memref_slice %arg15[%dma_wait3A_717, %mul3A_300] : memref<16x10240xf32, #tpu.memory_space<vmem_shared>> -> memref<1x640xf32, #tpu.memory_space<vmem_shared>>
    %dma_wait3A_728 = tpu.memref_squeeze %dma_wait3A_727 : memref<1x640xf32, #tpu.memory_space<vmem_shared>> -> memref<640xf32, #tpu.memory_space<vmem_shared>>
    tpu.wait_dma2 semaphore(%arg16 : memref<!tpu.dma_semaphore, #tpu.memory_space<semaphore_mem>>) src(%dma_wait3A_728 : memref<640xf32, #tpu.memory_space<vmem_shared>>) dst(%dma_wait3A_726 : memref<640xf32, #tpu.memory_space<vmem>>)
    %dma_wait3A_729 = arith.constant 8 : i32
    %dma_wait3A_730 = arith.constant 8 : i32
    %dma_wait3A_731 = arith.constant 0 : i32
    %dma_wait3A_732 = tpu.memref_slice %arg11[%dma_wait3A_730, %dma_wait3A_731] : memref<16x640xf32, #tpu.memory_space<vmem>> -> memref<1x640xf32, #tpu.memory_space<vmem>>
    %dma_wait3A_733 = tpu.memref_squeeze %dma_wait3A_732 : memref<1x640xf32, #tpu.memory_space<vmem>> -> memref<640xf32, #tpu.memory_space<vmem>>
    %dma_wait3A_734 = tpu.memref_slice %arg14[%dma_wait3A_729, %mul3A_314] : memref<16x10240xf32, #tpu.memory_space<vmem_shared>> -> memref<1x640xf32, #tpu.memory_space<vmem_shared>>
    %dma_wait3A_735 = tpu.memref_squeeze %dma_wait3A_734 : memref<1x640xf32, #tpu.memory_space<vmem_shared>> -> memref<640xf32, #tpu.memory_space<vmem_shared>>
    %dma_wait3A_736 = arith.constant 0 : i32
    %dma_wait3A_737 = tpu.memref_slice %arg11[%dma_wait3A_730, %dma_wait3A_736] : memref<16x640xf32, #tpu.memory_space<vmem>> -> memref<1x640xf32, #tpu.memory_space<vmem>>
    %dma_wait3A_738 = tpu.memref_squeeze %dma_wait3A_737 : memref<1x640xf32, #tpu.memory_space<vmem>> -> memref<640xf32, #tpu.memory_space<vmem>>
    %dma_wait3A_739 = tpu.memref_slice %arg14[%dma_wait3A_729, %mul3A_314] : memref<16x10240xf32, #tpu.memory_space<vmem_shared>> -> memref<1x640xf32, #tpu.memory_space<vmem_shared>>
    %dma_wait3A_740 = tpu.memref_squeeze %dma_wait3A_739 : memref<1x640xf32, #tpu.memory_space<vmem_shared>> -> memref<640xf32, #tpu.memory_space<vmem_shared>>
    tpu.wait_dma2 semaphore(%arg16 : memref<!tpu.dma_semaphore, #tpu.memory_space<semaphore_mem>>) src(%dma_wait3A_740 : memref<640xf32, #tpu.memory_space<vmem_shared>>) dst(%dma_wait3A_738 : memref<640xf32, #tpu.memory_space<vmem>>)
    %dma_wait3A_741 = arith.constant 8 : i32
    %dma_wait3A_742 = arith.constant 8 : i32
    %dma_wait3A_743 = arith.constant 0 : i32
    %dma_wait3A_744 = tpu.memref_slice %arg12[%dma_wait3A_742, %dma_wait3A_743] : memref<16x640xf32, #tpu.memory_space<vmem>> -> memref<1x640xf32, #tpu.memory_space<vmem>>
    %dma_wait3A_745 = tpu.memref_squeeze %dma_wait3A_744 : memref<1x640xf32, #tpu.memory_space<vmem>> -> memref<640xf32, #tpu.memory_space<vmem>>
    %dma_wait3A_746 = tpu.memref_slice %arg15[%dma_wait3A_741, %mul3A_328] : memref<16x10240xf32, #tpu.memory_space<vmem_shared>> -> memref<1x640xf32, #tpu.memory_space<vmem_shared>>
    %dma_wait3A_747 = tpu.memref_squeeze %dma_wait3A_746 : memref<1x640xf32, #tpu.memory_space<vmem_shared>> -> memref<640xf32, #tpu.memory_space<vmem_shared>>
    %dma_wait3A_748 = arith.constant 0 : i32
    %dma_wait3A_749 = tpu.memref_slice %arg12[%dma_wait3A_742, %dma_wait3A_748] : memref<16x640xf32, #tpu.memory_space<vmem>> -> memref<1x640xf32, #tpu.memory_space<vmem>>
    %dma_wait3A_750 = tpu.memref_squeeze %dma_wait3A_749 : memref<1x640xf32, #tpu.memory_space<vmem>> -> memref<640xf32, #tpu.memory_space<vmem>>
    %dma_wait3A_751 = tpu.memref_slice %arg15[%dma_wait3A_741, %mul3A_328] : memref<16x10240xf32, #tpu.memory_space<vmem_shared>> -> memref<1x640xf32, #tpu.memory_space<vmem_shared>>
    %dma_wait3A_752 = tpu.memref_squeeze %dma_wait3A_751 : memref<1x640xf32, #tpu.memory_space<vmem_shared>> -> memref<640xf32, #tpu.memory_space<vmem_shared>>
    tpu.wait_dma2 semaphore(%arg16 : memref<!tpu.dma_semaphore, #tpu.memory_space<semaphore_mem>>) src(%dma_wait3A_752 : memref<640xf32, #tpu.memory_space<vmem_shared>>) dst(%dma_wait3A_750 : memref<640xf32, #tpu.memory_space<vmem>>)
    %dma_wait3A_753 = arith.constant 9 : i32
    %dma_wait3A_754 = arith.constant 9 : i32
    %dma_wait3A_755 = arith.constant 0 : i32
    %dma_wait3A_756 = tpu.memref_slice %arg11[%dma_wait3A_754, %dma_wait3A_755] : memref<16x640xf32, #tpu.memory_space<vmem>> -> memref<1x640xf32, #tpu.memory_space<vmem>>
    %dma_wait3A_757 = tpu.memref_squeeze %dma_wait3A_756 : memref<1x640xf32, #tpu.memory_space<vmem>> -> memref<640xf32, #tpu.memory_space<vmem>>
    %dma_wait3A_758 = tpu.memref_slice %arg14[%dma_wait3A_753, %mul3A_342] : memref<16x10240xf32, #tpu.memory_space<vmem_shared>> -> memref<1x640xf32, #tpu.memory_space<vmem_shared>>
    %dma_wait3A_759 = tpu.memref_squeeze %dma_wait3A_758 : memref<1x640xf32, #tpu.memory_space<vmem_shared>> -> memref<640xf32, #tpu.memory_space<vmem_shared>>
    %dma_wait3A_760 = arith.constant 0 : i32
    %dma_wait3A_761 = tpu.memref_slice %arg11[%dma_wait3A_754, %dma_wait3A_760] : memref<16x640xf32, #tpu.memory_space<vmem>> -> memref<1x640xf32, #tpu.memory_space<vmem>>
    %dma_wait3A_762 = tpu.memref_squeeze %dma_wait3A_761 : memref<1x640xf32, #tpu.memory_space<vmem>> -> memref<640xf32, #tpu.memory_space<vmem>>
    %dma_wait3A_763 = tpu.memref_slice %arg14[%dma_wait3A_753, %mul3A_342] : memref<16x10240xf32, #tpu.memory_space<vmem_shared>> -> memref<1x640xf32, #tpu.memory_space<vmem_shared>>
    %dma_wait3A_764 = tpu.memref_squeeze %dma_wait3A_763 : memref<1x640xf32, #tpu.memory_space<vmem_shared>> -> memref<640xf32, #tpu.memory_space<vmem_shared>>
    tpu.wait_dma2 semaphore(%arg16 : memref<!tpu.dma_semaphore, #tpu.memory_space<semaphore_mem>>) src(%dma_wait3A_764 : memref<640xf32, #tpu.memory_space<vmem_shared>>) dst(%dma_wait3A_762 : memref<640xf32, #tpu.memory_space<vmem>>)
    %dma_wait3A_765 = arith.constant 9 : i32
    %dma_wait3A_766 = arith.constant 9 : i32
    %dma_wait3A_767 = arith.constant 0 : i32
    %dma_wait3A_768 = tpu.memref_slice %arg12[%dma_wait3A_766, %dma_wait3A_767] : memref<16x640xf32, #tpu.memory_space<vmem>> -> memref<1x640xf32, #tpu.memory_space<vmem>>
    %dma_wait3A_769 = tpu.memref_squeeze %dma_wait3A_768 : memref<1x640xf32, #tpu.memory_space<vmem>> -> memref<640xf32, #tpu.memory_space<vmem>>
    %dma_wait3A_770 = tpu.memref_slice %arg15[%dma_wait3A_765, %mul3A_356] : memref<16x10240xf32, #tpu.memory_space<vmem_shared>> -> memref<1x640xf32, #tpu.memory_space<vmem_shared>>
    %dma_wait3A_771 = tpu.memref_squeeze %dma_wait3A_770 : memref<1x640xf32, #tpu.memory_space<vmem_shared>> -> memref<640xf32, #tpu.memory_space<vmem_shared>>
    %dma_wait3A_772 = arith.constant 0 : i32
    %dma_wait3A_773 = tpu.memref_slice %arg12[%dma_wait3A_766, %dma_wait3A_772] : memref<16x640xf32, #tpu.memory_space<vmem>> -> memref<1x640xf32, #tpu.memory_space<vmem>>
    %dma_wait3A_774 = tpu.memref_squeeze %dma_wait3A_773 : memref<1x640xf32, #tpu.memory_space<vmem>> -> memref<640xf32, #tpu.memory_space<vmem>>
    %dma_wait3A_775 = tpu.memref_slice %arg15[%dma_wait3A_765, %mul3A_356] : memref<16x10240xf32, #tpu.memory_space<vmem_shared>> -> memref<1x640xf32, #tpu.memory_space<vmem_shared>>
    %dma_wait3A_776 = tpu.memref_squeeze %dma_wait3A_775 : memref<1x640xf32, #tpu.memory_space<vmem_shared>> -> memref<640xf32, #tpu.memory_space<vmem_shared>>
    tpu.wait_dma2 semaphore(%arg16 : memref<!tpu.dma_semaphore, #tpu.memory_space<semaphore_mem>>) src(%dma_wait3A_776 : memref<640xf32, #tpu.memory_space<vmem_shared>>) dst(%dma_wait3A_774 : memref<640xf32, #tpu.memory_space<vmem>>)
    %dma_wait3A_777 = arith.constant 10 : i32
    %dma_wait3A_778 = arith.constant 10 : i32
    %dma_wait3A_779 = arith.constant 0 : i32
    %dma_wait3A_780 = tpu.memref_slice %arg11[%dma_wait3A_778, %dma_wait3A_779] : memref<16x640xf32, #tpu.memory_space<vmem>> -> memref<1x640xf32, #tpu.memory_space<vmem>>
    %dma_wait3A_781 = tpu.memref_squeeze %dma_wait3A_780 : memref<1x640xf32, #tpu.memory_space<vmem>> -> memref<640xf32, #tpu.memory_space<vmem>>
    %dma_wait3A_782 = tpu.memref_slice %arg14[%dma_wait3A_777, %mul3A_370] : memref<16x10240xf32, #tpu.memory_space<vmem_shared>> -> memref<1x640xf32, #tpu.memory_space<vmem_shared>>
    %dma_wait3A_783 = tpu.memref_squeeze %dma_wait3A_782 : memref<1x640xf32, #tpu.memory_space<vmem_shared>> -> memref<640xf32, #tpu.memory_space<vmem_shared>>
    %dma_wait3A_784 = arith.constant 0 : i32
    %dma_wait3A_785 = tpu.memref_slice %arg11[%dma_wait3A_778, %dma_wait3A_784] : memref<16x640xf32, #tpu.memory_space<vmem>> -> memref<1x640xf32, #tpu.memory_space<vmem>>
    %dma_wait3A_786 = tpu.memref_squeeze %dma_wait3A_785 : memref<1x640xf32, #tpu.memory_space<vmem>> -> memref<640xf32, #tpu.memory_space<vmem>>
    %dma_wait3A_787 = tpu.memref_slice %arg14[%dma_wait3A_777, %mul3A_370] : memref<16x10240xf32, #tpu.memory_space<vmem_shared>> -> memref<1x640xf32, #tpu.memory_space<vmem_shared>>
    %dma_wait3A_788 = tpu.memref_squeeze %dma_wait3A_787 : memref<1x640xf32, #tpu.memory_space<vmem_shared>> -> memref<640xf32, #tpu.memory_space<vmem_shared>>
    tpu.wait_dma2 semaphore(%arg16 : memref<!tpu.dma_semaphore, #tpu.memory_space<semaphore_mem>>) src(%dma_wait3A_788 : memref<640xf32, #tpu.memory_space<vmem_shared>>) dst(%dma_wait3A_786 : memref<640xf32, #tpu.memory_space<vmem>>)
    %dma_wait3A_789 = arith.constant 10 : i32
    %dma_wait3A_790 = arith.constant 10 : i32
    %dma_wait3A_791 = arith.constant 0 : i32
    %dma_wait3A_792 = tpu.memref_slice %arg12[%dma_wait3A_790, %dma_wait3A_791] : memref<16x640xf32, #tpu.memory_space<vmem>> -> memref<1x640xf32, #tpu.memory_space<vmem>>
    %dma_wait3A_793 = tpu.memref_squeeze %dma_wait3A_792 : memref<1x640xf32, #tpu.memory_space<vmem>> -> memref<640xf32, #tpu.memory_space<vmem>>
    %dma_wait3A_794 = tpu.memref_slice %arg15[%dma_wait3A_789, %mul3A_384] : memref<16x10240xf32, #tpu.memory_space<vmem_shared>> -> memref<1x640xf32, #tpu.memory_space<vmem_shared>>
    %dma_wait3A_795 = tpu.memref_squeeze %dma_wait3A_794 : memref<1x640xf32, #tpu.memory_space<vmem_shared>> -> memref<640xf32, #tpu.memory_space<vmem_shared>>
    %dma_wait3A_796 = arith.constant 0 : i32
    %dma_wait3A_797 = tpu.memref_slice %arg12[%dma_wait3A_790, %dma_wait3A_796] : memref<16x640xf32, #tpu.memory_space<vmem>> -> memref<1x640xf32, #tpu.memory_space<vmem>>
    %dma_wait3A_798 = tpu.memref_squeeze %dma_wait3A_797 : memref<1x640xf32, #tpu.memory_space<vmem>> -> memref<640xf32, #tpu.memory_space<vmem>>
    %dma_wait3A_799 = tpu.memref_slice %arg15[%dma_wait3A_789, %mul3A_384] : memref<16x10240xf32, #tpu.memory_space<vmem_shared>> -> memref<1x640xf32, #tpu.memory_space<vmem_shared>>
    %dma_wait3A_800 = tpu.memref_squeeze %dma_wait3A_799 : memref<1x640xf32, #tpu.memory_space<vmem_shared>> -> memref<640xf32, #tpu.memory_space<vmem_shared>>
    tpu.wait_dma2 semaphore(%arg16 : memref<!tpu.dma_semaphore, #tpu.memory_space<semaphore_mem>>) src(%dma_wait3A_800 : memref<640xf32, #tpu.memory_space<vmem_shared>>) dst(%dma_wait3A_798 : memref<640xf32, #tpu.memory_space<vmem>>)
    %dma_wait3A_801 = arith.constant 11 : i32
    %dma_wait3A_802 = arith.constant 11 : i32
    %dma_wait3A_803 = arith.constant 0 : i32
    %dma_wait3A_804 = tpu.memref_slice %arg11[%dma_wait3A_802, %dma_wait3A_803] : memref<16x640xf32, #tpu.memory_space<vmem>> -> memref<1x640xf32, #tpu.memory_space<vmem>>
    %dma_wait3A_805 = tpu.memref_squeeze %dma_wait3A_804 : memref<1x640xf32, #tpu.memory_space<vmem>> -> memref<640xf32, #tpu.memory_space<vmem>>
    %dma_wait3A_806 = tpu.memref_slice %arg14[%dma_wait3A_801, %mul3A_398] : memref<16x10240xf32, #tpu.memory_space<vmem_shared>> -> memref<1x640xf32, #tpu.memory_space<vmem_shared>>
    %dma_wait3A_807 = tpu.memref_squeeze %dma_wait3A_806 : memref<1x640xf32, #tpu.memory_space<vmem_shared>> -> memref<640xf32, #tpu.memory_space<vmem_shared>>
    %dma_wait3A_808 = arith.constant 0 : i32
    %dma_wait3A_809 = tpu.memref_slice %arg11[%dma_wait3A_802, %dma_wait3A_808] : memref<16x640xf32, #tpu.memory_space<vmem>> -> memref<1x640xf32, #tpu.memory_space<vmem>>
    %dma_wait3A_810 = tpu.memref_squeeze %dma_wait3A_809 : memref<1x640xf32, #tpu.memory_space<vmem>> -> memref<640xf32, #tpu.memory_space<vmem>>
    %dma_wait3A_811 = tpu.memref_slice %arg14[%dma_wait3A_801, %mul3A_398] : memref<16x10240xf32, #tpu.memory_space<vmem_shared>> -> memref<1x640xf32, #tpu.memory_space<vmem_shared>>
    %dma_wait3A_812 = tpu.memref_squeeze %dma_wait3A_811 : memref<1x640xf32, #tpu.memory_space<vmem_shared>> -> memref<640xf32, #tpu.memory_space<vmem_shared>>
    tpu.wait_dma2 semaphore(%arg16 : memref<!tpu.dma_semaphore, #tpu.memory_space<semaphore_mem>>) src(%dma_wait3A_812 : memref<640xf32, #tpu.memory_space<vmem_shared>>) dst(%dma_wait3A_810 : memref<640xf32, #tpu.memory_space<vmem>>)
    %dma_wait3A_813 = arith.constant 11 : i32
    %dma_wait3A_814 = arith.constant 11 : i32
    %dma_wait3A_815 = arith.constant 0 : i32
    %dma_wait3A_816 = tpu.memref_slice %arg12[%dma_wait3A_814, %dma_wait3A_815] : memref<16x640xf32, #tpu.memory_space<vmem>> -> memref<1x640xf32, #tpu.memory_space<vmem>>
    %dma_wait3A_817 = tpu.memref_squeeze %dma_wait3A_816 : memref<1x640xf32, #tpu.memory_space<vmem>> -> memref<640xf32, #tpu.memory_space<vmem>>
    %dma_wait3A_818 = tpu.memref_slice %arg15[%dma_wait3A_813, %mul3A_412] : memref<16x10240xf32, #tpu.memory_space<vmem_shared>> -> memref<1x640xf32, #tpu.memory_space<vmem_shared>>
    %dma_wait3A_819 = tpu.memref_squeeze %dma_wait3A_818 : memref<1x640xf32, #tpu.memory_space<vmem_shared>> -> memref<640xf32, #tpu.memory_space<vmem_shared>>
    %dma_wait3A_820 = arith.constant 0 : i32
    %dma_wait3A_821 = tpu.memref_slice %arg12[%dma_wait3A_814, %dma_wait3A_820] : memref<16x640xf32, #tpu.memory_space<vmem>> -> memref<1x640xf32, #tpu.memory_space<vmem>>
    %dma_wait3A_822 = tpu.memref_squeeze %dma_wait3A_821 : memref<1x640xf32, #tpu.memory_space<vmem>> -> memref<640xf32, #tpu.memory_space<vmem>>
    %dma_wait3A_823 = tpu.memref_slice %arg15[%dma_wait3A_813, %mul3A_412] : memref<16x10240xf32, #tpu.memory_space<vmem_shared>> -> memref<1x640xf32, #tpu.memory_space<vmem_shared>>
    %dma_wait3A_824 = tpu.memref_squeeze %dma_wait3A_823 : memref<1x640xf32, #tpu.memory_space<vmem_shared>> -> memref<640xf32, #tpu.memory_space<vmem_shared>>
    tpu.wait_dma2 semaphore(%arg16 : memref<!tpu.dma_semaphore, #tpu.memory_space<semaphore_mem>>) src(%dma_wait3A_824 : memref<640xf32, #tpu.memory_space<vmem_shared>>) dst(%dma_wait3A_822 : memref<640xf32, #tpu.memory_space<vmem>>)
    %dma_wait3A_825 = arith.constant 12 : i32
    %dma_wait3A_826 = arith.constant 12 : i32
    %dma_wait3A_827 = arith.constant 0 : i32
    %dma_wait3A_828 = tpu.memref_slice %arg11[%dma_wait3A_826, %dma_wait3A_827] : memref<16x640xf32, #tpu.memory_space<vmem>> -> memref<1x640xf32, #tpu.memory_space<vmem>>
    %dma_wait3A_829 = tpu.memref_squeeze %dma_wait3A_828 : memref<1x640xf32, #tpu.memory_space<vmem>> -> memref<640xf32, #tpu.memory_space<vmem>>
    %dma_wait3A_830 = tpu.memref_slice %arg14[%dma_wait3A_825, %mul3A_426] : memref<16x10240xf32, #tpu.memory_space<vmem_shared>> -> memref<1x640xf32, #tpu.memory_space<vmem_shared>>
    %dma_wait3A_831 = tpu.memref_squeeze %dma_wait3A_830 : memref<1x640xf32, #tpu.memory_space<vmem_shared>> -> memref<640xf32, #tpu.memory_space<vmem_shared>>
    %dma_wait3A_832 = arith.constant 0 : i32
    %dma_wait3A_833 = tpu.memref_slice %arg11[%dma_wait3A_826, %dma_wait3A_832] : memref<16x640xf32, #tpu.memory_space<vmem>> -> memref<1x640xf32, #tpu.memory_space<vmem>>
    %dma_wait3A_834 = tpu.memref_squeeze %dma_wait3A_833 : memref<1x640xf32, #tpu.memory_space<vmem>> -> memref<640xf32, #tpu.memory_space<vmem>>
    %dma_wait3A_835 = tpu.memref_slice %arg14[%dma_wait3A_825, %mul3A_426] : memref<16x10240xf32, #tpu.memory_space<vmem_shared>> -> memref<1x640xf32, #tpu.memory_space<vmem_shared>>
    %dma_wait3A_836 = tpu.memref_squeeze %dma_wait3A_835 : memref<1x640xf32, #tpu.memory_space<vmem_shared>> -> memref<640xf32, #tpu.memory_space<vmem_shared>>
    tpu.wait_dma2 semaphore(%arg16 : memref<!tpu.dma_semaphore, #tpu.memory_space<semaphore_mem>>) src(%dma_wait3A_836 : memref<640xf32, #tpu.memory_space<vmem_shared>>) dst(%dma_wait3A_834 : memref<640xf32, #tpu.memory_space<vmem>>)
    %dma_wait3A_837 = arith.constant 12 : i32
    %dma_wait3A_838 = arith.constant 12 : i32
    %dma_wait3A_839 = arith.constant 0 : i32
    %dma_wait3A_840 = tpu.memref_slice %arg12[%dma_wait3A_838, %dma_wait3A_839] : memref<16x640xf32, #tpu.memory_space<vmem>> -> memref<1x640xf32, #tpu.memory_space<vmem>>
    %dma_wait3A_841 = tpu.memref_squeeze %dma_wait3A_840 : memref<1x640xf32, #tpu.memory_space<vmem>> -> memref<640xf32, #tpu.memory_space<vmem>>
    %dma_wait3A_842 = tpu.memref_slice %arg15[%dma_wait3A_837, %mul3A_440] : memref<16x10240xf32, #tpu.memory_space<vmem_shared>> -> memref<1x640xf32, #tpu.memory_space<vmem_shared>>
    %dma_wait3A_843 = tpu.memref_squeeze %dma_wait3A_842 : memref<1x640xf32, #tpu.memory_space<vmem_shared>> -> memref<640xf32, #tpu.memory_space<vmem_shared>>
    %dma_wait3A_844 = arith.constant 0 : i32
    %dma_wait3A_845 = tpu.memref_slice %arg12[%dma_wait3A_838, %dma_wait3A_844] : memref<16x640xf32, #tpu.memory_space<vmem>> -> memref<1x640xf32, #tpu.memory_space<vmem>>
    %dma_wait3A_846 = tpu.memref_squeeze %dma_wait3A_845 : memref<1x640xf32, #tpu.memory_space<vmem>> -> memref<640xf32, #tpu.memory_space<vmem>>
    %dma_wait3A_847 = tpu.memref_slice %arg15[%dma_wait3A_837, %mul3A_440] : memref<16x10240xf32, #tpu.memory_space<vmem_shared>> -> memref<1x640xf32, #tpu.memory_space<vmem_shared>>
    %dma_wait3A_848 = tpu.memref_squeeze %dma_wait3A_847 : memref<1x640xf32, #tpu.memory_space<vmem_shared>> -> memref<640xf32, #tpu.memory_space<vmem_shared>>
    tpu.wait_dma2 semaphore(%arg16 : memref<!tpu.dma_semaphore, #tpu.memory_space<semaphore_mem>>) src(%dma_wait3A_848 : memref<640xf32, #tpu.memory_space<vmem_shared>>) dst(%dma_wait3A_846 : memref<640xf32, #tpu.memory_space<vmem>>)
    %dma_wait3A_849 = arith.constant 13 : i32
    %dma_wait3A_850 = arith.constant 13 : i32
    %dma_wait3A_851 = arith.constant 0 : i32
    %dma_wait3A_852 = tpu.memref_slice %arg11[%dma_wait3A_850, %dma_wait3A_851] : memref<16x640xf32, #tpu.memory_space<vmem>> -> memref<1x640xf32, #tpu.memory_space<vmem>>
    %dma_wait3A_853 = tpu.memref_squeeze %dma_wait3A_852 : memref<1x640xf32, #tpu.memory_space<vmem>> -> memref<640xf32, #tpu.memory_space<vmem>>
    %dma_wait3A_854 = tpu.memref_slice %arg14[%dma_wait3A_849, %mul3A_454] : memref<16x10240xf32, #tpu.memory_space<vmem_shared>> -> memref<1x640xf32, #tpu.memory_space<vmem_shared>>
    %dma_wait3A_855 = tpu.memref_squeeze %dma_wait3A_854 : memref<1x640xf32, #tpu.memory_space<vmem_shared>> -> memref<640xf32, #tpu.memory_space<vmem_shared>>
    %dma_wait3A_856 = arith.constant 0 : i32
    %dma_wait3A_857 = tpu.memref_slice %arg11[%dma_wait3A_850, %dma_wait3A_856] : memref<16x640xf32, #tpu.memory_space<vmem>> -> memref<1x640xf32, #tpu.memory_space<vmem>>
    %dma_wait3A_858 = tpu.memref_squeeze %dma_wait3A_857 : memref<1x640xf32, #tpu.memory_space<vmem>> -> memref<640xf32, #tpu.memory_space<vmem>>
    %dma_wait3A_859 = tpu.memref_slice %arg14[%dma_wait3A_849, %mul3A_454] : memref<16x10240xf32, #tpu.memory_space<vmem_shared>> -> memref<1x640xf32, #tpu.memory_space<vmem_shared>>
    %dma_wait3A_860 = tpu.memref_squeeze %dma_wait3A_859 : memref<1x640xf32, #tpu.memory_space<vmem_shared>> -> memref<640xf32, #tpu.memory_space<vmem_shared>>
    tpu.wait_dma2 semaphore(%arg16 : memref<!tpu.dma_semaphore, #tpu.memory_space<semaphore_mem>>) src(%dma_wait3A_860 : memref<640xf32, #tpu.memory_space<vmem_shared>>) dst(%dma_wait3A_858 : memref<640xf32, #tpu.memory_space<vmem>>)
    %dma_wait3A_861 = arith.constant 13 : i32
    %dma_wait3A_862 = arith.constant 13 : i32
    %dma_wait3A_863 = arith.constant 0 : i32
    %dma_wait3A_864 = tpu.memref_slice %arg12[%dma_wait3A_862, %dma_wait3A_863] : memref<16x640xf32, #tpu.memory_space<vmem>> -> memref<1x640xf32, #tpu.memory_space<vmem>>
    %dma_wait3A_865 = tpu.memref_squeeze %dma_wait3A_864 : memref<1x640xf32, #tpu.memory_space<vmem>> -> memref<640xf32, #tpu.memory_space<vmem>>
    %dma_wait3A_866 = tpu.memref_slice %arg15[%dma_wait3A_861, %mul3A_468] : memref<16x10240xf32, #tpu.memory_space<vmem_shared>> -> memref<1x640xf32, #tpu.memory_space<vmem_shared>>
    %dma_wait3A_867 = tpu.memref_squeeze %dma_wait3A_866 : memref<1x640xf32, #tpu.memory_space<vmem_shared>> -> memref<640xf32, #tpu.memory_space<vmem_shared>>
    %dma_wait3A_868 = arith.constant 0 : i32
    %dma_wait3A_869 = tpu.memref_slice %arg12[%dma_wait3A_862, %dma_wait3A_868] : memref<16x640xf32, #tpu.memory_space<vmem>> -> memref<1x640xf32, #tpu.memory_space<vmem>>
    %dma_wait3A_870 = tpu.memref_squeeze %dma_wait3A_869 : memref<1x640xf32, #tpu.memory_space<vmem>> -> memref<640xf32, #tpu.memory_space<vmem>>
    %dma_wait3A_871 = tpu.memref_slice %arg15[%dma_wait3A_861, %mul3A_468] : memref<16x10240xf32, #tpu.memory_space<vmem_shared>> -> memref<1x640xf32, #tpu.memory_space<vmem_shared>>
    %dma_wait3A_872 = tpu.memref_squeeze %dma_wait3A_871 : memref<1x640xf32, #tpu.memory_space<vmem_shared>> -> memref<640xf32, #tpu.memory_space<vmem_shared>>
    tpu.wait_dma2 semaphore(%arg16 : memref<!tpu.dma_semaphore, #tpu.memory_space<semaphore_mem>>) src(%dma_wait3A_872 : memref<640xf32, #tpu.memory_space<vmem_shared>>) dst(%dma_wait3A_870 : memref<640xf32, #tpu.memory_space<vmem>>)
    %dma_wait3A_873 = arith.constant 14 : i32
    %dma_wait3A_874 = arith.constant 14 : i32
    %dma_wait3A_875 = arith.constant 0 : i32
    %dma_wait3A_876 = tpu.memref_slice %arg11[%dma_wait3A_874, %dma_wait3A_875] : memref<16x640xf32, #tpu.memory_space<vmem>> -> memref<1x640xf32, #tpu.memory_space<vmem>>
    %dma_wait3A_877 = tpu.memref_squeeze %dma_wait3A_876 : memref<1x640xf32, #tpu.memory_space<vmem>> -> memref<640xf32, #tpu.memory_space<vmem>>
    %dma_wait3A_878 = tpu.memref_slice %arg14[%dma_wait3A_873, %mul3A_482] : memref<16x10240xf32, #tpu.memory_space<vmem_shared>> -> memref<1x640xf32, #tpu.memory_space<vmem_shared>>
    %dma_wait3A_879 = tpu.memref_squeeze %dma_wait3A_878 : memref<1x640xf32, #tpu.memory_space<vmem_shared>> -> memref<640xf32, #tpu.memory_space<vmem_shared>>
    %dma_wait3A_880 = arith.constant 0 : i32
    %dma_wait3A_881 = tpu.memref_slice %arg11[%dma_wait3A_874, %dma_wait3A_880] : memref<16x640xf32, #tpu.memory_space<vmem>> -> memref<1x640xf32, #tpu.memory_space<vmem>>
    %dma_wait3A_882 = tpu.memref_squeeze %dma_wait3A_881 : memref<1x640xf32, #tpu.memory_space<vmem>> -> memref<640xf32, #tpu.memory_space<vmem>>
    %dma_wait3A_883 = tpu.memref_slice %arg14[%dma_wait3A_873, %mul3A_482] : memref<16x10240xf32, #tpu.memory_space<vmem_shared>> -> memref<1x640xf32, #tpu.memory_space<vmem_shared>>
    %dma_wait3A_884 = tpu.memref_squeeze %dma_wait3A_883 : memref<1x640xf32, #tpu.memory_space<vmem_shared>> -> memref<640xf32, #tpu.memory_space<vmem_shared>>
    tpu.wait_dma2 semaphore(%arg16 : memref<!tpu.dma_semaphore, #tpu.memory_space<semaphore_mem>>) src(%dma_wait3A_884 : memref<640xf32, #tpu.memory_space<vmem_shared>>) dst(%dma_wait3A_882 : memref<640xf32, #tpu.memory_space<vmem>>)
    %dma_wait3A_885 = arith.constant 14 : i32
    %dma_wait3A_886 = arith.constant 14 : i32
    %dma_wait3A_887 = arith.constant 0 : i32
    %dma_wait3A_888 = tpu.memref_slice %arg12[%dma_wait3A_886, %dma_wait3A_887] : memref<16x640xf32, #tpu.memory_space<vmem>> -> memref<1x640xf32, #tpu.memory_space<vmem>>
    %dma_wait3A_889 = tpu.memref_squeeze %dma_wait3A_888 : memref<1x640xf32, #tpu.memory_space<vmem>> -> memref<640xf32, #tpu.memory_space<vmem>>
    %dma_wait3A_890 = tpu.memref_slice %arg15[%dma_wait3A_885, %mul3A_496] : memref<16x10240xf32, #tpu.memory_space<vmem_shared>> -> memref<1x640xf32, #tpu.memory_space<vmem_shared>>
    %dma_wait3A_891 = tpu.memref_squeeze %dma_wait3A_890 : memref<1x640xf32, #tpu.memory_space<vmem_shared>> -> memref<640xf32, #tpu.memory_space<vmem_shared>>
    %dma_wait3A_892 = arith.constant 0 : i32
    %dma_wait3A_893 = tpu.memref_slice %arg12[%dma_wait3A_886, %dma_wait3A_892] : memref<16x640xf32, #tpu.memory_space<vmem>> -> memref<1x640xf32, #tpu.memory_space<vmem>>
    %dma_wait3A_894 = tpu.memref_squeeze %dma_wait3A_893 : memref<1x640xf32, #tpu.memory_space<vmem>> -> memref<640xf32, #tpu.memory_space<vmem>>
    %dma_wait3A_895 = tpu.memref_slice %arg15[%dma_wait3A_885, %mul3A_496] : memref<16x10240xf32, #tpu.memory_space<vmem_shared>> -> memref<1x640xf32, #tpu.memory_space<vmem_shared>>
    %dma_wait3A_896 = tpu.memref_squeeze %dma_wait3A_895 : memref<1x640xf32, #tpu.memory_space<vmem_shared>> -> memref<640xf32, #tpu.memory_space<vmem_shared>>
    tpu.wait_dma2 semaphore(%arg16 : memref<!tpu.dma_semaphore, #tpu.memory_space<semaphore_mem>>) src(%dma_wait3A_896 : memref<640xf32, #tpu.memory_space<vmem_shared>>) dst(%dma_wait3A_894 : memref<640xf32, #tpu.memory_space<vmem>>)
    %dma_wait3A_897 = arith.constant 15 : i32
    %dma_wait3A_898 = arith.constant 15 : i32
    %dma_wait3A_899 = arith.constant 0 : i32
    %dma_wait3A_900 = tpu.memref_slice %arg11[%dma_wait3A_898, %dma_wait3A_899] : memref<16x640xf32, #tpu.memory_space<vmem>> -> memref<1x640xf32, #tpu.memory_space<vmem>>
    %dma_wait3A_901 = tpu.memref_squeeze %dma_wait3A_900 : memref<1x640xf32, #tpu.memory_space<vmem>> -> memref<640xf32, #tpu.memory_space<vmem>>
    %dma_wait3A_902 = tpu.memref_slice %arg14[%dma_wait3A_897, %mul3A_510] : memref<16x10240xf32, #tpu.memory_space<vmem_shared>> -> memref<1x640xf32, #tpu.memory_space<vmem_shared>>
    %dma_wait3A_903 = tpu.memref_squeeze %dma_wait3A_902 : memref<1x640xf32, #tpu.memory_space<vmem_shared>> -> memref<640xf32, #tpu.memory_space<vmem_shared>>
    %dma_wait3A_904 = arith.constant 0 : i32
    %dma_wait3A_905 = tpu.memref_slice %arg11[%dma_wait3A_898, %dma_wait3A_904] : memref<16x640xf32, #tpu.memory_space<vmem>> -> memref<1x640xf32, #tpu.memory_space<vmem>>
    %dma_wait3A_906 = tpu.memref_squeeze %dma_wait3A_905 : memref<1x640xf32, #tpu.memory_space<vmem>> -> memref<640xf32, #tpu.memory_space<vmem>>
    %dma_wait3A_907 = tpu.memref_slice %arg14[%dma_wait3A_897, %mul3A_510] : memref<16x10240xf32, #tpu.memory_space<vmem_shared>> -> memref<1x640xf32, #tpu.memory_space<vmem_shared>>
    %dma_wait3A_908 = tpu.memref_squeeze %dma_wait3A_907 : memref<1x640xf32, #tpu.memory_space<vmem_shared>> -> memref<640xf32, #tpu.memory_space<vmem_shared>>
    tpu.wait_dma2 semaphore(%arg16 : memref<!tpu.dma_semaphore, #tpu.memory_space<semaphore_mem>>) src(%dma_wait3A_908 : memref<640xf32, #tpu.memory_space<vmem_shared>>) dst(%dma_wait3A_906 : memref<640xf32, #tpu.memory_space<vmem>>)
    %dma_wait3A_909 = arith.constant 15 : i32
    %dma_wait3A_910 = arith.constant 15 : i32
    %dma_wait3A_911 = arith.constant 0 : i32
    %dma_wait3A_912 = tpu.memref_slice %arg12[%dma_wait3A_910, %dma_wait3A_911] : memref<16x640xf32, #tpu.memory_space<vmem>> -> memref<1x640xf32, #tpu.memory_space<vmem>>
    %dma_wait3A_913 = tpu.memref_squeeze %dma_wait3A_912 : memref<1x640xf32, #tpu.memory_space<vmem>> -> memref<640xf32, #tpu.memory_space<vmem>>
    %dma_wait3A_914 = tpu.memref_slice %arg15[%dma_wait3A_909, %mul3A_524] : memref<16x10240xf32, #tpu.memory_space<vmem_shared>> -> memref<1x640xf32, #tpu.memory_space<vmem_shared>>
    %dma_wait3A_915 = tpu.memref_squeeze %dma_wait3A_914 : memref<1x640xf32, #tpu.memory_space<vmem_shared>> -> memref<640xf32, #tpu.memory_space<vmem_shared>>
    %dma_wait3A_916 = arith.constant 0 : i32
    %dma_wait3A_917 = tpu.memref_slice %arg12[%dma_wait3A_910, %dma_wait3A_916] : memref<16x640xf32, #tpu.memory_space<vmem>> -> memref<1x640xf32, #tpu.memory_space<vmem>>
    %dma_wait3A_918 = tpu.memref_squeeze %dma_wait3A_917 : memref<1x640xf32, #tpu.memory_space<vmem>> -> memref<640xf32, #tpu.memory_space<vmem>>
    %dma_wait3A_919 = tpu.memref_slice %arg15[%dma_wait3A_909, %mul3A_524] : memref<16x10240xf32, #tpu.memory_space<vmem_shared>> -> memref<1x640xf32, #tpu.memory_space<vmem_shared>>
    %dma_wait3A_920 = tpu.memref_squeeze %dma_wait3A_919 : memref<1x640xf32, #tpu.memory_space<vmem_shared>> -> memref<640xf32, #tpu.memory_space<vmem_shared>>
    tpu.wait_dma2 semaphore(%arg16 : memref<!tpu.dma_semaphore, #tpu.memory_space<semaphore_mem>>) src(%dma_wait3A_920 : memref<640xf32, #tpu.memory_space<vmem_shared>>) dst(%dma_wait3A_918 : memref<640xf32, #tpu.memory_space<vmem>>)
    %parallel_loop3A_921 = arith.constant 0 : i32
    %parallel_loop3A_922 = arith.constant 40 : i32
    %parallel_loop3A_923 = arith.constant 1 : i32
    scf.for %parallel_loop3A_926 = %parallel_loop3A_921 to %parallel_loop3A_922 step %parallel_loop3A_923  : i32 {
      %parallel_loop3A_927 = arith.constant 16 : i32
      %parallel_loop3A_928 = arith.muli %parallel_loop3A_926, %parallel_loop3A_927 : i32
      %parallel_loop3A_929 = arith.constant 0 : i32
      %parallel_loop3A_930 = arith.index_cast %parallel_loop3A_929 : i32 to index
      %parallel_loop3A_931 = arith.index_cast %parallel_loop3A_928 : i32 to index
      %parallel_loop3A_932 = tpu.vector_load %arg11[%parallel_loop3A_930, %parallel_loop3A_931] {strides = array<i32>} : memref<16x640xf32, #tpu.memory_space<vmem>>, vector<16xf32>,
      %parallel_loop3A_933 = arith.constant 0 : i32
      %parallel_loop3A_934 = arith.index_cast %parallel_loop3A_933 : i32 to index
      %parallel_loop3A_935 = arith.index_cast %parallel_loop3A_928 : i32 to index
      %parallel_loop3A_936 = tpu.vector_load %arg12[%parallel_loop3A_934, %parallel_loop3A_935] {strides = array<i32>} : memref<16x640xf32, #tpu.memory_space<vmem>>, vector<16xf32>,
      %parallel_loop3A_937 = arith.constant 1 : i32
      %parallel_loop3A_938 = arith.index_cast %parallel_loop3A_937 : i32 to index
      %parallel_loop3A_939 = arith.index_cast %parallel_loop3A_928 : i32 to index
      %parallel_loop3A_940 = tpu.vector_load %arg11[%parallel_loop3A_938, %parallel_loop3A_939] {strides = array<i32>} : memref<16x640xf32, #tpu.memory_space<vmem>>, vector<16xf32>,
      %parallel_loop3A_941 = arith.addf %parallel_loop3A_932, %parallel_loop3A_940 : vector<16xf32>
      %parallel_loop3A_942 = arith.constant 1 : i32
      %parallel_loop3A_943 = arith.index_cast %parallel_loop3A_942 : i32 to index
      %parallel_loop3A_944 = arith.index_cast %parallel_loop3A_928 : i32 to index
      %parallel_loop3A_945 = tpu.vector_load %arg12[%parallel_loop3A_943, %parallel_loop3A_944] {strides = array<i32>} : memref<16x640xf32, #tpu.memory_space<vmem>>, vector<16xf32>,
      %parallel_loop3A_946 = arith.addf %parallel_loop3A_936, %parallel_loop3A_945 : vector<16xf32>
      %parallel_loop3A_947 = arith.constant 2 : i32
      %parallel_loop3A_948 = arith.index_cast %parallel_loop3A_947 : i32 to index
      %parallel_loop3A_949 = arith.index_cast %parallel_loop3A_928 : i32 to index
      %parallel_loop3A_950 = tpu.vector_load %arg11[%parallel_loop3A_948, %parallel_loop3A_949] {strides = array<i32>} : memref<16x640xf32, #tpu.memory_space<vmem>>, vector<16xf32>,
      %parallel_loop3A_951 = arith.addf %parallel_loop3A_941, %parallel_loop3A_950 : vector<16xf32>
      %parallel_loop3A_952 = arith.constant 2 : i32
      %parallel_loop3A_953 = arith.index_cast %parallel_loop3A_952 : i32 to index
      %parallel_loop3A_954 = arith.index_cast %parallel_loop3A_928 : i32 to index
      %parallel_loop3A_955 = tpu.vector_load %arg12[%parallel_loop3A_953, %parallel_loop3A_954] {strides = array<i32>} : memref<16x640xf32, #tpu.memory_space<vmem>>, vector<16xf32>,
      %parallel_loop3A_956 = arith.addf %parallel_loop3A_946, %parallel_loop3A_955 : vector<16xf32>
      %parallel_loop3A_957 = arith.constant 3 : i32
      %parallel_loop3A_958 = arith.index_cast %parallel_loop3A_957 : i32 to index
      %parallel_loop3A_959 = arith.index_cast %parallel_loop3A_928 : i32 to index
      %parallel_loop3A_960 = tpu.vector_load %arg11[%parallel_loop3A_958, %parallel_loop3A_959] {strides = array<i32>} : memref<16x640xf32, #tpu.memory_space<vmem>>, vector<16xf32>,
      %parallel_loop3A_961 = arith.addf %parallel_loop3A_951, %parallel_loop3A_960 : vector<16xf32>
      %parallel_loop3A_962 = arith.constant 3 : i32
      %parallel_loop3A_963 = arith.index_cast %parallel_loop3A_962 : i32 to index
      %parallel_loop3A_964 = arith.index_cast %parallel_loop3A_928 : i32 to index
      %parallel_loop3A_965 = tpu.vector_load %arg12[%parallel_loop3A_963, %parallel_loop3A_964] {strides = array<i32>} : memref<16x640xf32, #tpu.memory_space<vmem>>, vector<16xf32>,
      %parallel_loop3A_966 = arith.addf %parallel_loop3A_956, %parallel_loop3A_965 : vector<16xf32>
      %parallel_loop3A_967 = arith.constant 4 : i32
      %parallel_loop3A_968 = arith.index_cast %parallel_loop3A_967 : i32 to index
      %parallel_loop3A_969 = arith.index_cast %parallel_loop3A_928 : i32 to index
      %parallel_loop3A_970 = tpu.vector_load %arg11[%parallel_loop3A_968, %parallel_loop3A_969] {strides = array<i32>} : memref<16x640xf32, #tpu.memory_space<vmem>>, vector<16xf32>,
      %parallel_loop3A_971 = arith.addf %parallel_loop3A_961, %parallel_loop3A_970 : vector<16xf32>
      %parallel_loop3A_972 = arith.constant 4 : i32
      %parallel_loop3A_973 = arith.index_cast %parallel_loop3A_972 : i32 to index
      %parallel_loop3A_974 = arith.index_cast %parallel_loop3A_928 : i32 to index
      %parallel_loop3A_975 = tpu.vector_load %arg12[%parallel_loop3A_973, %parallel_loop3A_974] {strides = array<i32>} : memref<16x640xf32, #tpu.memory_space<vmem>>, vector<16xf32>,
      %parallel_loop3A_976 = arith.addf %parallel_loop3A_966, %parallel_loop3A_975 : vector<16xf32>
      %parallel_loop3A_977 = arith.constant 5 : i32
      %parallel_loop3A_978 = arith.index_cast %parallel_loop3A_977 : i32 to index
      %parallel_loop3A_979 = arith.index_cast %parallel_loop3A_928 : i32 to index
      %parallel_loop3A_980 = tpu.vector_load %arg11[%parallel_loop3A_978, %parallel_loop3A_979] {strides = array<i32>} : memref<16x640xf32, #tpu.memory_space<vmem>>, vector<16xf32>,
      %parallel_loop3A_981 = arith.addf %parallel_loop3A_971, %parallel_loop3A_980 : vector<16xf32>
      %parallel_loop3A_982 = arith.constant 5 : i32
      %parallel_loop3A_983 = arith.index_cast %parallel_loop3A_982 : i32 to index
      %parallel_loop3A_984 = arith.index_cast %parallel_loop3A_928 : i32 to index
      %parallel_loop3A_985 = tpu.vector_load %arg12[%parallel_loop3A_983, %parallel_loop3A_984] {strides = array<i32>} : memref<16x640xf32, #tpu.memory_space<vmem>>, vector<16xf32>,
      %parallel_loop3A_986 = arith.addf %parallel_loop3A_976, %parallel_loop3A_985 : vector<16xf32>
      %parallel_loop3A_987 = arith.constant 6 : i32
      %parallel_loop3A_988 = arith.index_cast %parallel_loop3A_987 : i32 to index
      %parallel_loop3A_989 = arith.index_cast %parallel_loop3A_928 : i32 to index
      %parallel_loop3A_990 = tpu.vector_load %arg11[%parallel_loop3A_988, %parallel_loop3A_989] {strides = array<i32>} : memref<16x640xf32, #tpu.memory_space<vmem>>, vector<16xf32>,
      %parallel_loop3A_991 = arith.addf %parallel_loop3A_981, %parallel_loop3A_990 : vector<16xf32>
      %parallel_loop3A_992 = arith.constant 6 : i32
      %parallel_loop3A_993 = arith.index_cast %parallel_loop3A_992 : i32 to index
      %parallel_loop3A_994 = arith.index_cast %parallel_loop3A_928 : i32 to index
      %parallel_loop3A_995 = tpu.vector_load %arg12[%parallel_loop3A_993, %parallel_loop3A_994] {strides = array<i32>} : memref<16x640xf32, #tpu.memory_space<vmem>>, vector<16xf32>,
      %parallel_loop3A_996 = arith.addf %parallel_loop3A_986, %parallel_loop3A_995 : vector<16xf32>
      %parallel_loop3A_997 = arith.constant 7 : i32
      %parallel_loop3A_998 = arith.index_cast %parallel_loop3A_997 : i32 to index
      %parallel_loop3A_999 = arith.index_cast %parallel_loop3A_928 : i32 to index
      %parallel_loop3A_1000 = tpu.vector_load %arg11[%parallel_loop3A_998, %parallel_loop3A_999] {strides = array<i32>} : memref<16x640xf32, #tpu.memory_space<vmem>>, vector<16xf32>,
      %parallel_loop3A_1001 = arith.addf %parallel_loop3A_991, %parallel_loop3A_1000 : vector<16xf32>
      %parallel_loop3A_1002 = arith.constant 7 : i32
      %parallel_loop3A_1003 = arith.index_cast %parallel_loop3A_1002 : i32 to index
      %parallel_loop3A_1004 = arith.index_cast %parallel_loop3A_928 : i32 to index
      %parallel_loop3A_1005 = tpu.vector_load %arg12[%parallel_loop3A_1003, %parallel_loop3A_1004] {strides = array<i32>} : memref<16x640xf32, #tpu.memory_space<vmem>>, vector<16xf32>,
      %parallel_loop3A_1006 = arith.addf %parallel_loop3A_996, %parallel_loop3A_1005 : vector<16xf32>
      %parallel_loop3A_1007 = arith.constant 8 : i32
      %parallel_loop3A_1008 = arith.index_cast %parallel_loop3A_1007 : i32 to index
      %parallel_loop3A_1009 = arith.index_cast %parallel_loop3A_928 : i32 to index
      %parallel_loop3A_1010 = tpu.vector_load %arg11[%parallel_loop3A_1008, %parallel_loop3A_1009] {strides = array<i32>} : memref<16x640xf32, #tpu.memory_space<vmem>>, vector<16xf32>,
      %parallel_loop3A_1011 = arith.addf %parallel_loop3A_1001, %parallel_loop3A_1010 : vector<16xf32>
      %parallel_loop3A_1012 = arith.constant 8 : i32
      %parallel_loop3A_1013 = arith.index_cast %parallel_loop3A_1012 : i32 to index
      %parallel_loop3A_1014 = arith.index_cast %parallel_loop3A_928 : i32 to index
      %parallel_loop3A_1015 = tpu.vector_load %arg12[%parallel_loop3A_1013, %parallel_loop3A_1014] {strides = array<i32>} : memref<16x640xf32, #tpu.memory_space<vmem>>, vector<16xf32>,
      %parallel_loop3A_1016 = arith.addf %parallel_loop3A_1006, %parallel_loop3A_1015 : vector<16xf32>
      %parallel_loop3A_1017 = arith.constant 9 : i32
      %parallel_loop3A_1018 = arith.index_cast %parallel_loop3A_1017 : i32 to index
      %parallel_loop3A_1019 = arith.index_cast %parallel_loop3A_928 : i32 to index
      %parallel_loop3A_1020 = tpu.vector_load %arg11[%parallel_loop3A_1018, %parallel_loop3A_1019] {strides = array<i32>} : memref<16x640xf32, #tpu.memory_space<vmem>>, vector<16xf32>,
      %parallel_loop3A_1021 = arith.addf %parallel_loop3A_1011, %parallel_loop3A_1020 : vector<16xf32>
      %parallel_loop3A_1022 = arith.constant 9 : i32
      %parallel_loop3A_1023 = arith.index_cast %parallel_loop3A_1022 : i32 to index
      %parallel_loop3A_1024 = arith.index_cast %parallel_loop3A_928 : i32 to index
      %parallel_loop3A_1025 = tpu.vector_load %arg12[%parallel_loop3A_1023, %parallel_loop3A_1024] {strides = array<i32>} : memref<16x640xf32, #tpu.memory_space<vmem>>, vector<16xf32>,
      %parallel_loop3A_1026 = arith.addf %parallel_loop3A_1016, %parallel_loop3A_1025 : vector<16xf32>
      %parallel_loop3A_1027 = arith.constant 10 : i32
      %parallel_loop3A_1028 = arith.index_cast %parallel_loop3A_1027 : i32 to index
      %parallel_loop3A_1029 = arith.index_cast %parallel_loop3A_928 : i32 to index
      %parallel_loop3A_1030 = tpu.vector_load %arg11[%parallel_loop3A_1028, %parallel_loop3A_1029] {strides = array<i32>} : memref<16x640xf32, #tpu.memory_space<vmem>>, vector<16xf32>,
      %parallel_loop3A_1031 = arith.addf %parallel_loop3A_1021, %parallel_loop3A_1030 : vector<16xf32>
      %parallel_loop3A_1032 = arith.constant 10 : i32
      %parallel_loop3A_1033 = arith.index_cast %parallel_loop3A_1032 : i32 to index
      %parallel_loop3A_1034 = arith.index_cast %parallel_loop3A_928 : i32 to index
      %parallel_loop3A_1035 = tpu.vector_load %arg12[%parallel_loop3A_1033, %parallel_loop3A_1034] {strides = array<i32>} : memref<16x640xf32, #tpu.memory_space<vmem>>, vector<16xf32>,
      %parallel_loop3A_1036 = arith.addf %parallel_loop3A_1026, %parallel_loop3A_1035 : vector<16xf32>
      %parallel_loop3A_1037 = arith.constant 11 : i32
      %parallel_loop3A_1038 = arith.index_cast %parallel_loop3A_1037 : i32 to index
      %parallel_loop3A_1039 = arith.index_cast %parallel_loop3A_928 : i32 to index
      %parallel_loop3A_1040 = tpu.vector_load %arg11[%parallel_loop3A_1038, %parallel_loop3A_1039] {strides = array<i32>} : memref<16x640xf32, #tpu.memory_space<vmem>>, vector<16xf32>,
      %parallel_loop3A_1041 = arith.addf %parallel_loop3A_1031, %parallel_loop3A_1040 : vector<16xf32>
      %parallel_loop3A_1042 = arith.constant 11 : i32
      %parallel_loop3A_1043 = arith.index_cast %parallel_loop3A_1042 : i32 to index
      %parallel_loop3A_1044 = arith.index_cast %parallel_loop3A_928 : i32 to index
      %parallel_loop3A_1045 = tpu.vector_load %arg12[%parallel_loop3A_1043, %parallel_loop3A_1044] {strides = array<i32>} : memref<16x640xf32, #tpu.memory_space<vmem>>, vector<16xf32>,
      %parallel_loop3A_1046 = arith.addf %parallel_loop3A_1036, %parallel_loop3A_1045 : vector<16xf32>
      %parallel_loop3A_1047 = arith.constant 12 : i32
      %parallel_loop3A_1048 = arith.index_cast %parallel_loop3A_1047 : i32 to index
      %parallel_loop3A_1049 = arith.index_cast %parallel_loop3A_928 : i32 to index
      %parallel_loop3A_1050 = tpu.vector_load %arg11[%parallel_loop3A_1048, %parallel_loop3A_1049] {strides = array<i32>} : memref<16x640xf32, #tpu.memory_space<vmem>>, vector<16xf32>,
      %parallel_loop3A_1051 = arith.addf %parallel_loop3A_1041, %parallel_loop3A_1050 : vector<16xf32>
      %parallel_loop3A_1052 = arith.constant 12 : i32
      %parallel_loop3A_1053 = arith.index_cast %parallel_loop3A_1052 : i32 to index
      %parallel_loop3A_1054 = arith.index_cast %parallel_loop3A_928 : i32 to index
      %parallel_loop3A_1055 = tpu.vector_load %arg12[%parallel_loop3A_1053, %parallel_loop3A_1054] {strides = array<i32>} : memref<16x640xf32, #tpu.memory_space<vmem>>, vector<16xf32>,
      %parallel_loop3A_1056 = arith.addf %parallel_loop3A_1046, %parallel_loop3A_1055 : vector<16xf32>
      %parallel_loop3A_1057 = arith.constant 13 : i32
      %parallel_loop3A_1058 = arith.index_cast %parallel_loop3A_1057 : i32 to index
      %parallel_loop3A_1059 = arith.index_cast %parallel_loop3A_928 : i32 to index
      %parallel_loop3A_1060 = tpu.vector_load %arg11[%parallel_loop3A_1058, %parallel_loop3A_1059] {strides = array<i32>} : memref<16x640xf32, #tpu.memory_space<vmem>>, vector<16xf32>,
      %parallel_loop3A_1061 = arith.addf %parallel_loop3A_1051, %parallel_loop3A_1060 : vector<16xf32>
      %parallel_loop3A_1062 = arith.constant 13 : i32
      %parallel_loop3A_1063 = arith.index_cast %parallel_loop3A_1062 : i32 to index
      %parallel_loop3A_1064 = arith.index_cast %parallel_loop3A_928 : i32 to index
      %parallel_loop3A_1065 = tpu.vector_load %arg12[%parallel_loop3A_1063, %parallel_loop3A_1064] {strides = array<i32>} : memref<16x640xf32, #tpu.memory_space<vmem>>, vector<16xf32>,
      %parallel_loop3A_1066 = arith.addf %parallel_loop3A_1056, %parallel_loop3A_1065 : vector<16xf32>
      %parallel_loop3A_1067 = arith.constant 14 : i32
      %parallel_loop3A_1068 = arith.index_cast %parallel_loop3A_1067 : i32 to index
      %parallel_loop3A_1069 = arith.index_cast %parallel_loop3A_928 : i32 to index
      %parallel_loop3A_1070 = tpu.vector_load %arg11[%parallel_loop3A_1068, %parallel_loop3A_1069] {strides = array<i32>} : memref<16x640xf32, #tpu.memory_space<vmem>>, vector<16xf32>,
      %parallel_loop3A_1071 = arith.addf %parallel_loop3A_1061, %parallel_loop3A_1070 : vector<16xf32>
      %parallel_loop3A_1072 = arith.constant 14 : i32
      %parallel_loop3A_1073 = arith.index_cast %parallel_loop3A_1072 : i32 to index
      %parallel_loop3A_1074 = arith.index_cast %parallel_loop3A_928 : i32 to index
      %parallel_loop3A_1075 = tpu.vector_load %arg12[%parallel_loop3A_1073, %parallel_loop3A_1074] {strides = array<i32>} : memref<16x640xf32, #tpu.memory_space<vmem>>, vector<16xf32>,
      %parallel_loop3A_1076 = arith.addf %parallel_loop3A_1066, %parallel_loop3A_1075 : vector<16xf32>
      %parallel_loop3A_1077 = arith.constant 15 : i32
      %parallel_loop3A_1078 = arith.index_cast %parallel_loop3A_1077 : i32 to index
      %parallel_loop3A_1079 = arith.index_cast %parallel_loop3A_928 : i32 to index
      %parallel_loop3A_1080 = tpu.vector_load %arg11[%parallel_loop3A_1078, %parallel_loop3A_1079] {strides = array<i32>} : memref<16x640xf32, #tpu.memory_space<vmem>>, vector<16xf32>,
      %parallel_loop3A_1081 = arith.addf %parallel_loop3A_1071, %parallel_loop3A_1080 : vector<16xf32>
      %parallel_loop3A_1082 = arith.constant 15 : i32
      %parallel_loop3A_1083 = arith.index_cast %parallel_loop3A_1082 : i32 to index
      %parallel_loop3A_1084 = arith.index_cast %parallel_loop3A_928 : i32 to index
      %parallel_loop3A_1085 = tpu.vector_load %arg12[%parallel_loop3A_1083, %parallel_loop3A_1084] {strides = array<i32>} : memref<16x640xf32, #tpu.memory_space<vmem>>, vector<16xf32>,
      %parallel_loop3A_1086 = arith.addf %parallel_loop3A_1076, %parallel_loop3A_1085 : vector<16xf32>
      %parallel_loop3A_1087 = arith.constant 1.000000e-16 : f32
      %parallel_loop3A_1088 = vector.broadcast %parallel_loop3A_1087 : f32 to vector<16xf32>
      %parallel_loop3A_1089 = arith.addf %parallel_loop3A_1081, %parallel_loop3A_1088 : vector<16xf32>
      %parallel_loop3A_1090 = arith.divf %parallel_loop3A_1086, %parallel_loop3A_1089 : vector<16xf32>
      %parallel_loop3A_1091 = arith.index_cast %parallel_loop3A_928 : i32 to index
      %parallel_loop3A_1092 = tpu.vector_load %arg13[%parallel_loop3A_1091] {strides = array<i32>} : memref<640xf32, #tpu.memory_space<vmem>>, vector<16xf32>,
      tpu.vector_store %arg13[%parallel_loop3A_1091], %parallel_loop3A_1090 {strides = array<i32>} : memref<640xf32, #tpu.memory_space<vmem>>, vector<16xf32>,
    } {sc.loop_unroll_factor = 2 : i64, sc.parallel_access}
    %mul3A_924 = arith.constant 640 : i32
    %mul3A_925 = arith.muli %arg1, %mul3A_924 : i32
    %run_scoped3A = arith.constant 0 : i32
    "tpu.region"() ({
      %run_scoped3A_926 = tpu.sem_alloc : memref<!tpu.dma_semaphore, #tpu.memory_space<semaphore_mem>>
      %dma_start3A_927 = tpu.memref_slice %arg5[%arg0, %run_scoped3A, %mul3A_925] : memref<2x1x10240xf32, #tpu.memory_space<hbm>> -> memref<1x1x640xf32, #tpu.memory_space<hbm>>
      %dma_start3A_928 = tpu.memref_squeeze %dma_start3A_927 : memref<1x1x640xf32, #tpu.memory_space<hbm>> -> memref<640xf32, #tpu.memory_space<hbm>>
      %dma_start3A_929 = tpu.memref_slice %arg5[%arg0, %run_scoped3A, %mul3A_925] : memref<2x1x10240xf32, #tpu.memory_space<hbm>> -> memref<1x1x640xf32, #tpu.memory_space<hbm>>
      %dma_start3A_930 = tpu.memref_squeeze %dma_start3A_929 : memref<1x1x640xf32, #tpu.memory_space<hbm>> -> memref<640xf32, #tpu.memory_space<hbm>>
      tpu.enqueue_dma source(%arg13 : memref<640xf32, #tpu.memory_space<vmem>>) target(%dma_start3A_930 : memref<640xf32, #tpu.memory_space<hbm>>) target_semaphore(%run_scoped3A_926 : memref<!tpu.dma_semaphore, #tpu.memory_space<semaphore_mem>>)
      %dma_wait3A_931 = tpu.memref_slice %arg5[%arg0, %run_scoped3A, %mul3A_925] : memref<2x1x10240xf32, #tpu.memory_space<hbm>> -> memref<1x1x640xf32, #tpu.memory_space<hbm>>
      %dma_wait3A_932 = tpu.memref_squeeze %dma_wait3A_931 : memref<1x1x640xf32, #tpu.memory_space<hbm>> -> memref<640xf32, #tpu.memory_space<hbm>>
      %dma_wait3A_933 = tpu.memref_slice %arg5[%arg0, %run_scoped3A, %mul3A_925] : memref<2x1x10240xf32, #tpu.memory_space<hbm>> -> memref<1x1x640xf32, #tpu.memory_space<hbm>>
      %dma_wait3A_934 = tpu.memref_squeeze %dma_wait3A_933 : memref<1x1x640xf32, #tpu.memory_space<hbm>> -> memref<640xf32, #tpu.memory_space<hbm>>
      tpu.wait_dma2 semaphore(%run_scoped3A_926 : memref<!tpu.dma_semaphore, #tpu.memory_space<semaphore_mem>>) src(%arg13 : memref<640xf32, #tpu.memory_space<vmem>>) dst(%dma_wait3A_934 : memref<640xf32, #tpu.memory_space<hbm>>)
      tpu.yield
    }) : () -> ()
    return
  }
}

module attributes {stable_mosaic.version = 14 : i64} {
  func.func @_scores_tc(%arg0: i32, %arg1: memref<1x10000x128xf32, #tpu.memory_space<vmem>>, %arg2: memref<128x128xf32, #tpu.memory_space<vmem>>, %arg3: memref<1x256xf32, #tpu.memory_space<vmem>>, %arg4: memref<1x1xf32, #tpu.memory_space<smem>>, %arg5: memref<1x1x10240xf32, #tpu.memory_space<vmem>>, %arg6: memref<1x1x10240xf32, #tpu.memory_space<vmem>>, %arg7: memref<1x10000x128xbf16, #tpu.memory_space<vmem>>) attributes {dimension_semantics = [#tpu.dimension_semantics<arbitrary>], iteration_bounds = array<i64: 2>, scalar_prefetch = 0 : i64, scratch_operands = 0 : i64, tpu.core_type = #tpu.core_type<tc>, window_params = [{transform_indices = @transform_0, window_bounds = array<i64: 1, 10000, 128>}, {pipeline_mode = #tpu.pipeline_mode<synchronous>, transform_indices = @transform_1, window_bounds = array<i64: 128, 128>}, {pipeline_mode = #tpu.pipeline_mode<synchronous>, transform_indices = @transform_2, window_bounds = array<i64: 1, 256>}, {transform_indices = @transform_3, window_bounds = array<i64: 1, 1>}, {transform_indices = @transform_4, window_bounds = array<i64: 1, 1, 10240>}, {transform_indices = @transform_5, window_bounds = array<i64: 1, 1, 10240>}, {transform_indices = @transform_6, window_bounds = array<i64: 1, 10000, 128>}]} {
    %get3A = arith.constant 0 : index
    %get3A_0 = arith.constant 0 : index
    %get3A_1 = vector.load %arg2[%get3A, %get3A_0] : memref<128x128xf32, #tpu.memory_space<vmem>>, vector<128x128xf32>
    %get3A_2 = arith.constant 0 : index
    %get3A_3 = arith.constant 0 : index
    %get3A_4 = vector.load %arg3[%get3A_2, %get3A_3] : memref<1x256xf32, #tpu.memory_space<vmem>>, vector<1x256xf32>
    %get3A_5 = arith.constant 0 : index
    %get3A_6 = arith.constant 0 : index
    %get3A_7 = memref.load %arg4[%get3A_5, %get3A_6] : memref<1x1xf32, #tpu.memory_space<smem>>
    %get3A_8 = arith.constant 0 : index
    %get3A_9 = arith.constant 0 : index
    %get3A_10 = arith.constant 0 : index
    %get3A_11 = vector.load %arg1[%get3A_8, %get3A_9, %get3A_10] : memref<1x10000x128xf32, #tpu.memory_space<vmem>>, vector<1x10000x128xf32>
    %get3A_12 = vector.shape_cast %get3A_11 : vector<1x10000x128xf32> to vector<10000x128xf32>
    %dot_general3A = arith.constant dense<0.000000e+00> : vector<10000x128xf32>
    %dot_general3A_13 = tpu.matmul %get3A_12, %get3A_1, %dot_general3A {dimension_numbers = #tpu.dot_dimension_numbers<[1], [1], [0], [0], [0, 0, 1, 0], [], []>, transpose_lhs_hint = false} : vector<10000x128xf32>, vector<128x128xf32>, vector<10000x128xf32> -> vector<10000x128xf32>
    %convert_element_type3A = arith.truncf %dot_general3A_13 : vector<10000x128xf32> to vector<10000x128xbf16>
    %swap3A = arith.constant 0 : index
    %swap3A_14 = arith.constant 0 : index
    %swap3A_15 = arith.constant 0 : index
    %swap3A_16 = vector.load %arg7[%swap3A, %swap3A_14, %swap3A_15] : memref<1x10000x128xbf16, #tpu.memory_space<vmem>>, vector<1x10000x128xbf16>
    %swap3A_17 = vector.shape_cast %swap3A_16 : vector<1x10000x128xbf16> to vector<10000x128xbf16>
    %swap3A_18 = vector.shape_cast %convert_element_type3A : vector<10000x128xbf16> to vector<1x10000x128xbf16>
    tpu.vector_store %arg7[%swap3A, %swap3A_14, %swap3A_15], %swap3A_18 {strides = array<i32>} : memref<1x10000x128xbf16, #tpu.memory_space<vmem>>, vector<1x10000x128xbf16>,
    %slice3A = vector.extract_strided_slice %get3A_4 {offsets = [0, 0], sizes = [1, 128], strides = [1, 1]} : vector<1x256xf32> to vector<1x128xf32>
    %dot_general3A_19 = arith.constant dense<0.000000e+00> : vector<1x10000xf32>
    %dot_general3A_20 = tpu.matmul %slice3A, %dot_general3A_13, %dot_general3A_19 {dimension_numbers = #tpu.dot_dimension_numbers<[1], [1], [0], [0], [0, 0, 1, 0], [], []>, transpose_lhs_hint = false} : vector<1x128xf32>, vector<10000x128xf32>, vector<1x10000xf32> -> vector<1x10000xf32>
    %slice3A_21 = vector.extract_strided_slice %get3A_4 {offsets = [0, 128], sizes = [1, 128], strides = [1, 1]} : vector<1x256xf32> to vector<1x128xf32>
    %dot_general3A_22 = arith.constant dense<0.000000e+00> : vector<1x10000xf32>
    %dot_general3A_23 = tpu.matmul %slice3A_21, %dot_general3A_13, %dot_general3A_22 {dimension_numbers = #tpu.dot_dimension_numbers<[1], [1], [0], [0], [0, 0, 1, 0], [], []>, transpose_lhs_hint = false} : vector<1x128xf32>, vector<10000x128xf32>, vector<1x10000xf32> -> vector<1x10000xf32>
    %add3A = vector.broadcast %get3A_7 : f32 to vector<1x10000xf32>
    %add3A_24 = arith.addf %dot_general3A_20, %add3A : vector<1x10000xf32>
    %swap3A_25 = arith.constant 0 : index
    %swap3A_26 = arith.constant 0 : index
    %swap3A_27 = arith.constant 0 : index
    %swap3A_28 = vector.load %arg5[%swap3A_25, %swap3A_26, %swap3A_27] : memref<1x1x10240xf32, #tpu.memory_space<vmem>>, vector<1x1x10000xf32>
    %swap3A_29 = vector.shape_cast %swap3A_28 : vector<1x1x10000xf32> to vector<1x10000xf32>
    %swap3A_30 = vector.shape_cast %add3A_24 : vector<1x10000xf32> to vector<1x1x10000xf32>
    tpu.vector_store %arg5[%swap3A_25, %swap3A_26, %swap3A_27], %swap3A_30 {strides = array<i32>} : memref<1x1x10240xf32, #tpu.memory_space<vmem>>, vector<1x1x10000xf32>,
    %swap3A_31 = arith.constant 0 : index
    %swap3A_32 = arith.constant 0 : index
    %swap3A_33 = arith.constant 0 : index
    %swap3A_34 = vector.load %arg6[%swap3A_31, %swap3A_32, %swap3A_33] : memref<1x1x10240xf32, #tpu.memory_space<vmem>>, vector<1x1x10000xf32>
    %swap3A_35 = vector.shape_cast %swap3A_34 : vector<1x1x10000xf32> to vector<1x10000xf32>
    %swap3A_36 = vector.shape_cast %dot_general3A_23 : vector<1x10000xf32> to vector<1x1x10000xf32>
    tpu.vector_store %arg6[%swap3A_31, %swap3A_32, %swap3A_33], %swap3A_36 {strides = array<i32>} : memref<1x1x10240xf32, #tpu.memory_space<vmem>>, vector<1x1x10000xf32>,
    return
  }
  func.func @transform_0(%arg0: i32) -> (i32, i32, i32) {
    %c0_i32 = arith.constant 0 : i32
    %c0_i32_0 = arith.constant 0 : i32
    %c0_i32_1 = arith.constant 0 : i32
    return %arg0, %c0_i32, %c0_i32_0 : i32, i32, i32
  }
  func.func @transform_1(%arg0: i32) -> (i32, i32) {
    %c0_i32 = arith.constant 0 : i32
    %c0_i32_0 = arith.constant 0 : i32
    %c0_i32_1 = arith.constant 0 : i32
    return %c0_i32, %c0_i32_0 : i32, i32
  }
  func.func @transform_2(%arg0: i32) -> (i32, i32) {
    %c0_i32 = arith.constant 0 : i32
    %c0_i32_0 = arith.constant 0 : i32
    %c0_i32_1 = arith.constant 0 : i32
    return %c0_i32, %c0_i32_0 : i32, i32
  }
  func.func @transform_3(%arg0: i32) -> (i32, i32) {
    %c0_i32 = arith.constant 0 : i32
    %c0_i32_0 = arith.constant 0 : i32
    %c0_i32_1 = arith.constant 0 : i32
    return %c0_i32, %c0_i32_0 : i32, i32
  }
  func.func @transform_4(%arg0: i32) -> (i32, i32, i32) {
    %c0_i32 = arith.constant 0 : i32
    %c0_i32_0 = arith.constant 0 : i32
    %c0_i32_1 = arith.constant 0 : i32
    return %arg0, %c0_i32, %c0_i32_0 : i32, i32, i32
  }
  func.func @transform_5(%arg0: i32) -> (i32, i32, i32) {
    %c0_i32 = arith.constant 0 : i32
    %c0_i32_0 = arith.constant 0 : i32
    %c0_i32_1 = arith.constant 0 : i32
    return %arg0, %c0_i32, %c0_i32_0 : i32, i32, i32
  }
  func.func @transform_6(%arg0: i32) -> (i32, i32, i32) {
    %c0_i32 = arith.constant 0 : i32
    %c0_i32_0 = arith.constant 0 : i32
    %c0_i32_1 = arith.constant 0 : i32
    return %arg0, %c0_i32, %c0_i32_0 : i32, i32, i32
  }
}

module attributes {stable_mosaic.version = 14 : i64} {
  func.func @_out_tc(%arg0: i32, %arg1: memref<1x10000x128xbf16, #tpu.memory_space<vmem>>, %arg2: memref<1x1x10240xf32, #tpu.memory_space<vmem>>, %arg3: memref<1x128xf32, #tpu.memory_space<vmem>>, %arg4: memref<1x10000x128xf32, #tpu.memory_space<vmem>>) attributes {dimension_semantics = [#tpu.dimension_semantics<arbitrary>], iteration_bounds = array<i64: 2>, scalar_prefetch = 0 : i64, scratch_operands = 0 : i64, tpu.core_type = #tpu.core_type<tc>, window_params = [{transform_indices = @transform_0, window_bounds = array<i64: 1, 10000, 128>}, {transform_indices = @transform_1, window_bounds = array<i64: 1, 1, 10240>}, {pipeline_mode = #tpu.pipeline_mode<synchronous>, transform_indices = @transform_2, window_bounds = array<i64: 1, 128>}, {transform_indices = @transform_3, window_bounds = array<i64: 1, 10000, 128>}]} {
    %get3A = arith.constant 0 : index
    %get3A_0 = arith.constant 0 : index
    %get3A_1 = vector.load %arg3[%get3A, %get3A_0] : memref<1x128xf32, #tpu.memory_space<vmem>>, vector<1x128xf32>
    %get3A_2 = arith.constant 0 : index
    %get3A_3 = arith.constant 0 : index
    %get3A_4 = arith.constant 0 : index
    %get3A_5 = vector.load %arg1[%get3A_2, %get3A_3, %get3A_4] : memref<1x10000x128xbf16, #tpu.memory_space<vmem>>, vector<1x10000x128xbf16>
    %get3A_6 = vector.shape_cast %get3A_5 : vector<1x10000x128xbf16> to vector<10000x128xbf16>
    %convert_element_type3A = arith.extf %get3A_6 : vector<10000x128xbf16> to vector<10000x128xf32>
    %get3A_7 = arith.constant 0 : index
    %get3A_8 = arith.constant 0 : index
    %get3A_9 = arith.constant 0 : index
    %get3A_10 = vector.load %arg2[%get3A_7, %get3A_8, %get3A_9] : memref<1x1x10240xf32, #tpu.memory_space<vmem>>, vector<1x1x10000xf32>
    %get3A_11 = vector.shape_cast %get3A_10 : vector<1x1x10000xf32> to vector<10000xf32>
    %broadcast_in_dim3A = vector.shape_cast %get3A_11 : vector<10000xf32> to vector<10000x1xf32>
    %mul3A = vector.broadcast %broadcast_in_dim3A : vector<10000x1xf32> to vector<10000x128xf32>
    %mul3A_12 = arith.mulf %convert_element_type3A, %mul3A : vector<10000x128xf32>
    %add3A = vector.broadcast %get3A_1 : vector<1x128xf32> to vector<10000x128xf32>
    %add3A_13 = arith.addf %mul3A_12, %add3A : vector<10000x128xf32>
    %swap3A = arith.constant 0 : index
    %swap3A_14 = arith.constant 0 : index
    %swap3A_15 = arith.constant 0 : index
    %swap3A_16 = vector.load %arg4[%swap3A, %swap3A_14, %swap3A_15] : memref<1x10000x128xf32, #tpu.memory_space<vmem>>, vector<1x10000x128xf32>
    %swap3A_17 = vector.shape_cast %swap3A_16 : vector<1x10000x128xf32> to vector<10000x128xf32>
    %swap3A_18 = vector.shape_cast %add3A_13 : vector<10000x128xf32> to vector<1x10000x128xf32>
    tpu.vector_store %arg4[%swap3A, %swap3A_14, %swap3A_15], %swap3A_18 {strides = array<i32>} : memref<1x10000x128xf32, #tpu.memory_space<vmem>>, vector<1x10000x128xf32>,
    return
  }
  func.func @transform_0(%arg0: i32) -> (i32, i32, i32) {
    %c0_i32 = arith.constant 0 : i32
    %c0_i32_0 = arith.constant 0 : i32
    %c0_i32_1 = arith.constant 0 : i32
    return %arg0, %c0_i32, %c0_i32_0 : i32, i32, i32
  }
  func.func @transform_1(%arg0: i32) -> (i32, i32, i32) {
    %c0_i32 = arith.constant 0 : i32
    %c0_i32_0 = arith.constant 0 : i32
    %c0_i32_1 = arith.constant 0 : i32
    return %arg0, %c0_i32, %c0_i32_0 : i32, i32, i32
  }
  func.func @transform_2(%arg0: i32) -> (i32, i32) {
    %c0_i32 = arith.constant 0 : i32
    %c0_i32_0 = arith.constant 0 : i32
    %c0_i32_1 = arith.constant 0 : i32
    return %c0_i32, %c0_i32_0 : i32, i32
  }
  func.func @transform_3(%arg0: i32) -> (i32, i32, i32) {
    %c0_i32 = arith.constant 0 : i32
    %c0_i32_0 = arith.constant 0 : i32
    %c0_i32_1 = arith.constant 0 : i32
    return %arg0, %c0_i32, %c0_i32_0 : i32, i32, i32
  }
}

</mosaic_0001>

<sc_bundles>
// kernel: kernel.5.cloned.1.call-start
scs
__scs_entry_jumppad:
0x0: {  	(pc) =	sbr.rel $0x88, $3  }
0x1: {  	(tag) =	ssettag $0x0;
	lr =	simm.s32 $0x1  }
0x2: {  	[smem:$0x3F9B] =	sst lr;
	_ =	strace $0xD0000000  }
0x3: {  	_ = 	snop  }
0x4: {  	_ = 	snop  }
0x5: {  	_ = 	snop  }
0x6: {  	_ = 	snop  }
0x7: {  	_ = 	snop  }
__scs_overlays_trampoline_lowered:
0x8: {  	[smem:$0x3FAA] =	sst s0  }
0x9: {  	[smem:$0x3FAB] =	sst s1  }
0xa: {  	[smem:$0x3FAC] =	sst s2  }
0xb: {  	[smem:$0x3FAD] =	sst s3  }
0xc: {  	[smem:$0x3FAE] =	sst s4  }
0xd: {  	[smem:$0x3FAF] =	sst s5  }
0xe: {  	[smem:$0x3FB0] =	sst s6  }
0xf: {  	[smem:$0x3FB1] =	sst s7  }
0x10: {  	[smem:$0x3FB2] =	sst s8  }
0x11: {  	[smem:$0x3FB3] =	sst s9;
	s0 =	simm.s32 @!p0 $0x0  }
0x12: {  	s1 =	sld [smem:$0x3F99];
	s0 =	simm.s32 @p0 $0x1  }
0x13: {  	[smem:$0x3FB4] =	sst s0;
	s0 =	simm.s32 @!p1 $0x0  }
0x14: {  	s2 =	sld [smem:$0x3F98];
	s0 =	simm.s32 @p1 $0x1  }
0x15: {  	[smem:$0x3FB5] =	sst s0;
	s0 =	simm.s32 @!p2 $0x0  }
0x16: {  	s3 =	sld [smem:$0x3FDB];
	s0 =	simm.s32 @p2 $0x1  }
0x17: {  	s4 =	simm.s32 $0x1BF5;
	[smem:$0x3FB7] =	sst s0  }
0x18: {  	s0 =	sld [smem:$0x3F9A];
	_ =	swait.ge [sflag:s4], $0x0  }
0x19: {  	s7 =	sld [smem:$0x3F9B]  }
0x1a: {  	s8 =	sadd.s32 $0xFFFFE003, lr  }
0x1b: {  	s9 =	sadd.s32 $0xFFFFFEF7, lr;
	s5 =	simm.s32 $0xFFFFFFFF;
	p2 =	slt.u32 s8, $0xFFFFF086  }
0x1c: {  	p1 =	slt.u32 s9, $0xF7A;
	s5 =	simm.s32 @!p2 $0x0  }
0x1d: {  	s5 =	simm.s32 @p1 $0x1;
	p0 =	seq.s32 s7, s2  }
0x1e: {  	s7 =	smul.u32 @!p0 $0xF7A, s2;
	p2 =	seq.s32 @!p0 s5, $0x0  }
0x1f: {  	s9 =	smul.u32 $0xF7A, s1;
	s8 =	simm.s32 @!p0 $0x1BF5;
	p2 =	por !p2, p0  }
0x20: {  	[sflag:s8] =	ssyncset.s32 @!p0 $0xFFFFF086;
	s6 =	sadd.s32 @!p0 s3, s7;
	s7 =	simm.s32 @!p0 $0x108  }
0x21: {  	s3 =	sadd.s32 s3, s9;
	s6 =	sadd.s32 @!p0 $0x88, s6;
	s7 =	simm.s32 @p2 $0x1082  }
0x22: {  	[simem:s7], [sflag:s8] =	dma.local @!p0 [hbm:s6], $0xF7A  }
0x23: {  	s9 =	sor.u32 $0xD0000000, s2;
	s6 =	simm.s32 $0x108;
	_ =	swait.ge @!p0 [sflag:s8], $0x0  }
0x24: {  	s3 =	sadd.s32 $0x88, s3;
	s6 =	simm.s32 @!p1 $0x1082;
	[sflag:s4] =	ssyncset.s32 $0xFFFFF086  }
0x25: {  	[simem:s6], [sflag:s4] =	dma.local [hbm:s3], $0xF7A  }
0x26: {  	[smem:$0x3F9B] =	sst s1;
	(tag) =	ssettag s2;
	_ =	strace s9  }
0x27: {  	s1 =	sld [smem:$0x3FAB]  }
0x28: {  	s2 =	sld [smem:$0x3FAC]  }
0x29: {  	s4 =	sld [smem:$0x3FAE]  }
0x2a: {  	p0 =	seq.s32 s5, $0x0;
	s5 =	sld [smem:$0x3FAF]  }
0x2b: {  	s6 =	sld [smem:$0x3FB0]  }
0x2c: {  	s7 =	sld [smem:$0x3FB1]  }
0x2d: {  	s3 =	simm.s32 $0x108;
	s8 =	sld [smem:$0x3FB2]  }
0x2e: {  	s3 =	simm.s32 @!p0 $0x1082;
	s9 =	sld [smem:$0x3FB3]  }
0x2f: {  	lr =	sadd.s32 s0, s3;
	s0 =	sld [smem:$0x3FAA]  }
0x30: {  	s3 =	sld [smem:$0x3FAD]  }
0x31: {  	[smem:$0x3FB6] =	sst s10  }
0x32: {  	s10 =	sld [smem:$0x3FB4];
	_ =	sdelay $0x3  }
0x33: {  	p0 =	seq.s32 s10, $0x1;
	s10 =	sld [smem:$0x3FB6];
	_ =	sdelay $0x3  }
0x34: {  	[smem:$0x3FB6] =	sst s10  }
0x35: {  	s10 =	sld [smem:$0x3FB5];
	_ =	sdelay $0x3  }
0x36: {  	p1 =	seq.s32 s10, $0x1;
	s10 =	sld [smem:$0x3FB6];
	_ =	sdelay $0x3  }
0x37: {  	[smem:$0x3FB6] =	sst s10  }
0x38: {  	s10 =	sld [smem:$0x3FB7]  }
0x39: {  	_ = 	snop;
	(pc) =	sbr.ind lr, $3  }
0x3a: {  	_ = 	snop  }
0x3b: {  	_ = 	snop  }
0x3c: {  	p2 =	seq.s32 s10, $0x1;
	s10 =	sld [smem:$0x3FB6]  }
0x3d: {  	_ =	shalt  }
0x3e: {  	_ =	shalt  }
0x3f: {  	_ =	shalt  }
0x40: {  	_ =	shalt  }
0x41: {  	_ =	shalt  }
0x42: {  	_ =	shalt  }
0x43: {  	_ =	shalt  }
0x44: {  	_ =	shalt  }
0x45: {  	_ =	shalt  }
0x46: {  	_ =	shalt  }
0x47: {  	_ =	shalt  }
0x48: {  	_ =	shalt  }
0x49: {  	_ =	shalt  }
0x4a: {  	_ =	shalt  }
0x4b: {  	_ =	shalt  }
0x4c: {  	_ =	shalt  }
0x4d: {  	_ =	shalt  }
0x4e: {  	_ =	shalt  }
0x4f: {  	_ =	shalt  }
0x50: {  	_ =	shalt  }
0x51: {  	_ =	shalt  }
0x52: {  	_ =	shalt  }
0x53: {  	_ =	shalt  }
0x54: {  	_ =	shalt  }
0x55: {  	_ =	shalt  }
0x56: {  	_ =	shalt  }
0x57: {  	_ =	shalt  }
0x58: {  	_ =	shalt  }
0x59: {  	_ =	shalt  }
0x5a: {  	_ =	shalt  }
0x5b: {  	_ =	shalt  }
0x5c: {  	_ =	shalt  }
0x5d: {  	_ =	shalt  }
0x5e: {  	_ =	shalt  }
0x5f: {  	_ =	shalt  }
0x60: {  	_ =	shalt  }
0x61: {  	_ =	shalt  }
0x62: {  	_ =	shalt  }
0x63: {  	_ =	shalt  }
0x64: {  	_ =	shalt  }
0x65: {  	_ =	shalt  }
0x66: {  	_ =	shalt  }
0x67: {  	_ =	shalt  }
0x68: {  	_ =	shalt  }
0x69: {  	_ =	shalt  }
0x6a: {  	_ =	shalt  }
0x6b: {  	_ =	shalt  }
0x6c: {  	_ =	shalt  }
0x6d: {  	_ =	shalt  }
0x6e: {  	_ =	shalt  }
0x6f: {  	_ =	shalt  }
0x70: {  	_ =	shalt  }
0x71: {  	_ =	shalt  }
0x72: {  	_ =	shalt  }
0x73: {  	_ =	shalt  }
0x74: {  	_ =	shalt  }
0x75: {  	_ =	shalt  }
0x76: {  	_ =	shalt  }
0x77: {  	_ =	shalt  }
0x78: {  	_ =	shalt  }
0x79: {  	_ =	shalt  }
0x7a: {  	_ =	shalt  }
0x7b: {  	_ =	shalt  }
0x7c: {  	_ =	shalt  }
0x7d: {  	_ =	shalt  }
0x7e: {  	_ =	shalt  }
0x7f: {  	_ =	shalt  }
0x80: {  	_ =	shalt  }
0x81: {  	_ =	shalt  }
0x82: {  	_ =	shalt  }
0x83: {  	_ =	shalt  }
0x84: {  	_ =	shalt  }
0x85: {  	_ =	shalt  }
0x86: {  	_ =	shalt  }
0x87: {  	_ =	shalt  }
.Lfunc_end0:
.L_simem_size_0:
called_computation_lowered:
.L_overlay_start_0:
0x88: {  	s2 =	sld [smem:$0x3FD9]  }
0x89: {  	s3 =	sld [smem:$0x3FFE];
	_ =	sdelay $0x1  }
0x8a: {  	s1 =	srdreg.scid  }
0x8b: {  	s0 =	sand.u32 $0x1, s1  }
0x8c: {  	s17 =	sshll.u32 s0, $0xA;
	s2 =	sadd.s32 s3, s2  }
0x8d: {  	s2 =	sadd.s32 s2, s17  }
0x8e: {  	[smem:$0x3FC2] =	sst s2  }
0x8f: {  	_ = 	snop  }
0x90: {  	s2 =	sld [smem:$0x3FC8]  }
0x91: {  	s18 =	sld [smem:$0x3FD0];
	(tm) =	ssettm $0x1  }
0x92: {  	s4 =	sld [smem:$0x3FFB];
	_ =	sdelay $0x3  }
0x93: {  	_ =	strace s4  }
0x94: {  	s4 =	sld [smem:$0x3FFC];
	_ =	sdelay $0x3  }
0x95: {  	_ =	strace s4  }
0x96: {  	s4 =	sld [smem:$0x3FFD];
	_ =	sdelay $0x3  }
0x97: {  	_ =	strace s4  }
0x98: {  	_ =	strace $0x8FFFFFFF  }
0x99: {  	s19 =	sld [smem:$0x3FDB];
	_ =	sdelay $0x1  }
0x9a: {  	s5 =	simm.s32 $_scs_section_size  }
0x9b: {  	s6 =	simm.s32 $_size__tile_overlayer_lowered;
	s7 =	simm.s32 $_tile_overlayer_lowered  }
0x9c: {  	s22 =	simm.s32 $0x1BFF;
	s21 =	sshll.u32 s7, $0x1;
	s4 =	sadd.s32 s5, s19  }
0x9d: {  	s8 =	simm.s32 $0x0;
	s20 =	sshll.u32 s6, $0x1;
	s6 =	sadd.s32 s21, s4  }
0x9e: {  	[timem:s8], [sflag:s22] =	dma.local [hbm:s6], s20  }
0x9f: {  	_ =	swait.ge [sflag:s22], s20  }
0xa0: {  	s5 =	ssub.s32 $0x0, s20;
	[sflag:s22] =	ssyncset.done $0x0  }
0xa1: {  	[sflag:s22] =	ssyncadd.s32 s5;
	_ =	sdelay $0x1  }
0xa2: {  	s23 =	simm.s32 $0x1B8B  }
0xa3: {  	_ =	swait.ge [sflag:s23], $0x1  }
0xa4: {  	[sflag:s23] =	ssyncset.done $0x0  }
0xa5: {  	s25 =	simm.s32 $0x1B8E;
	s24 =	sld [smem:$0x3FFE];
	[sflag:s23] =	ssyncadd.s32 $0xFFFFFFFF  }
0xa6: {  	s26 =	simm.s32 $execute0_lowered;
	[smem:$0x3FD2] =	sst s25  }
0xa7: {  	s6 =	sshll.u32 s26, $0x1;
	_ =	strace $0x80000046;
	[dreg:$0x1] =	wrdreg $0xFFFFFFFF  }
0xa8: {  	s28 =	simm.s32 $_size_execute0_lowered;
	s4 =	sadd.s32 s4, s6;
	[dreg:$0x0] =	wrdreg $0x0  }
0xa9: {  	s6 =	sshll.u32 s28, $0x1;
	[dreg:$0x2] =	wrdreg s4  }
0xaa: {  	[dreg:$0x3] =	wrdreg s6  }
0xab: {  	[dreg:$0x4] =	wrdreg $0xC0  }
0xac: {  	_ =	task [dreg:s8], $0x5FFFF  }
0xad: {  	[dreg:$0x1] =	wrdreg $0xFFFFFFFF  }
0xae: {  	[dreg:$0x0] =	wrdreg $0x60  }
0xaf: {  	[dreg:$0x2] =	wrdreg s18  }
0xb0: {  	[dreg:$0x3] =	wrdreg s24  }
0xb1: {  	[dreg:$0x4] =	wrdreg s2  }
0xb2: {  	[dreg:$0x5] =	wrdreg $0x192800  }
0xb3: {  	[dreg:$0x6] =	wrdreg $0x1BA800  }
0xb4: {  	[dreg:$0x7] =	wrdreg $0x9  }
0xb5: {  	_ =	task.clear_ibuf [dreg:s8], $0x8FFFF;
	_ =	strace $0x90000046  }
0xb6: {  	s29 =	simm.s32 $0x9;
	_ =	strace $0x80000048  }
0xb7: {  	_ =	swait.ge [sflag:s29], $0x1  }
0xb8: {  	[sflag:s29] =	ssyncadd.s32 $0xFFFFFFFF  }
0xb9: {  	_ =	strace $0x90000048  }
0xba: {  	_ =	sfence  }
0xbb: {  	s30 =	sld [smem:$0x0];
	_ =	sdelay $0x2  }
0xbc: {  	s31 =	sshll.u32 s1, $0xD;
	s1 =	sshrl.u32 s1, $0x2  }
0xbd: {  	s3 =	sand.u32 $0x4000, s31;
	s1 =	sadd.s32 s1, s30  }
0xbe: {  	s0 =	sor.u32 s3, s0;
	s1 =	sshll.u32 s1, $0x11  }
0xbf: {  	s0 =	sor.u32 s1, s0  }
0xc0: {  	s0 =	sadd.s32 $0x8F2B, s0  }
0xc1: {  	[sflag:s0] =	ssyncadd.remote.s32 $0x1  }
0xc2: {  	_ =	sfence.sel $0xFFFF  }
0xc3: {  	[dreg:$0x0] =	wrdreg $0xFFFFFFFF;
	(pc) =	sbr.abs _section_cstart, $3  }
0xc4: {  	[dreg:$0x1] =	wrdreg $0xFFFFFFFF  }
0xc5: {  	_ =	task.clear_ibuf [dreg:s8], $0x2FFFF;
	_ =	strace $0x9FFFFFFF  }
0xc6: {  	(tm) =	ssettm $0x7FFFFFFF  }
0xc7: {  	_ =	shalt  }
tec
execute0_lowered:
.L_overlay_start_1:
0x0: {  	(tag) =	ssettag $0x1  }
0x1: {  	s3 =	rddreg [dreg:$0x0]  }
0x2: {  	s4 =	rddreg [dreg:$0x1]  }
0x3: {  	s0 =	srdreg.scid;
	s2 =	rddreg [dreg:$0x2]  }
0x4: {  	s31 =	stileid.u32;
	s5 =	rddreg [dreg:$0x3]  }
0x5: {  	s8 =	rddreg [dreg:$0x4];
	s9 =	smul.u32 $0x280, s31  }
0x6: {  	s1 =	simm.s32 $0x0;
	s6 =	sand.u32 $0x1, s0;
	s13 =	smul.u32 $0x9C00, s31  }
0x7: {  	s14 =	sshrl.u32 s31, $0x3;
	s17 =	sshll.u32 s31, $0x7;
	s7 =	smul.u32 $0x2800, s6  }
0x8: {  	[smem:$0x7FF] =	sst s1;
	s16 =	smul.u32 $0x14000, s14;
	s19 =	sand.u32 $0x380, s17  }
0x9: {  	s11 =	sshrl.u32 s7, $0x3;
	s7 =	sadd.s32 s9, s7;
	s9 =	ssub.s32 $0x2, s6  }
0xa: {  	s6 =	smul.u32 $0x9C400, s6;
	s21 =	sor.u32 s19, s16;
	s10 =	sadd.s32 s11, s4  }
0xb: {  	s7 =	sshrl.u32 s7, $0x3;
	s3 =	sadd.s32 s3, s11;
	[smem:$0x76D] =	sst s10  }
0xc: {  	s12 =	sshrl.u32 s9, $0x1;
	s4 =	sadd.s32 s7, s4;
	[dreg:$0x6] =	wrdreg s3  }
0xd: {  	s15 =	ssub.s32 s9, s12;
	s6 =	sadd.s32 s13, s6;
	[smem:$0x76F] =	sst s4  }
0xe: {  	s12 =	smul.u32 $0x1400, s31;
	s3 =	sadd.s32 s21, s8;
	[smem:$0x771] =	sst s15  }
0xf: {  	s18 =	sshrl.u32 s6, $0x3;
	s6 =	sadd.s32 s21, s5;
	[dreg:$0x9] =	wrdreg s3  }
0x10: {  	s20 =	sadd.s32 s2, s18;
	s22 =	sor.u32 $0x80, s12;
	[dreg:$0x8] =	wrdreg s6  }
0x11: {  	s23 =	sor.u32 $0x100, s12;
	s24 =	sor.u32 $0x180, s12;
	s25 =	sor.u32 $0x200, s12  }
0x12: {  	s26 =	sor.u32 $0x280, s12;
	s28 =	sor.u32 $0x300, s12;
	s29 =	sor.u32 $0x380, s12  }
0x13: {  	s30 =	sadd.s32 $0x14000, s12;
	s31 =	sadd.s32 $0x14080, s12;
	s0 =	sadd.s32 $0x14100, s12  }
0x14: {  	s2 =	sadd.s32 $0x14180, s12;
	s7 =	sadd.s32 $0x14200, s12;
	s4 =	sadd.s32 $0x14280, s12  }
0x15: {  	[dreg:$0x7] =	wrdreg s20;
	s6 =	sadd.s32 s22, s5;
	s11 =	sadd.s32 s22, s8  }
0x16: {  	s13 =	sadd.s32 s23, s5;
	s14 =	sadd.s32 s23, s8;
	s16 =	sadd.s32 s24, s5  }
0x17: {  	s17 =	sadd.s32 s24, s8;
	s18 =	sadd.s32 s25, s5;
	s19 =	sadd.s32 s25, s8  }
0x18: {  	s20 =	sadd.s32 s26, s5;
	s21 =	sadd.s32 s26, s8;
	s22 =	sadd.s32 s28, s5  }
0x19: {  	s23 =	sadd.s32 s28, s8;
	s24 =	sadd.s32 s29, s5;
	s25 =	sadd.s32 s29, s8  }
0x1a: {  	s26 =	sadd.s32 s30, s5;
	s28 =	sadd.s32 s30, s8;
	s29 =	sadd.s32 s31, s5  }
0x1b: {  	s10 =	sadd.s32 s2, s5;
	s15 =	sadd.s32 s2, s8;
	s2 =	sadd.s32 s7, s5  }
0x1c: {  	s30 =	sadd.s32 s31, s8;
	s3 =	sadd.s32 s7, s8;
	[smem:$0x7D6] =	sst s2  }
0x1d: {  	s31 =	sadd.s32 s0, s5;
	s7 =	sadd.s32 s4, s5;
	[smem:$0x7DB] =	sst s3  }
0x1e: {  	s9 =	sadd.s32 s0, s8;
	s0 =	sadd.s32 s12, s5;
	[smem:$0x7E0] =	sst s7  }
0x1f: {  	s2 =	sadd.s32 s12, s8;
	_ =	strace $0x80000047;
	[smem:$0x777] =	sst s0  }
0x20: {  	[smem:$0x77C] =	sst s2  }
0x21: {  	[dreg:$0xa] =	wrdreg s6  }
0x22: {  	[dreg:$0xb] =	wrdreg s11  }
0x23: {  	[dreg:$0xc] =	wrdreg s13  }
0x24: {  	[dreg:$0xd] =	wrdreg s14  }
0x25: {  	[dreg:$0xe] =	wrdreg s16  }
0x26: {  	[dreg:$0xf] =	wrdreg s17  }
0x27: {  	[dreg:$0x10] =	wrdreg s18  }
0x28: {  	[dreg:$0x11] =	wrdreg s19  }
0x29: {  	[dreg:$0x12] =	wrdreg s20  }
0x2a: {  	[dreg:$0x13] =	wrdreg s21  }
0x2b: {  	[dreg:$0x14] =	wrdreg s22  }
0x2c: {  	[dreg:$0x15] =	wrdreg s23  }
0x2d: {  	[dreg:$0x16] =	wrdreg s24  }
0x2e: {  	[dreg:$0x17] =	wrdreg s25  }
0x2f: {  	s4 =	sadd.s32 s4, s8;
	[dreg:$0x18] =	wrdreg s26  }
0x30: {  	s3 =	sadd.s32 $0x14300, s12;
	s7 =	sadd.s32 $0x14380, s12;
	[dreg:$0x19] =	wrdreg s28  }
0x31: {  	s12 =	sadd.s32 s3, s5;
	s3 =	sadd.s32 s3, s8;
	[dreg:$0x1a] =	wrdreg s29  }
0x32: {  	s5 =	sadd.s32 s7, s5;
	s7 =	sadd.s32 s7, s8;
	s8 =	sld [smem:$0x76D]  }
0x33: {  	[dreg:$0x1b] =	wrdreg s30  }
0x34: {  	[dreg:$0x1c] =	wrdreg s31  }
0x35: {  	[dreg:$0x1d] =	wrdreg s9;
	s8 =	sadd.s32 $0x1400, s8  }
0x36: {  	[smem:$0x76E] =	sst s8  }
0x37: {  	s8 =	sld [smem:$0x76F]  }
0x38: {  	[dreg:$0x1e] =	wrdreg s10  }
0x39: {  	[dreg:$0x1f] =	wrdreg s15  }
0x3a: {  	[smem:$0x7E8] =	sst s4;
	s8 =	sadd.s32 $0x1E00, s8  }
0x3b: {  	[smem:$0x770] =	sst s8  }
0x3c: {  	s8 =	sld [smem:$0x771]  }
0x3d: {  	[smem:$0x7ED] =	sst s12  }
0x3e: {  	[smem:$0x7F2] =	sst s3  }
0x3f: {  	[smem:$0x7F7] =	sst s5;
	s8 =	smax.u32 s8, $0x1  }
0x40: {  	[smem:$0x772] =	sst s8;
	s8 =	stileid.u32  }
0x41: {  	p0 =	sne.s32 s8, $0xF;
	s8 =	rddreg [dreg:$0x7]  }
0x42: {  	[smem:$0x7FC] =	sst s7;
	s8 =	sadd.s32 $0xA00, s8  }
0x43: {  	[smem:$0x773] =	sst s8;
	s8 =	sadd.s32 $0x400, s0  }
0x44: {  	[smem:$0x774] =	sst s8;
	s8 =	sadd.s32 $0x800, s0  }
0x45: {  	[smem:$0x775] =	sst s8;
	s8 =	sadd.s32 $0xC00, s0  }
0x46: {  	s0 =	sadd.s32 $0x1000, s0;
	[smem:$0x776] =	sst s8  }
0x47: {  	[smem:$0x778] =	sst s0;
	s8 =	sadd.s32 $0x400, s2  }
0x48: {  	[smem:$0x779] =	sst s8;
	s8 =	sadd.s32 $0x800, s2  }
0x49: {  	[smem:$0x77A] =	sst s8;
	s8 =	sadd.s32 $0xC00, s2  }
0x4a: {  	[smem:$0x77B] =	sst s8;
	s8 =	sadd.s32 $0x1000, s2  }
0x4b: {  	s2 =	sadd.s32 $0x400, s6;
	[smem:$0x77D] =	sst s8  }
0x4c: {  	[smem:$0x77E] =	sst s2;
	s8 =	sadd.s32 $0x800, s6  }
0x4d: {  	s2 =	sadd.s32 $0xC00, s6;
	[smem:$0x77F] =	sst s8  }
0x4e: {  	[smem:$0x780] =	sst s2;
	s8 =	sadd.s32 $0x1000, s6  }
0x4f: {  	s2 =	sadd.s32 $0x400, s11;
	[smem:$0x781] =	sst s8  }
0x50: {  	s6 =	sadd.s32 $0x800, s11;
	[smem:$0x782] =	sst s2  }
0x51: {  	[smem:$0x783] =	sst s6;
	s8 =	sadd.s32 $0xC00, s11  }
0x52: {  	s11 =	sadd.s32 $0x1000, s11;
	[smem:$0x784] =	sst s8  }
0x53: {  	s2 =	sadd.s32 $0x400, s13;
	[smem:$0x785] =	sst s11  }
0x54: {  	s6 =	sadd.s32 $0x800, s13;
	[smem:$0x786] =	sst s2  }
0x55: {  	[smem:$0x787] =	sst s6;
	s8 =	sadd.s32 $0xC00, s13  }
0x56: {  	s11 =	sadd.s32 $0x1000, s13;
	[smem:$0x788] =	sst s8  }
0x57: {  	s13 =	sadd.s32 $0x400, s14;
	[smem:$0x789] =	sst s11  }
0x58: {  	s2 =	sadd.s32 $0x800, s14;
	[smem:$0x78A] =	sst s13  }
0x59: {  	s6 =	sadd.s32 $0xC00, s14;
	[smem:$0x78B] =	sst s2  }
0x5a: {  	[smem:$0x78C] =	sst s6;
	s8 =	sadd.s32 $0x1000, s14  }
0x5b: {  	s11 =	sadd.s32 $0x400, s16;
	[smem:$0x78D] =	sst s8  }
0x5c: {  	s13 =	sadd.s32 $0x800, s16;
	[smem:$0x78E] =	sst s11  }
0x5d: {  	s14 =	sadd.s32 $0xC00, s16;
	[smem:$0x78F] =	sst s13  }
0x5e: {  	s16 =	sadd.s32 $0x1000, s16;
	[smem:$0x790] =	sst s14  }
0x5f: {  	s2 =	sadd.s32 $0x400, s17;
	[smem:$0x791] =	sst s16  }
0x60: {  	s6 =	sadd.s32 $0x800, s17;
	[smem:$0x792] =	sst s2  }
0x61: {  	[smem:$0x793] =	sst s6;
	s8 =	sadd.s32 $0xC00, s17  }
0x62: {  	s11 =	sadd.s32 $0x1000, s17;
	[smem:$0x794] =	sst s8  }
0x63: {  	s13 =	sadd.s32 $0x400, s18;
	[smem:$0x795] =	sst s11  }
0x64: {  	s14 =	sadd.s32 $0x800, s18;
	[smem:$0x796] =	sst s13  }
0x65: {  	s16 =	sadd.s32 $0xC00, s18;
	[smem:$0x797] =	sst s14  }
0x66: {  	s17 =	sadd.s32 $0x1000, s18;
	[smem:$0x798] =	sst s16  }
0x67: {  	s18 =	sadd.s32 $0x400, s19;
	[smem:$0x799] =	sst s17  }
0x68: {  	s2 =	sadd.s32 $0x800, s19;
	[smem:$0x79A] =	sst s18  }
0x69: {  	s6 =	sadd.s32 $0xC00, s19;
	[smem:$0x79B] =	sst s2  }
0x6a: {  	[smem:$0x79C] =	sst s6;
	s8 =	sadd.s32 $0x1000, s19  }
0x6b: {  	s11 =	sadd.s32 $0x400, s20;
	[smem:$0x79D] =	sst s8  }
0x6c: {  	s13 =	sadd.s32 $0x800, s20;
	[smem:$0x79E] =	sst s11  }
0x6d: {  	s14 =	sadd.s32 $0xC00, s20;
	[smem:$0x79F] =	sst s13  }
0x6e: {  	s16 =	sadd.s32 $0x1000, s20;
	[smem:$0x7A0] =	sst s14  }
0x6f: {  	s17 =	sadd.s32 $0x400, s21;
	[smem:$0x7A1] =	sst s16  }
0x70: {  	s18 =	sadd.s32 $0x800, s21;
	[smem:$0x7A2] =	sst s17  }
0x71: {  	s19 =	sadd.s32 $0xC00, s21;
	[smem:$0x7A3] =	sst s18  }
0x72: {  	s20 =	sadd.s32 $0x1000, s21;
	[smem:$0x7A4] =	sst s19  }
0x73: {  	s21 =	sadd.s32 $0x400, s22;
	[smem:$0x7A5] =	sst s20  }
0x74: {  	s2 =	sadd.s32 $0x800, s22;
	[smem:$0x7A6] =	sst s21  }
0x75: {  	s6 =	sadd.s32 $0xC00, s22;
	[smem:$0x7A7] =	sst s2  }
0x76: {  	[smem:$0x7A8] =	sst s6;
	s8 =	sadd.s32 $0x1000, s22  }
0x77: {  	s11 =	sadd.s32 $0x400, s23;
	[smem:$0x7A9] =	sst s8  }
0x78: {  	s13 =	sadd.s32 $0x800, s23;
	[smem:$0x7AA] =	sst s11  }
0x79: {  	s14 =	sadd.s32 $0xC00, s23;
	[smem:$0x7AB] =	sst s13  }
0x7a: {  	s16 =	sadd.s32 $0x1000, s23;
	[smem:$0x7AC] =	sst s14  }
0x7b: {  	s17 =	sadd.s32 $0x400, s24;
	[smem:$0x7AD] =	sst s16  }
0x7c: {  	s18 =	sadd.s32 $0x800, s24;
	[smem:$0x7AE] =	sst s17  }
0x7d: {  	s19 =	sadd.s32 $0xC00, s24;
	[smem:$0x7AF] =	sst s18  }
0x7e: {  	s20 =	sadd.s32 $0x1000, s24;
	[smem:$0x7B0] =	sst s19  }
0x7f: {  	s21 =	sadd.s32 $0x400, s25;
	[smem:$0x7B1] =	sst s20  }
0x80: {  	s22 =	sadd.s32 $0x800, s25;
	[smem:$0x7B2] =	sst s21  }
0x81: {  	s23 =	sadd.s32 $0xC00, s25;
	[smem:$0x7B3] =	sst s22  }
0x82: {  	s24 =	sadd.s32 $0x1000, s25;
	[smem:$0x7B4] =	sst s23  }
0x83: {  	s25 =	sadd.s32 $0x400, s26;
	[smem:$0x7B5] =	sst s24  }
0x84: {  	s2 =	sadd.s32 $0x800, s26;
	[smem:$0x7B6] =	sst s25  }
0x85: {  	s6 =	sadd.s32 $0xC00, s26;
	[smem:$0x7B7] =	sst s2  }
0x86: {  	[smem:$0x7B8] =	sst s6;
	s8 =	sadd.s32 $0x1000, s26  }
0x87: {  	s11 =	sadd.s32 $0x400, s28;
	[smem:$0x7B9] =	sst s8  }
0x88: {  	s13 =	sadd.s32 $0x800, s28;
	[smem:$0x7BA] =	sst s11  }
0x89: {  	s14 =	sadd.s32 $0xC00, s28;
	[smem:$0x7BB] =	sst s13  }
0x8a: {  	s16 =	sadd.s32 $0x1000, s28;
	[smem:$0x7BC] =	sst s14  }
0x8b: {  	s17 =	sadd.s32 $0x400, s29;
	[smem:$0x7BD] =	sst s16  }
0x8c: {  	s18 =	sadd.s32 $0x800, s29;
	[smem:$0x7BE] =	sst s17  }
0x8d: {  	s19 =	sadd.s32 $0xC00, s29;
	[smem:$0x7BF] =	sst s18  }
0x8e: {  	s20 =	sadd.s32 $0x1000, s29;
	[smem:$0x7C0] =	sst s19  }
0x8f: {  	s21 =	sadd.s32 $0x400, s30;
	[smem:$0x7C1] =	sst s20  }
0x90: {  	s22 =	sadd.s32 $0x800, s30;
	[smem:$0x7C2] =	sst s21  }
0x91: {  	s23 =	sadd.s32 $0xC00, s30;
	[smem:$0x7C3] =	sst s22  }
0x92: {  	s24 =	sadd.s32 $0x1000, s30;
	[smem:$0x7C4] =	sst s23  }
0x93: {  	s25 =	sadd.s32 $0x400, s31;
	[smem:$0x7C5] =	sst s24  }
0x94: {  	s26 =	sadd.s32 $0x800, s31;
	[smem:$0x7C6] =	sst s25  }
0x95: {  	s28 =	sadd.s32 $0xC00, s31;
	[smem:$0x7C7] =	sst s26  }
0x96: {  	s29 =	sadd.s32 $0x1000, s31;
	[smem:$0x7C8] =	sst s28  }
0x97: {  	s30 =	sadd.s32 $0x400, s9;
	[smem:$0x7C9] =	sst s29  }
0x98: {  	s31 =	sadd.s32 $0x800, s9;
	[smem:$0x7CA] =	sst s30  }
0x99: {  	s2 =	sadd.s32 $0xC00, s9;
	[smem:$0x7CB] =	sst s31  }
0x9a: {  	s6 =	sadd.s32 $0x1000, s9;
	[smem:$0x7CC] =	sst s2  }
0x9b: {  	s9 =	sadd.s32 $0x800, s10;
	[smem:$0x7CD] =	sst s6  }
0x9c: {  	[smem:$0x7CF] =	sst s9  }
0x9d: {  	s19 =	sld [smem:$0x7D6]  }
0x9e: {  	s24 =	sld [smem:$0x7DB]  }
0x9f: {  	s8 =	sadd.s32 $0x400, s10;
	s30 =	sld [smem:$0x7E0]  }
0xa0: {  	s11 =	sadd.s32 $0xC00, s10;
	[smem:$0x7CE] =	sst s8  }
0xa1: {  	s13 =	sadd.s32 $0x1000, s10;
	[smem:$0x7D0] =	sst s11  }
0xa2: {  	s14 =	sadd.s32 $0x400, s15;
	[smem:$0x7D1] =	sst s13  }
0xa3: {  	s16 =	sadd.s32 $0x800, s15;
	[smem:$0x7D2] =	sst s14  }
0xa4: {  	s17 =	sadd.s32 $0xC00, s15;
	[smem:$0x7D3] =	sst s16  }
0xa5: {  	s18 =	sadd.s32 $0x1000, s15;
	[smem:$0x7D4] =	sst s17  }
0xa6: {  	s10 =	sadd.s32 $0x400, s4;
	[smem:$0x7D5] =	sst s18  }
0xa7: {  	s15 =	sadd.s32 $0x400, s12;
	[smem:$0x7E5] =	sst s10  }
0xa8: {  	s11 =	sadd.s32 $0x800, s4;
	[smem:$0x7EA] =	sst s15  }
0xa9: {  	s13 =	sadd.s32 $0xC00, s4;
	[smem:$0x7E6] =	sst s11  }
0xaa: {  	s14 =	sadd.s32 $0x1000, s4;
	[smem:$0x7E7] =	sst s13  }
0xab: {  	s16 =	sadd.s32 $0x800, s12;
	[smem:$0x7E9] =	sst s14  }
0xac: {  	s17 =	sadd.s32 $0xC00, s12;
	[smem:$0x7EB] =	sst s16  }
0xad: {  	s18 =	sadd.s32 $0x1000, s12;
	[smem:$0x7EC] =	sst s17  }
0xae: {  	[smem:$0x7EE] =	sst s18;
	s20 =	sadd.s32 $0x400, s19  }
0xaf: {  	s21 =	sadd.s32 $0x800, s19;
	[smem:$0x7D7] =	sst s20  }
0xb0: {  	s22 =	sadd.s32 $0xC00, s19;
	[smem:$0x7D8] =	sst s21  }
0xb1: {  	s23 =	sadd.s32 $0x1000, s19;
	[smem:$0x7D9] =	sst s22  }
0xb2: {  	s25 =	sadd.s32 $0x400, s24;
	[smem:$0x7DA] =	sst s23  }
0xb3: {  	s26 =	sadd.s32 $0x800, s24;
	[smem:$0x7DC] =	sst s25  }
0xb4: {  	s28 =	sadd.s32 $0xC00, s24;
	[smem:$0x7DD] =	sst s26  }
0xb5: {  	s29 =	sadd.s32 $0x1000, s24;
	[smem:$0x7DE] =	sst s28  }
0xb6: {  	s31 =	sadd.s32 $0x400, s30;
	[smem:$0x7DF] =	sst s29  }
0xb7: {  	s6 =	sadd.s32 $0x800, s30;
	[smem:$0x7E1] =	sst s31  }
0xb8: {  	s8 =	sadd.s32 $0xC00, s30;
	[smem:$0x7E2] =	sst s6  }
0xb9: {  	s9 =	sadd.s32 $0x1000, s30;
	[smem:$0x7E3] =	sst s8  }
0xba: {  	s19 =	sadd.s32 $0x400, s3;
	[smem:$0x7E4] =	sst s9  }
0xbb: {  	s24 =	sadd.s32 $0x800, s5;
	[smem:$0x7EF] =	sst s19  }
0xbc: {  	s30 =	sadd.s32 $0xC00, s7;
	[smem:$0x7F5] =	sst s24  }
0xbd: {  	s20 =	sadd.s32 $0x800, s3;
	[smem:$0x7FB] =	sst s30  }
0xbe: {  	s21 =	sadd.s32 $0xC00, s3;
	[smem:$0x7F0] =	sst s20  }
0xbf: {  	s22 =	sadd.s32 $0x1000, s3;
	[smem:$0x7F1] =	sst s21  }
0xc0: {  	s23 =	sadd.s32 $0x400, s5;
	[smem:$0x7F3] =	sst s22  }
0xc1: {  	s25 =	sadd.s32 $0xC00, s5;
	[smem:$0x7F4] =	sst s23  }
0xc2: {  	s2 =	simm.s32 $0x0;
	s26 =	sadd.s32 $0x1000, s5;
	[smem:$0x7F6] =	sst s25  }
0xc3: {  	s10 =	simm.s32 $0xF000;
	s28 =	sadd.s32 $0x400, s7;
	[smem:$0x7F8] =	sst s26  }
0xc4: {  	s4 =	simm.s32 $0x2;
	s29 =	sadd.s32 $0x800, s7;
	[smem:$0x7F9] =	sst s28  }
0xc5: {  	s11 =	simm.s32 $0x11800;
	s31 =	sadd.s32 $0x1000, s7;
	[smem:$0x7FA] =	sst s29  }
0xc6: {  	v0 =	vimm.f32 $0.0e+00;
	s8 =	simm.s32 $0x2800;
	s9 =	simm.s32 $0x1;
	[smem:$0x7FD] =	sst s31  }
.LBB2_1:
0xc7: {  	s0 =	rddreg [dreg:$0x6]  }
0xc8: {  	s25 =	sld [smem:$0x76E]  }
0xc9: {  	[tilespmem:s1], [sflag:$0x1] =	stream.linear.gather [hbm4b:s0+s1], $0x2800, $0x38;
	[tilespmem:$0x1E280] =	vst v63  }
0xca: {  	s26 =	rddreg [dreg:$0x7]  }
0xcb: {  	[tilespmem:s8], [sflag:$0x1] =	stream.linear.gather [hbm4b:s25+s1], $0x2800, $0x38;
	[tilespmem:$0x1E280] =	vst v63  }
0xcc: {  	s28 =	simm.s32 $0x5000;
	s29 =	sld [smem:$0x773]  }
0xcd: {  	[tilespmem:s28], [sflag:$0x1] =	stream.linear.gather [hbm4b:s26+s1], $0x5000, $0x38;
	[tilespmem:$0x1E280] =	vst v63  }
0xce: {  	[smem:$0x76C] =	sst s2;
	s30 =	simm.s32 $0xA000;
	s31 =	simm.s32 $0xF020  }
0xcf: {  	[tilespmem:s30], [sflag:$0x1] =	stream.linear.gather [hbm4b:s29+s1], $0x5000, $0x38;
	[tilespmem:$0x1E280] =	vst v63  }
0xd0: {  	[tilespmem:s31+$0xFFFFFFF0] =	vst v0  }
0xd1: {  	[tilespmem:s31+$0x0] =	vst v0  }
0xd2: {  	[tilespmem:s31+$0x10] =	vst v0  }
0xd3: {  	s0 =	simm.s32 $0x11820;
	[tilespmem:s31+$0xFFFFFFE0] =	vst v0  }
0xd4: {  	[tilespmem:s0+$0xFFFFFFF0] =	vst v0  }
0xd5: {  	[tilespmem:s0+$0x0] =	vst v0  }
0xd6: {  	[tilespmem:s0+$0x10] =	vst v0  }
0xd7: {  	s2 =	simm.s32 $0x0;
	s14 =	simm.s32 $0xF060;
	[tilespmem:s0+$0xFFFFFFE0] =	vst v0  }
.LBB2_2:
0xd8: {  	[tilespmem:s14+$0xFFFFFFF0] =	vst v0;
	s0 =	sadd.s32 $0x40, s0  }
0xd9: {  	s2 =	sadd.s32 $0x4, s2;
	[tilespmem:s0+$0xFFFFFFF0] =	vst v0  }
0xda: {  	p1 =	slt.u32 s2, $0x27C;
	[tilespmem:s14+$0x0] =	vst v0  }
.Ltmp0:
0xdb: {  	[tilespmem:s0+$0x0] =	vst v0;
	(pc) =	sbr.rel @p1 .LBB2_2-.Ltmp0, $4  }
0xdc: {  	[tilespmem:s14+$0x10] =	vst v0  }
0xdd: {  	[tilespmem:s0+$0x10] =	vst v0  }
0xde: {  	[tilespmem:s14+$0xFFFFFFE0] =	vst v0  }
0xdf: {  	s14 =	sadd.s32 $0x40, s14;
	[tilespmem:s0+$0xFFFFFFE0] =	vst v0  }
0xe0: {  	_ =	swait.ge [sflag:s9], $0x2800  }
0xe1: {  	[sflag:s9] =	ssyncset.done $0x0  }
0xe2: {  	[sflag:s9] =	ssyncadd.s32 $0xFFFFD800  }
0xe3: {  	_ =	swait.ge [sflag:s9], $0x2800  }
0xe4: {  	p1 =	por $0x0, $0x0;
	s0 =	simm.s32 $0x1;
	[sflag:s9] =	ssyncset.done $0x0  }
0xe5: {  	s2 =	simm.s32 $0x0;
	s0 =	simm.s32 @!p1 $0x0;
	[sflag:s9] =	ssyncadd.s32 $0xFFFFD800  }
0xe6: {  	s14 =	sand.u32 $0x40, s2;
	s0 =	sshll.u32 s0, $0x6;
	_ =	swait.ge [sflag:s9], $0x5000  }
0xe7: {  	s2 =	sand.u32 $0x7F00, s2;
	s0 =	sadd.s32 $0x0, s0;
	[sflag:s9] =	ssyncset.done $0x0  }
0xe8: {  	s2 =	sor.u32 s14, s2;
	s26 =	sadd.s32 $0x30, s0;
	[sflag:s9] =	ssyncadd.s32 $0xFFFFB000  }
0xe9: {  	s14 =	sor.u32 $0x80, s26;
	v13 =	vld [tilespmem:s2+$0x5030]  }
0xea: {  	v14 =	vld [tilespmem:s14+$0x5000]  }
0xeb: {  	s15 =	sor.u32 $0x80, s0  }
0xec: {  	v1 =	vld [tilespmem:s15+$0x5000]  }
0xed: {  	s28 =	sadd.s32 $0x10, s0;
	s0 =	sadd.s32 $0x20, s0;
	v2 =	vld [tilespmem:s2+$0x5000]  }
0xee: {  	s0 =	sor.u32 $0x80, s0;
	v23 =	vld [tilespmem:s2+$0x5010]  }
0xef: {  	s14 =	sor.u32 $0x80, s28;
	v3 =	vld [tilespmem:s0+$0x5000]  }
0xf0: {  	v16 =	vld [tilespmem:s14+$0x5000]  }
0xf1: {  	v5 =	vld.idx.msk [tilespmem:v13+s8+$0x0], $0xffff  }
0xf2: {  	v6 =	vld.idx.msk [tilespmem:v14+s1+$0x0], $0xffff  }
0xf3: {  	v4 =	vld [tilespmem:s2+$0x5020];
	_ =	sdelay $0x2  }
0xf4: {  	v8 =	vld.idx.msk [tilespmem:v2+s8+$0x0], $0xffff  }
0xf5: {  	v10 =	vld.idx.msk [tilespmem:v23+s8+$0x0], $0xffff;
	v5 =	vadd.f32 v5, v6  }
0xf6: {  	p1 =	por !p1, !p1;
	s0 =	simm.s32 $0x1;
	v6 =	vld.idx.msk [tilespmem:v1+s1+$0x0], $0xffff  }
0xf7: {  	s0 =	simm.s32 @!p1 $0x0;
	v7 =	vld.idx.msk [tilespmem:v16+s1+$0x0], $0xffff;
	v9 =	vmul.f32 $2.000000030e-01, v5  }
0xf8: {  	s15 =	simm.s32 $0x40;
	s14 =	simm.s32 $0x80;
	s0 =	sshll.u32 s0, $0x6;
	v11 =	vld.idx.msk [tilespmem:v3+s1+$0x0], $0xffff;
	vm0 =	vge.f32 v5, $0.0e+00  }
0xf9: {  	s29 =	sand.u32 $0x40, s15;
	s16 =	sand.u32 $0x7F00, s14;
	s0 =	sadd.s32 $0x80, s0;
	v5 =	vsel vm0, v5, v9;
	v9 =	vld.idx.msk [tilespmem:v4+s8+$0x0], $0xffff  }
0xfa: {  	s2 =	sor.u32 s29, s16;
	s30 =	sadd.s32 $0x30, s0;
	v12 =	vmul.f32 $1.442695020e+00, v5  }
0xfb: {  	s17 =	sadd.s32 $0x10, s0;
	s16 =	sor.u32 $0x80, s30;
	v8 =	vadd.f32 v8, v6;
	v5 =	vld [tilespmem:s2+$0x5030]  }
0xfc: {  	s18 =	sadd.s32 $0x20, s0;
	s17 =	sor.u32 $0x80, s17;
	(erf) = vpow2.f32 v12;
	v12 =	vadd.f32 v10, v7;
	v7 =	vld [tilespmem:s16+$0x5000]  }
0xfd: {  	s31 =	sor.u32 $0x80, s18;
	v6 =	vld [tilespmem:s17+$0x5000];
	v10 =	vmul.f32 $2.000000030e-01, v8  }
0xfe: {  	s0 =	sor.u32 $0x80, s0;
	vm14 =	vge.f32 v8, $0.0e+00;
	v15 =	vadd.f32 v9, v11;
	v9 =	vmul.f32 $2.000000030e-01, v12;
	v11 =	vld [tilespmem:s31+$0x5000]  }
0xff: {  	vm1 =	vge.f32 v12, $0.0e+00;
	v8 =	vsel vm14, v8, v10;
	v10 =	vld [tilespmem:s0+$0x5000]  }
0x100: {  	v18 =	vmul.f32 $1.442695020e+00, v8;
	v17 =	vmul.f32 $2.000000030e-01, v15;
	v8 =	vsel vm1, v12, v9;
	v9 =	vld [tilespmem:s2+$0x5000]  }
0x101: {  	vm15 =	vge.f32 v15, $0.0e+00;
	v12 =	vld [tilespmem:s2+$0x5020];
	v19 =	vmul.f32 $1.442695020e+00, v8  }
0x102: {  	v8 =	vld [tilespmem:s2+$0x5010];
	(erf) = vpow2.f32 v18;
	v15 =	vsel vm15, v15, v17  }
0x103: {  	v21 =	vld.idx.msk [tilespmem:v5+s8+$0x0], $0xffff;
	v15 =	vmul.f32 $1.442695020e+00, v15;
	(erf) = vpow2.f32 v19  }
0x104: {  	v22 =	vld.idx.msk [tilespmem:v7+s1+$0x0], $0xffff  }
0x105: {  	v17 =	vpop (erf);
	(erf) = vpow2.f32 v15;
	v15 =	vld.idx.msk [tilespmem:v6+s1+$0x0], $0xffff  }
0x106: {  	[tilespmem:v14+s10+$0x0] =	vst.idx.add.f32.msk $0xffff, v17  }
0x107: {  	v14 =	vld.idx.msk [tilespmem:v11+s1+$0x0], $0xffff  }
0x108: {  	v19 =	vld.idx.msk [tilespmem:v10+s1+$0x0], $0xffff  }
0x109: {  	[tilespmem:v13+s11+$0x0] =	vst.idx.add.f32.msk $0xffff, v17  }
0x10a: {  	v20 =	vld.idx.msk [tilespmem:v9+s8+$0x0], $0xffff  }
0x10b: {  	v17 =	vld.idx.msk [tilespmem:v12+s8+$0x0], $0xffff;
	v13 =	vpop (erf)  }
0x10c: {  	v18 =	vld.idx.msk [tilespmem:v8+s8+$0x0], $0xffff;
	v21 =	vadd.f32 v21, v22;
	v24 =	vpop (erf)  }
0x10d: {  	[tilespmem:v16+s10+$0x0] =	vst.idx.add.f32.msk $0xffff, v24  }
0x10e: {  	p1 =	por !p1, !p1;
	s0 =	simm.s32 $0x4;
	v22 =	vmul.f32 $2.000000030e-01, v21;
	v16 =	vpop (erf);
	[tilespmem:v23+s11+$0x0] =	vst.idx.add.f32.msk $0xffff, v24  }
.LBB2_4:
0x10f: {  	s2 =	simm.s32 $0x1  }
0x110: {  	vm0 =	vge.f32 v21, $0.0e+00;
	[tilespmem:v3+s10+$0x0] =	vst.idx.add.f32.msk $0xffff, v16;
	v3 =	vmov v11;
	s2 =	simm.s32 @!p1 $0x0  }
0x111: {  	v11 =	vadd.f32 v20, v19;
	s14 =	sadd.s32 $0x80, s14;
	s15 =	sadd.s32 $0x40, s15;
	v19 =	vsel vm0, v21, v22;
	s2 =	sshll.u32 s2, $0x6;
	[tilespmem:v4+s11+$0x0] =	vst.idx.add.f32.msk $0xffff, v16;
	v4 =	vmov v12  }
0x112: {  	s16 =	sand.u32 $0x40, s15;
	s17 =	sand.u32 $0x7F00, s14;
	v12 =	vadd.f32 v18, v15;
	v15 =	vmul.f32 $1.442695020e+00, v19;
	s2 =	sadd.s32 s2, s14;
	[tilespmem:v1+s10+$0x0] =	vst.idx.add.f32.msk $0xffff, v13;
	v1 =	vmov v10  }
0x113: {  	s0 =	sadd.s32 $0x4, s0;
	s16 =	sor.u32 s16, s17;
	vm0 =	vge.f32 v11, $0.0e+00;
	v14 =	vadd.f32 v17, v14;
	v10 =	vmul.f32 $2.000000030e-01, v11;
	s17 =	sadd.s32 $0x30, s2;
	[tilespmem:v2+s11+$0x0] =	vst.idx.add.f32.msk $0xffff, v13;
	v2 =	vmovc v9  }
0x114: {  	p2 =	slt.u32 s0, $0x27C;
	s18 =	sadd.s32 $0x10, s2;
	vm1 =	vge.f32 v12, $0.0e+00;
	v9 =	vmul.f32 $2.000000030e-01, v12;
	v13 =	vld [tilespmem:s16+$0x5030];
	s17 =	sor.u32 $0x80, s17;
	(erf) = vpow2.f32 v15  }
0x115: {  	s19 =	sor.u32 $0x80, s2;
	s2 =	sadd.s32 $0x20, s2;
	v16 =	vmul.f32 $2.000000030e-01, v14;
	s18 =	sor.u32 $0x80, s18;
	v10 =	vsel vm0, v11, v10;
	vm0 =	vge.f32 v14, $0.0e+00;
	v15 =	vld [tilespmem:s17+$0x5000]  }
0x116: {  	s2 =	sor.u32 $0x80, s2;
	v17 =	vmul.f32 $1.442695020e+00, v10;
	v9 =	vsel vm1, v12, v9;
	v22 =	vld [tilespmem:s18+$0x5000]  }
0x117: {  	v12 =	vmul.f32 $1.442695020e+00, v9;
	v9 =	vsel vm0, v14, v16;
	v11 =	vld [tilespmem:s2+$0x5000]  }
0x118: {  	v14 =	vmul.f32 $1.442695020e+00, v9;
	v10 =	vld [tilespmem:s19+$0x5000];
	(erf) = vpow2.f32 v17  }
0x119: {  	v9 =	vld [tilespmem:s16+$0x5000];
	(erf) = vpow2.f32 v12  }
0x11a: {  	v23 =	vld [tilespmem:s16+$0x5010];
	(erf) = vpow2.f32 v14  }
0x11b: {  	v12 =	vld [tilespmem:s16+$0x5020]  }
0x11c: {  	v21 =	vld.idx.msk [tilespmem:v13+s8+$0x0], $0xffff  }
0x11d: {  	v24 =	vld.idx.msk [tilespmem:v15+s1+$0x0], $0xffff;
	v14 =	vpop (erf)  }
0x11e: {  	[tilespmem:v7+s10+$0x0] =	vst.idx.add.f32.msk $0xffff, v14;
	v7 =	vmov v15  }
0x11f: {  	[tilespmem:v5+s11+$0x0] =	vst.idx.add.f32.msk $0xffff, v14;
	v5 =	vmov v13  }
0x120: {  	v15 =	vld.idx.msk [tilespmem:v22+s1+$0x0], $0xffff  }
0x121: {  	v14 =	vld.idx.msk [tilespmem:v11+s1+$0x0], $0xffff;
	v13 =	vpop (erf)  }
0x122: {  	v19 =	vld.idx.msk [tilespmem:v10+s1+$0x0], $0xffff;
	v25 =	vpop (erf)  }
.Ltmp1:
0x123: {  	v20 =	vld.idx.msk [tilespmem:v9+s8+$0x0], $0xffff;
	v16 =	vpop (erf);
	(pc) =	sbr.rel @p2 .LBB2_4-.Ltmp1, $4  }
0x124: {  	v18 =	vld.idx.msk [tilespmem:v23+s8+$0x0], $0xffff  }
0x125: {  	v21 =	vadd.f32 v21, v24;
	v17 =	vld.idx.msk [tilespmem:v12+s8+$0x0], $0xffff  }
0x126: {  	[tilespmem:v6+s10+$0x0] =	vst.idx.add.f32.msk $0xffff, v25;
	v6 =	vmov v22  }
0x127: {  	p1 =	por !p1, !p1;
	v22 =	vmul.f32 $2.000000030e-01, v21;
	[tilespmem:v8+s11+$0x0] =	vst.idx.add.f32.msk $0xffff, v25;
	v8 =	vmov v23  }
0x128: {  	v19 =	vadd.f32 v20, v19  }
0x129: {  	vm0 =	vge.f32 v21, $0.0e+00;
	v15 =	vadd.f32 v18, v15  }
0x12a: {  	v18 =	vsel vm0, v21, v22;
	v20 =	vmul.f32 $2.000000030e-01, v19;
	vm10 =	vge.f32 v19, $0.0e+00  }
0x12b: {  	v14 =	vadd.f32 v17, v14;
	v18 =	vmul.f32 $1.442695020e+00, v18;
	v17 =	vmul.f32 $2.000000030e-01, v15  }
0x12c: {  	vm1 =	vge.f32 v15, $0.0e+00;
	v19 =	vsel vm10, v19, v20  }
0x12d: {  	(erf) = vpow2.f32 v18;
	v19 =	vmul.f32 $1.442695020e+00, v19;
	v15 =	vsel vm1, v15, v17  }
0x12e: {  	v20 =	vmul.f32 $2.000000030e-01, v14;
	v15 =	vmul.f32 $1.442695020e+00, v15  }
0x12f: {  	vm11 =	vge.f32 v14, $0.0e+00;
	(erf) = vpow2.f32 v19  }
0x130: {  	v14 =	vsel vm11, v14, v20;
	(erf) = vpow2.f32 v15  }
0x131: {  	v14 =	vmul.f32 $1.442695020e+00, v14;
	_ =	sdelay $0x1  }
0x132: {  	[tilespmem:v3+s10+$0x0] =	vst.idx.add.f32.msk $0xffff, v16;
	(erf) = vpow2.f32 v14  }
0x133: {  	[tilespmem:v1+s10+$0x0] =	vst.idx.add.f32.msk $0xffff, v13  }
0x134: {  	[tilespmem:v4+s11+$0x0] =	vst.idx.add.f32.msk $0xffff, v16  }
0x135: {  	[tilespmem:v2+s11+$0x0] =	vst.idx.add.f32.msk $0xffff, v13;
	v1 =	vpop (erf)  }
0x136: {  	[tilespmem:v7+s10+$0x0] =	vst.idx.add.f32.msk $0xffff, v1  }
0x137: {  	[tilespmem:v5+s11+$0x0] =	vst.idx.add.f32.msk $0xffff, v1;
	v2 =	vpop (erf)  }
0x138: {  	v1 =	vpop (erf);
	[tilespmem:v10+s10+$0x0] =	vst.idx.add.f32.msk $0xffff, v2  }
0x139: {  	[tilespmem:v6+s10+$0x0] =	vst.idx.add.f32.msk $0xffff, v1  }
0x13a: {  	[tilespmem:v9+s11+$0x0] =	vst.idx.add.f32.msk $0xffff, v2  }
0x13b: {  	v3 =	vpop (erf);
	[tilespmem:v8+s11+$0x0] =	vst.idx.add.f32.msk $0xffff, v1  }
0x13c: {  	p1 =	por $0x0, $0x0;
	s0 =	simm.s32 $0x1;
	[tilespmem:v11+s10+$0x0] =	vst.idx.add.f32.msk $0xffff, v3  }
0x13d: {  	s2 =	simm.s32 $0x5000;
	s14 =	simm.s32 $0x2800;
	s0 =	simm.s32 @!p1 $0x0;
	[tilespmem:v12+s11+$0x0] =	vst.idx.add.f32.msk $0xffff, v3  }
0x13e: {  	s14 =	sand.u32 $0x40, s14;
	s0 =	sshll.u32 s0, $0x6;
	_ =	swait.ge [sflag:s9], $0x5000  }
0x13f: {  	s2 =	sand.u32 $0xFF00, s2;
	s0 =	sadd.s32 $0x0, s0;
	[sflag:s9] =	ssyncset.done $0x0  }
0x140: {  	s2 =	sor.u32 s14, s2;
	s25 =	sadd.s32 $0x5030, s0;
	[sflag:s9] =	ssyncadd.s32 $0xFFFFB000  }
0x141: {  	s15 =	sadd.s32 $0x5010, s0;
	s14 =	sor.u32 $0x80, s25;
	v13 =	vld [tilespmem:s2+$0x5030]  }
0x142: {  	s26 =	sadd.s32 $0x5000, s0;
	s0 =	sadd.s32 $0x5020, s0;
	s28 =	sor.u32 $0x80, s15;
	v14 =	vld [tilespmem:s14+$0x5000]  }
0x143: {  	s0 =	sor.u32 $0x80, s0;
	v2 =	vld [tilespmem:s28+$0x5000]  }
0x144: {  	v1 =	vld [tilespmem:s0+$0x5000]  }
0x145: {  	s14 =	sor.u32 $0x80, s26;
	v23 =	vld [tilespmem:s2+$0x5000]  }
0x146: {  	v22 =	vld [tilespmem:s14+$0x5000]  }
0x147: {  	v4 =	vld [tilespmem:s2+$0x5010]  }
0x148: {  	v3 =	vld [tilespmem:s2+$0x5020]  }
0x149: {  	v5 =	vld.idx.msk [tilespmem:v13+s8+$0x0], $0xffff  }
0x14a: {  	v6 =	vld.idx.msk [tilespmem:v14+s1+$0x0], $0xffff  }
0x14b: {  	v8 =	vld.idx.msk [tilespmem:v2+s1+$0x0], $0xffff  }
0x14c: {  	v9 =	vld.idx.msk [tilespmem:v1+s1+$0x0], $0xffff  }
0x14d: {  	v10 =	vld.idx.msk [tilespmem:v23+s8+$0x0], $0xffff  }
0x14e: {  	v7 =	vld.idx.msk [tilespmem:v22+s1+$0x0], $0xffff  }
0x14f: {  	p1 =	por !p1, !p1;
	s0 =	simm.s32 $0x1;
	v11 =	vld.idx.msk [tilespmem:v4+s8+$0x0], $0xffff;
	v5 =	vadd.f32 v5, v6  }
0x150: {  	s0 =	simm.s32 @!p1 $0x0;
	v12 =	vld.idx.msk [tilespmem:v3+s8+$0x0], $0xffff  }
0x151: {  	s0 =	sshll.u32 s0, $0x6;
	v6 =	vmul.f32 $2.000000030e-01, v5  }
0x152: {  	s0 =	sadd.s32 $0x80, s0;
	vm12 =	vge.f32 v5, $0.0e+00  }
0x153: {  	s15 =	simm.s32 $0x2840;
	s14 =	simm.s32 $0x5080;
	s17 =	sadd.s32 $0x5000, s0;
	v10 =	vadd.f32 v10, v7;
	v5 =	vsel vm12, v5, v6  }
0x154: {  	s29 =	sand.u32 $0x40, s15;
	s16 =	sand.u32 $0xFF00, s14;
	s17 =	sor.u32 $0x80, s17;
	v15 =	vadd.f32 v11, v8;
	v6 =	vmul.f32 $1.442695020e+00, v5  }
0x155: {  	s2 =	sor.u32 s29, s16;
	v16 =	vadd.f32 v12, v9;
	v7 =	vld [tilespmem:s17+$0x5000];
	v8 =	vmul.f32 $2.000000030e-01, v10  }
0x156: {  	v12 =	vmul.f32 $2.000000030e-01, v15;
	vm13 =	vge.f32 v10, $0.0e+00;
	v5 =	vld [tilespmem:s2+$0x5030];
	(erf) = vpow2.f32 v6  }
0x157: {  	s30 =	sadd.s32 $0x5030, s0;
	vm14 =	vge.f32 v15, $0.0e+00;
	v10 =	vsel vm13, v10, v8;
	v8 =	vld [tilespmem:s2+$0x5000]  }
0x158: {  	s18 =	sadd.s32 $0x5010, s0;
	s16 =	sor.u32 $0x80, s30;
	v18 =	vmul.f32 $1.442695020e+00, v10;
	v10 =	vsel vm14, v15, v12;
	v12 =	vld [tilespmem:s2+$0x5010]  }
0x159: {  	s0 =	sadd.s32 $0x5020, s0;
	s31 =	sor.u32 $0x80, s18;
	v6 =	vld [tilespmem:s16+$0x5000]  }
0x15a: {  	s0 =	sor.u32 $0x80, s0;
	v11 =	vld [tilespmem:s31+$0x5000];
	v17 =	vmul.f32 $2.000000030e-01, v16  }
0x15b: {  	v9 =	vld [tilespmem:s0+$0x5000];
	vm15 =	vge.f32 v16, $0.0e+00  }
0x15c: {  	v16 =	vsel vm15, v16, v17;
	v15 =	vmul.f32 $1.442695020e+00, v10;
	v10 =	vld [tilespmem:s2+$0x5020]  }
0x15d: {  	v16 =	vmul.f32 $1.442695020e+00, v16;
	(erf) = vpow2.f32 v18;
	v18 =	vld.idx.msk [tilespmem:v7+s1+$0x0], $0xffff  }
0x15e: {  	(erf) = vpow2.f32 v15;
	v21 =	vld.idx.msk [tilespmem:v5+s8+$0x0], $0xffff  }
0x15f: {  	v20 =	vld.idx.msk [tilespmem:v8+s8+$0x0], $0xffff;
	v17 =	vpop (erf);
	(erf) = vpow2.f32 v16  }
0x160: {  	v19 =	vld.idx.msk [tilespmem:v12+s8+$0x0], $0xffff  }
0x161: {  	v15 =	vld.idx.msk [tilespmem:v6+s1+$0x0], $0xffff  }
0x162: {  	v16 =	vld.idx.msk [tilespmem:v11+s1+$0x0], $0xffff  }
0x163: {  	[tilespmem:v14+s10+$0x0] =	vst.idx.add.f32.msk $0xffff, v17  }
0x164: {  	v14 =	vld.idx.msk [tilespmem:v9+s1+$0x0], $0xffff  }
0x165: {  	[tilespmem:v13+s11+$0x0] =	vst.idx.add.f32.msk $0xffff, v17  }
0x166: {  	v24 =	vpop (erf);
	v17 =	vld.idx.msk [tilespmem:v10+s8+$0x0], $0xffff;
	v21 =	vadd.f32 v21, v15  }
0x167: {  	[tilespmem:v22+s10+$0x0] =	vst.idx.add.f32.msk $0xffff, v24;
	v15 =	vpop (erf)  }
0x168: {  	p1 =	por !p1, !p1;
	s0 =	simm.s32 $0x80;
	s2 =	simm.s32 $0x284;
	[tilespmem:v23+s11+$0x0] =	vst.idx.add.f32.msk $0xffff, v24;
	v22 =	vmul.f32 $2.000000030e-01, v21;
	v13 =	vpop (erf)  }
.LBB2_6:
0x169: {  	s16 =	simm.s32 $0x1  }
0x16a: {  	vm0 =	vge.f32 v21, $0.0e+00;
	s0 =	sadd.s32 $0x80, s0;
	[tilespmem:v2+s10+$0x0] =	vst.idx.add.f32.msk $0xffff, v15;
	v2 =	vmov v11;
	s16 =	simm.s32 @!p1 $0x0  }
0x16b: {  	v11 =	vadd.f32 v20, v18;
	s14 =	sadd.s32 $0x80, s14;
	s15 =	sadd.s32 $0x40, s15;
	v18 =	vsel vm0, v21, v22;
	s16 =	sshll.u32 s16, $0x6;
	[tilespmem:v4+s11+$0x0] =	vst.idx.add.f32.msk $0xffff, v15;
	v4 =	vmov v12  }
0x16c: {  	s17 =	sand.u32 $0x40, s15;
	s18 =	sand.u32 $0xFF00, s14;
	v12 =	vadd.f32 v19, v16;
	v15 =	vmul.f32 $1.442695020e+00, v18;
	s16 =	sadd.s32 s16, s0;
	[tilespmem:v1+s10+$0x0] =	vst.idx.add.f32.msk $0xffff, v13;
	v1 =	vmov v9  }
0x16d: {  	s2 =	sadd.s32 $0x4, s2;
	s17 =	sor.u32 s17, s18;
	vm0 =	vge.f32 v11, $0.0e+00;
	v14 =	vadd.f32 v17, v14;
	v9 =	vmul.f32 $2.000000030e-01, v11;
	s18 =	sadd.s32 $0x5030, s16;
	[tilespmem:v3+s11+$0x0] =	vst.idx.add.f32.msk $0xffff, v13;
	v3 =	vmovc v10  }
0x16e: {  	p2 =	slt.u32 s2, $0x4DC;
	s19 =	sadd.s32 $0x5000, s16;
	vm1 =	vge.f32 v12, $0.0e+00;
	v10 =	vmul.f32 $2.000000030e-01, v12;
	v13 =	vld [tilespmem:s17+$0x5030];
	s18 =	sor.u32 $0x80, s18;
	(erf) = vpow2.f32 v15  }
0x16f: {  	s20 =	sadd.s32 $0x5010, s16;
	s16 =	sadd.s32 $0x5020, s16;
	v16 =	vmul.f32 $2.000000030e-01, v14;
	s19 =	sor.u32 $0x80, s19;
	v9 =	vsel vm0, v11, v9;
	vm0 =	vge.f32 v14, $0.0e+00;
	v15 =	vld [tilespmem:s18+$0x5000]  }
0x170: {  	s16 =	sor.u32 $0x80, s16;
	s18 =	sor.u32 $0x80, s20;
	v17 =	vmul.f32 $1.442695020e+00, v9;
	v9 =	vsel vm1, v12, v10;
	v22 =	vld [tilespmem:s19+$0x5000]  }
0x171: {  	v12 =	vsel vm0, v14, v16;
	v10 =	vmul.f32 $1.442695020e+00, v9;
	v11 =	vld [tilespmem:s18+$0x5000]  }
0x172: {  	v14 =	vmul.f32 $1.442695020e+00, v12;
	v9 =	vld [tilespmem:s16+$0x5000];
	(erf) = vpow2.f32 v17  }
0x173: {  	v23 =	vld [tilespmem:s17+$0x5000];
	(erf) = vpow2.f32 v10  }
0x174: {  	v12 =	vld [tilespmem:s17+$0x5010];
	(erf) = vpow2.f32 v14  }
0x175: {  	v10 =	vld [tilespmem:s17+$0x5020]  }
0x176: {  	v21 =	vld.idx.msk [tilespmem:v13+s8+$0x0], $0xffff  }
0x177: {  	v24 =	vld.idx.msk [tilespmem:v15+s1+$0x0], $0xffff;
	v14 =	vpop (erf)  }
0x178: {  	[tilespmem:v6+s10+$0x0] =	vst.idx.add.f32.msk $0xffff, v14;
	v6 =	vmov v15  }
0x179: {  	[tilespmem:v5+s11+$0x0] =	vst.idx.add.f32.msk $0xffff, v14;
	v5 =	vmov v13  }
0x17a: {  	v18 =	vld.idx.msk [tilespmem:v22+s1+$0x0], $0xffff  }
0x17b: {  	v16 =	vld.idx.msk [tilespmem:v11+s1+$0x0], $0xffff;
	v25 =	vpop (erf)  }
0x17c: {  	v14 =	vld.idx.msk [tilespmem:v9+s1+$0x0], $0xffff;
	v15 =	vpop (erf)  }
.Ltmp2:
0x17d: {  	v20 =	vld.idx.msk [tilespmem:v23+s8+$0x0], $0xffff;
	v13 =	vpop (erf);
	(pc) =	sbr.rel @p2 .LBB2_6-.Ltmp2, $4  }
0x17e: {  	v19 =	vld.idx.msk [tilespmem:v12+s8+$0x0], $0xffff  }
0x17f: {  	v21 =	vadd.f32 v21, v24;
	v17 =	vld.idx.msk [tilespmem:v10+s8+$0x0], $0xffff  }
0x180: {  	[tilespmem:v7+s10+$0x0] =	vst.idx.add.f32.msk $0xffff, v25;
	v7 =	vmov v22  }
0x181: {  	p1 =	por !p1, !p1;
	v22 =	vmul.f32 $2.000000030e-01, v21;
	[tilespmem:v8+s11+$0x0] =	vst.idx.add.f32.msk $0xffff, v25;
	v8 =	vmov v23  }
0x182: {  	v18 =	vadd.f32 v20, v18  }
0x183: {  	vm0 =	vge.f32 v21, $0.0e+00  }
0x184: {  	v60 =	vsel vm0, v21, v22;
	v16 =	vadd.f32 v19, v16;
	v61 =	vmul.f32 $2.000000030e-01, v18  }
0x185: {  	v20 =	vmul.f32 $1.442695020e+00, v60;
	vm13 =	vge.f32 v18, $0.0e+00  }
0x186: {  	v14 =	vadd.f32 v17, v14;
	v62 =	vmul.f32 $2.000000030e-01, v16;
	v18 =	vsel vm13, v18, v61  }
0x187: {  	vm14 =	vge.f32 v16, $0.0e+00;
	(erf) = vpow2.f32 v20;
	v18 =	vmul.f32 $1.442695020e+00, v18  }
0x188: {  	v63 =	vmul.f32 $2.000000030e-01, v14;
	v16 =	vsel vm14, v16, v62  }
0x189: {  	vm15 =	vge.f32 v14, $0.0e+00;
	v16 =	vmul.f32 $1.442695020e+00, v16;
	(erf) = vpow2.f32 v18  }
0x18a: {  	v14 =	vsel vm15, v14, v63  }
0x18b: {  	v14 =	vmul.f32 $1.442695020e+00, v14;
	(erf) = vpow2.f32 v16;
	_ =	sdelay $0x1  }
0x18c: {  	[tilespmem:v2+s10+$0x0] =	vst.idx.add.f32.msk $0xffff, v15;
	(erf) = vpow2.f32 v14  }
0x18d: {  	[tilespmem:v1+s10+$0x0] =	vst.idx.add.f32.msk $0xffff, v13  }
0x18e: {  	[tilespmem:v4+s11+$0x0] =	vst.idx.add.f32.msk $0xffff, v15  }
0x18f: {  	[tilespmem:v3+s11+$0x0] =	vst.idx.add.f32.msk $0xffff, v13;
	v1 =	vpop (erf)  }
0x190: {  	[tilespmem:v6+s10+$0x0] =	vst.idx.add.f32.msk $0xffff, v1  }
0x191: {  	[tilespmem:v5+s11+$0x0] =	vst.idx.add.f32.msk $0xffff, v1;
	v1 =	vpop (erf)  }
0x192: {  	[tilespmem:v7+s10+$0x0] =	vst.idx.add.f32.msk $0xffff, v1  }
.Ltmp3:
0x193: {  	v2 =	vpop (erf);
	[tilespmem:v8+s11+$0x0] =	vst.idx.add.f32.msk $0xffff, v1;
	(pc) =	sbr.rel @p0 .LBB2_11-.Ltmp3, $4  }
0x194: {  	[tilespmem:v11+s10+$0x0] =	vst.idx.add.f32.msk $0xffff, v2  }
0x195: {  	v1 =	vpop (erf);
	[tilespmem:v12+s11+$0x0] =	vst.idx.add.f32.msk $0xffff, v2  }
0x196: {  	[tilespmem:v9+s10+$0x0] =	vst.idx.add.f32.msk $0xffff, v1  }
0x197: {  	[tilespmem:v10+s11+$0x0] =	vst.idx.add.f32.msk $0xffff, v1  }
0x198: {  	p1 =	por $0x0, $0x0;
	s0 =	simm.s32 $0x1  }
0x199: {  	s0 =	simm.s32 @!p1 $0x0  }
0x19a: {  	s2 =	simm.s32 $0x9C00;
	s14 =	simm.s32 $0x4E00;
	s0 =	sshll.u32 s0, $0x6  }
0x19b: {  	s14 =	sand.u32 $0x40, s14;
	s2 =	sand.u32 $0xFF00, s2;
	s0 =	sadd.s32 $0x0, s0  }
0x19c: {  	s2 =	sor.u32 s14, s2;
	s25 =	sadd.s32 $0x9C30, s0  }
0x19d: {  	v13 =	vld [tilespmem:s2+$0x5030];
	s14 =	sor.u32 $0x80, s25  }
0x19e: {  	v14 =	vld [tilespmem:s14+$0x5000]  }
0x19f: {  	v23 =	vld [tilespmem:s2+$0x5000]  }
0x1a0: {  	v4 =	vld [tilespmem:s2+$0x5010];
	s26 =	sadd.s32 $0x9C00, s0  }
0x1a1: {  	v3 =	vld [tilespmem:s2+$0x5020];
	s15 =	sadd.s32 $0x9C10, s0;
	s14 =	sor.u32 $0x80, s26  }
0x1a2: {  	s0 =	sadd.s32 $0x9C20, s0;
	s28 =	sor.u32 $0x80, s15;
	v22 =	vld [tilespmem:s14+$0x5000]  }
0x1a3: {  	s0 =	sor.u32 $0x80, s0;
	v2 =	vld [tilespmem:s28+$0x5000]  }
0x1a4: {  	v1 =	vld [tilespmem:s0+$0x5000]  }
0x1a5: {  	v5 =	vld.idx.msk [tilespmem:v13+s8+$0x0], $0xffff  }
0x1a6: {  	v6 =	vld.idx.msk [tilespmem:v14+s1+$0x0], $0xffff  }
0x1a7: {  	v10 =	vld.idx.msk [tilespmem:v23+s8+$0x0], $0xffff  }
0x1a8: {  	v11 =	vld.idx.msk [tilespmem:v4+s8+$0x0], $0xffff  }
0x1a9: {  	v12 =	vld.idx.msk [tilespmem:v3+s8+$0x0], $0xffff  }
0x1aa: {  	v7 =	vld.idx.msk [tilespmem:v22+s1+$0x0], $0xffff  }
0x1ab: {  	p1 =	por !p1, !p1;
	s0 =	simm.s32 $0x1;
	v8 =	vld.idx.msk [tilespmem:v2+s1+$0x0], $0xffff;
	v5 =	vadd.f32 v5, v6  }
0x1ac: {  	s0 =	simm.s32 @!p1 $0x0;
	v9 =	vld.idx.msk [tilespmem:v1+s1+$0x0], $0xffff  }
0x1ad: {  	s0 =	sshll.u32 s0, $0x6;
	v6 =	vmul.f32 $2.000000030e-01, v5  }
0x1ae: {  	s0 =	sadd.s32 $0x80, s0;
	vm0 =	vge.f32 v5, $0.0e+00  }
0x1af: {  	s15 =	simm.s32 $0x4E40;
	s14 =	simm.s32 $0x9C80;
	s17 =	sadd.s32 $0x9C00, s0;
	v10 =	vadd.f32 v10, v7;
	v5 =	vsel vm0, v5, v6  }
0x1b0: {  	s29 =	sand.u32 $0x40, s15;
	s16 =	sand.u32 $0xFF00, s14;
	s17 =	sor.u32 $0x80, s17;
	v15 =	vadd.f32 v11, v8;
	v6 =	vmul.f32 $1.442695020e+00, v5  }
0x1b1: {  	s2 =	sor.u32 s29, s16;
	v16 =	vadd.f32 v12, v9;
	v7 =	vld [tilespmem:s17+$0x5000];
	v8 =	vmul.f32 $2.000000030e-01, v10  }
0x1b2: {  	v12 =	vmul.f32 $2.000000030e-01, v15;
	vm14 =	vge.f32 v10, $0.0e+00;
	v5 =	vld [tilespmem:s2+$0x5030];
	(erf) = vpow2.f32 v6  }
0x1b3: {  	s30 =	sadd.s32 $0x9C30, s0;
	vm1 =	vge.f32 v15, $0.0e+00;
	v10 =	vsel vm14, v10, v8;
	v8 =	vld [tilespmem:s2+$0x5000]  }
0x1b4: {  	s18 =	sadd.s32 $0x9C10, s0;
	s16 =	sor.u32 $0x80, s30;
	v18 =	vmul.f32 $1.442695020e+00, v10;
	v10 =	vsel vm1, v15, v12;
	v12 =	vld [tilespmem:s2+$0x5010]  }
0x1b5: {  	s0 =	sadd.s32 $0x9C20, s0;
	s31 =	sor.u32 $0x80, s18;
	v6 =	vld [tilespmem:s16+$0x5000]  }
0x1b6: {  	s0 =	sor.u32 $0x80, s0;
	v11 =	vld [tilespmem:s31+$0x5000];
	v17 =	vmul.f32 $2.000000030e-01, v16  }
0x1b7: {  	v9 =	vld [tilespmem:s0+$0x5000];
	vm15 =	vge.f32 v16, $0.0e+00  }
0x1b8: {  	v16 =	vsel vm15, v16, v17;
	v15 =	vmul.f32 $1.442695020e+00, v10;
	v10 =	vld [tilespmem:s2+$0x5020]  }
0x1b9: {  	v16 =	vmul.f32 $1.442695020e+00, v16;
	(erf) = vpow2.f32 v18;
	v18 =	vld.idx.msk [tilespmem:v7+s1+$0x0], $0xffff  }
0x1ba: {  	(erf) = vpow2.f32 v15;
	v21 =	vld.idx.msk [tilespmem:v5+s8+$0x0], $0xffff  }
0x1bb: {  	v20 =	vld.idx.msk [tilespmem:v8+s8+$0x0], $0xffff;
	v17 =	vpop (erf);
	(erf) = vpow2.f32 v16  }
0x1bc: {  	v19 =	vld.idx.msk [tilespmem:v12+s8+$0x0], $0xffff  }
0x1bd: {  	v15 =	vld.idx.msk [tilespmem:v6+s1+$0x0], $0xffff  }
0x1be: {  	v16 =	vld.idx.msk [tilespmem:v11+s1+$0x0], $0xffff  }
0x1bf: {  	[tilespmem:v14+s10+$0x0] =	vst.idx.add.f32.msk $0xffff, v17  }
0x1c0: {  	v14 =	vld.idx.msk [tilespmem:v9+s1+$0x0], $0xffff  }
0x1c1: {  	[tilespmem:v13+s11+$0x0] =	vst.idx.add.f32.msk $0xffff, v17  }
0x1c2: {  	v24 =	vpop (erf);
	v17 =	vld.idx.msk [tilespmem:v10+s8+$0x0], $0xffff;
	v21 =	vadd.f32 v21, v15  }
0x1c3: {  	[tilespmem:v22+s10+$0x0] =	vst.idx.add.f32.msk $0xffff, v24;
	v15 =	vpop (erf)  }
0x1c4: {  	p1 =	por !p1, !p1;
	s0 =	simm.s32 $0x80;
	s2 =	simm.s32 $0x4E4;
	[tilespmem:v23+s11+$0x0] =	vst.idx.add.f32.msk $0xffff, v24;
	v22 =	vmul.f32 $2.000000030e-01, v21;
	v13 =	vpop (erf)  }
.LBB2_9:
0x1c5: {  	s16 =	simm.s32 $0x1  }
0x1c6: {  	vm0 =	vge.f32 v21, $0.0e+00;
	s0 =	sadd.s32 $0x80, s0;
	[tilespmem:v2+s10+$0x0] =	vst.idx.add.f32.msk $0xffff, v15;
	v2 =	vmov v11;
	s16 =	simm.s32 @!p1 $0x0  }
0x1c7: {  	v11 =	vadd.f32 v20, v18;
	s14 =	sadd.s32 $0x80, s14;
	s15 =	sadd.s32 $0x40, s15;
	v18 =	vsel vm0, v21, v22;
	s16 =	sshll.u32 s16, $0x6;
	[tilespmem:v4+s11+$0x0] =	vst.idx.add.f32.msk $0xffff, v15;
	v4 =	vmov v12  }
0x1c8: {  	s17 =	sand.u32 $0x40, s15;
	s18 =	sand.u32 $0xFF00, s14;
	v12 =	vadd.f32 v19, v16;
	v15 =	vmul.f32 $1.442695020e+00, v18;
	s16 =	sadd.s32 s16, s0;
	[tilespmem:v1+s10+$0x0] =	vst.idx.add.f32.msk $0xffff, v13;
	v1 =	vmov v9  }
0x1c9: {  	s2 =	sadd.s32 $0x4, s2;
	s17 =	sor.u32 s17, s18;
	vm0 =	vge.f32 v11, $0.0e+00;
	v14 =	vadd.f32 v17, v14;
	v9 =	vmul.f32 $2.000000030e-01, v11;
	s18 =	sadd.s32 $0x9C30, s16;
	[tilespmem:v3+s11+$0x0] =	vst.idx.add.f32.msk $0xffff, v13;
	v3 =	vmovc v10  }
0x1ca: {  	p2 =	slt.u32 s2, $0x4FC;
	s19 =	sadd.s32 $0x9C00, s16;
	vm1 =	vge.f32 v12, $0.0e+00;
	v10 =	vmul.f32 $2.000000030e-01, v12;
	v13 =	vld [tilespmem:s17+$0x5030];
	s18 =	sor.u32 $0x80, s18;
	(erf) = vpow2.f32 v15  }
0x1cb: {  	s20 =	sadd.s32 $0x9C10, s16;
	s16 =	sadd.s32 $0x9C20, s16;
	v16 =	vmul.f32 $2.000000030e-01, v14;
	s19 =	sor.u32 $0x80, s19;
	v9 =	vsel vm0, v11, v9;
	vm0 =	vge.f32 v14, $0.0e+00;
	v15 =	vld [tilespmem:s18+$0x5000]  }
0x1cc: {  	s16 =	sor.u32 $0x80, s16;
	s18 =	sor.u32 $0x80, s20;
	v17 =	vmul.f32 $1.442695020e+00, v9;
	v9 =	vsel vm1, v12, v10;
	v22 =	vld [tilespmem:s19+$0x5000]  }
0x1cd: {  	v12 =	vsel vm0, v14, v16;
	v10 =	vmul.f32 $1.442695020e+00, v9;
	v11 =	vld [tilespmem:s18+$0x5000]  }
0x1ce: {  	v14 =	vmul.f32 $1.442695020e+00, v12;
	v9 =	vld [tilespmem:s16+$0x5000];
	(erf) = vpow2.f32 v17  }
0x1cf: {  	v23 =	vld [tilespmem:s17+$0x5000];
	(erf) = vpow2.f32 v10  }
0x1d0: {  	v12 =	vld [tilespmem:s17+$0x5010];
	(erf) = vpow2.f32 v14  }
0x1d1: {  	v10 =	vld [tilespmem:s17+$0x5020]  }
0x1d2: {  	v21 =	vld.idx.msk [tilespmem:v13+s8+$0x0], $0xffff  }
0x1d3: {  	v24 =	vld.idx.msk [tilespmem:v15+s1+$0x0], $0xffff;
	v14 =	vpop (erf)  }
0x1d4: {  	[tilespmem:v6+s10+$0x0] =	vst.idx.add.f32.msk $0xffff, v14;
	v6 =	vmov v15  }
0x1d5: {  	[tilespmem:v5+s11+$0x0] =	vst.idx.add.f32.msk $0xffff, v14;
	v5 =	vmov v13  }
0x1d6: {  	v18 =	vld.idx.msk [tilespmem:v22+s1+$0x0], $0xffff  }
0x1d7: {  	v16 =	vld.idx.msk [tilespmem:v11+s1+$0x0], $0xffff;
	v25 =	vpop (erf)  }
0x1d8: {  	v14 =	vld.idx.msk [tilespmem:v9+s1+$0x0], $0xffff;
	v15 =	vpop (erf)  }
.Ltmp4:
0x1d9: {  	v20 =	vld.idx.msk [tilespmem:v23+s8+$0x0], $0xffff;
	v13 =	vpop (erf);
	(pc) =	sbr.rel @p2 .LBB2_9-.Ltmp4, $4  }
0x1da: {  	v19 =	vld.idx.msk [tilespmem:v12+s8+$0x0], $0xffff  }
0x1db: {  	v21 =	vadd.f32 v21, v24;
	v17 =	vld.idx.msk [tilespmem:v10+s8+$0x0], $0xffff  }
0x1dc: {  	[tilespmem:v7+s10+$0x0] =	vst.idx.add.f32.msk $0xffff, v25;
	v7 =	vmov v22  }
0x1dd: {  	p1 =	por !p1, !p1;
	v22 =	vmul.f32 $2.000000030e-01, v21;
	[tilespmem:v8+s11+$0x0] =	vst.idx.add.f32.msk $0xffff, v25;
	v8 =	vmov v23  }
0x1de: {  	v18 =	vadd.f32 v20, v18  }
0x1df: {  	vm0 =	vge.f32 v21, $0.0e+00  }
0x1e0: {  	v60 =	vsel vm0, v21, v22;
	v16 =	vadd.f32 v19, v16;
	v61 =	vmul.f32 $2.000000030e-01, v18  }
0x1e1: {  	v20 =	vmul.f32 $1.442695020e+00, v60;
	vm13 =	vge.f32 v18, $0.0e+00  }
0x1e2: {  	v14 =	vadd.f32 v17, v14;
	v62 =	vmul.f32 $2.000000030e-01, v16;
	v18 =	vsel vm13, v18, v61  }
0x1e3: {  	vm14 =	vge.f32 v16, $0.0e+00;
	(erf) = vpow2.f32 v20;
	v18 =	vmul.f32 $1.442695020e+00, v18  }
0x1e4: {  	v63 =	vmul.f32 $2.000000030e-01, v14;
	v16 =	vsel vm14, v16, v62  }
0x1e5: {  	vm15 =	vge.f32 v14, $0.0e+00;
	v16 =	vmul.f32 $1.442695020e+00, v16;
	(erf) = vpow2.f32 v18  }
0x1e6: {  	v14 =	vsel vm15, v14, v63  }
0x1e7: {  	v14 =	vmul.f32 $1.442695020e+00, v14;
	(erf) = vpow2.f32 v16;
	_ =	sdelay $0x1  }
0x1e8: {  	[tilespmem:v2+s10+$0x0] =	vst.idx.add.f32.msk $0xffff, v15;
	(erf) = vpow2.f32 v14  }
0x1e9: {  	[tilespmem:v1+s10+$0x0] =	vst.idx.add.f32.msk $0xffff, v13  }
0x1ea: {  	[tilespmem:v4+s11+$0x0] =	vst.idx.add.f32.msk $0xffff, v15  }
0x1eb: {  	[tilespmem:v3+s11+$0x0] =	vst.idx.add.f32.msk $0xffff, v13;
	v1 =	vpop (erf)  }
0x1ec: {  	[tilespmem:v6+s10+$0x0] =	vst.idx.add.f32.msk $0xffff, v1  }
0x1ed: {  	[tilespmem:v5+s11+$0x0] =	vst.idx.add.f32.msk $0xffff, v1;
	v1 =	vpop (erf)  }
0x1ee: {  	[tilespmem:v7+s10+$0x0] =	vst.idx.add.f32.msk $0xffff, v1  }
0x1ef: {  	v2 =	vpop (erf);
	[tilespmem:v8+s11+$0x0] =	vst.idx.add.f32.msk $0xffff, v1  }
0x1f0: {  	[tilespmem:v11+s10+$0x0] =	vst.idx.add.f32.msk $0xffff, v2  }
0x1f1: {  	v1 =	vpop (erf);
	[tilespmem:v12+s11+$0x0] =	vst.idx.add.f32.msk $0xffff, v2  }
0x1f2: {  	[tilespmem:v9+s10+$0x0] =	vst.idx.add.f32.msk $0xffff, v1  }
0x1f3: {  	[tilespmem:v10+s11+$0x0] =	vst.idx.add.f32.msk $0xffff, v1  }
.LBB2_11:
0x1f4: {  	s0 =	rddreg [dreg:$0x8];
	s2 =	simm.s32 $0x80;
	s3 =	simm.s32 $0x400  }
0x1f5: {  	[spmem:s0] =	stream.strided.scatter [tilespmem:s10], [sflag:$0x2], $0x2800, s3, s2, $0x38;
	[tilespmem:$0x1E280] =	vst v63  }
0x1f6: {  	_ =	swait.ge [sflag:s4], $0x2800  }
0x1f7: {  	[sflag:s4] =	ssyncset.done $0x0  }
0x1f8: {  	s24 =	rddreg [dreg:$0x9];
	[sflag:s4] =	ssyncadd.s32 $0xFFFFD800  }
0x1f9: {  	[spmem:s24] =	stream.strided.scatter [tilespmem:s11], [sflag:$0x2], $0x2800, s3, s2, $0x38;
	[tilespmem:$0x1E280] =	vst v63  }
0x1fa: {  	_ =	swait.ge [sflag:s4], $0x2800  }
0x1fb: {  	[sflag:s4] =	ssyncset.done $0x0  }
0x1fc: {  	[sflag:s4] =	ssyncadd.s32 $0xFFFFD800  }
0x1fd: {  	[bflag:$0x0] =	sbarrier.arrive $0xFFFF  }
0x1fe: {  	s25 =	sld [smem:$0x777];
	_ =	sdelay $0x1  }
0x1ff: {  	s26 =	simm.s32 $0x14000;
	s28 =	sld [smem:$0x774]  }
0x200: {  	[tilespmem:s26], [sflag:$0x1] =	stream.linear.gather [spmem:s25], $0x80, $0x38;
	[tilespmem:$0x1E280] =	vst v63  }
0x201: {  	s29 =	simm.s32 $0x14400;
	s30 =	sld [smem:$0x775]  }
0x202: {  	[tilespmem:s29], [sflag:$0x1] =	stream.linear.gather [spmem:s28], $0x80, $0x38;
	[tilespmem:$0x1E280] =	vst v63  }
0x203: {  	s31 =	simm.s32 $0x14800;
	s2 =	sld [smem:$0x776]  }
0x204: {  	[tilespmem:s31], [sflag:$0x1] =	stream.linear.gather [spmem:s30], $0x80, $0x38;
	[tilespmem:$0x1E280] =	vst v63  }
0x205: {  	s3 =	simm.s32 $0x14C00;
	s4 =	sld [smem:$0x778]  }
0x206: {  	[tilespmem:s3], [sflag:$0x1] =	stream.linear.gather [spmem:s2], $0x80, $0x38;
	[tilespmem:$0x1E280] =	vst v63  }
0x207: {  	s5 =	simm.s32 $0x15000;
	s6 =	sld [smem:$0x77C]  }
0x208: {  	[tilespmem:s5], [sflag:$0x1] =	stream.linear.gather [spmem:s4], $0x80, $0x38;
	[tilespmem:$0x1E280] =	vst v63  }
0x209: {  	s7 =	simm.s32 $0x16800;
	s12 =	sld [smem:$0x779]  }
0x20a: {  	[tilespmem:s7], [sflag:$0x1] =	stream.linear.gather [spmem:s6], $0x80, $0x38;
	[tilespmem:$0x1E280] =	vst v63  }
0x20b: {  	s13 =	simm.s32 $0x16C00;
	s14 =	sld [smem:$0x77A]  }
0x20c: {  	[tilespmem:s13], [sflag:$0x1] =	stream.linear.gather [spmem:s12], $0x80, $0x38;
	[tilespmem:$0x1E280] =	vst v63  }
0x20d: {  	s15 =	simm.s32 $0x17000;
	s16 =	sld [smem:$0x77B]  }
0x20e: {  	[tilespmem:s15], [sflag:$0x1] =	stream.linear.gather [spmem:s14], $0x80, $0x38;
	[tilespmem:$0x1E280] =	vst v63  }
0x20f: {  	s17 =	simm.s32 $0x17400  }
0x210: {  	[tilespmem:s17], [sflag:$0x1] =	stream.linear.gather [spmem:s16], $0x80, $0x38;
	[tilespmem:$0x1E280] =	vst v63  }
0x211: {  	s0 =	sld [smem:$0x77D];
	_ =	sdelay $0x1  }
0x212: {  	s18 =	simm.s32 $0x17800;
	s19 =	rddreg [dreg:$0xa]  }
0x213: {  	[tilespmem:s18], [sflag:$0x1] =	stream.linear.gather [spmem:s0], $0x80, $0x38;
	[tilespmem:$0x1E280] =	vst v63  }
0x214: {  	s20 =	simm.s32 $0x14080;
	s21 =	sld [smem:$0x77E]  }
0x215: {  	[tilespmem:s20], [sflag:$0x1] =	stream.linear.gather [spmem:s19], $0x80, $0x38;
	[tilespmem:$0x1E280] =	vst v63  }
0x216: {  	s22 =	simm.s32 $0x14480;
	s23 =	sld [smem:$0x77F]  }
0x217: {  	[tilespmem:s22], [sflag:$0x1] =	stream.linear.gather [spmem:s21], $0x80, $0x38;
	[tilespmem:$0x1E280] =	vst v63  }
0x218: {  	s24 =	simm.s32 $0x14880;
	s25 =	sld [smem:$0x780]  }
0x219: {  	[tilespmem:s24], [sflag:$0x1] =	stream.linear.gather [spmem:s23], $0x80, $0x38;
	[tilespmem:$0x1E280] =	vst v63  }
0x21a: {  	s26 =	simm.s32 $0x14C80;
	s28 =	sld [smem:$0x781]  }
0x21b: {  	[tilespmem:s26], [sflag:$0x1] =	stream.linear.gather [spmem:s25], $0x80, $0x38;
	[tilespmem:$0x1E280] =	vst v63  }
0x21c: {  	s29 =	simm.s32 $0x15080;
	s30 =	rddreg [dreg:$0xb]  }
0x21d: {  	[tilespmem:s29], [sflag:$0x1] =	stream.linear.gather [spmem:s28], $0x80, $0x38;
	[tilespmem:$0x1E280] =	vst v63  }
0x21e: {  	s31 =	simm.s32 $0x16880;
	s3 =	sld [smem:$0x782]  }
0x21f: {  	[tilespmem:s31], [sflag:$0x1] =	stream.linear.gather [spmem:s30], $0x80, $0x38;
	[tilespmem:$0x1E280] =	vst v63  }
0x220: {  	s4 =	simm.s32 $0x16C80;
	s5 =	sld [smem:$0x783]  }
0x221: {  	[tilespmem:s4], [sflag:$0x1] =	stream.linear.gather [spmem:s3], $0x80, $0x38;
	[tilespmem:$0x1E280] =	vst v63  }
0x222: {  	s6 =	simm.s32 $0x17080;
	s7 =	sld [smem:$0x784]  }
0x223: {  	[tilespmem:s6], [sflag:$0x1] =	stream.linear.gather [spmem:s5], $0x80, $0x38;
	[tilespmem:$0x1E280] =	vst v63  }
0x224: {  	s12 =	simm.s32 $0x17480;
	s13 =	sld [smem:$0x785]  }
0x225: {  	[tilespmem:s12], [sflag:$0x1] =	stream.linear.gather [spmem:s7], $0x80, $0x38;
	[tilespmem:$0x1E280] =	vst v63  }
0x226: {  	s14 =	simm.s32 $0x17880;
	s15 =	rddreg [dreg:$0xc]  }
0x227: {  	[tilespmem:s14], [sflag:$0x1] =	stream.linear.gather [spmem:s13], $0x80, $0x38;
	[tilespmem:$0x1E280] =	vst v63  }
0x228: {  	s16 =	simm.s32 $0x14100;
	s17 =	sld [smem:$0x786]  }
0x229: {  	[tilespmem:s16], [sflag:$0x1] =	stream.linear.gather [spmem:s15], $0x80, $0x38;
	[tilespmem:$0x1E280] =	vst v63  }
0x22a: {  	s18 =	simm.s32 $0x14500;
	s19 =	sld [smem:$0x787]  }
0x22b: {  	[tilespmem:s18], [sflag:$0x1] =	stream.linear.gather [spmem:s17], $0x80, $0x38;
	[tilespmem:$0x1E280] =	vst v63  }
0x22c: {  	s20 =	simm.s32 $0x14900;
	s21 =	sld [smem:$0x788]  }
0x22d: {  	[tilespmem:s20], [sflag:$0x1] =	stream.linear.gather [spmem:s19], $0x80, $0x38;
	[tilespmem:$0x1E280] =	vst v63  }
0x22e: {  	s22 =	simm.s32 $0x14D00;
	s23 =	sld [smem:$0x789]  }
0x22f: {  	[tilespmem:s22], [sflag:$0x1] =	stream.linear.gather [spmem:s21], $0x80, $0x38;
	[tilespmem:$0x1E280] =	vst v63  }
0x230: {  	s24 =	simm.s32 $0x15100;
	s25 =	rddreg [dreg:$0xd]  }
0x231: {  	[tilespmem:s24], [sflag:$0x1] =	stream.linear.gather [spmem:s23], $0x80, $0x38;
	[tilespmem:$0x1E280] =	vst v63  }
0x232: {  	s26 =	simm.s32 $0x16900;
	s28 =	sld [smem:$0x78A]  }
0x233: {  	[tilespmem:s26], [sflag:$0x1] =	stream.linear.gather [spmem:s25], $0x80, $0x38;
	[tilespmem:$0x1E280] =	vst v63  }
0x234: {  	s29 =	simm.s32 $0x16D00;
	s30 =	sld [smem:$0x78B]  }
0x235: {  	[tilespmem:s29], [sflag:$0x1] =	stream.linear.gather [spmem:s28], $0x80, $0x38;
	[tilespmem:$0x1E280] =	vst v63  }
0x236: {  	s31 =	simm.s32 $0x17100;
	s3 =	sld [smem:$0x78C]  }
0x237: {  	[tilespmem:s31], [sflag:$0x1] =	stream.linear.gather [spmem:s30], $0x80, $0x38;
	[tilespmem:$0x1E280] =	vst v63  }
0x238: {  	s4 =	simm.s32 $0x17500;
	s5 =	sld [smem:$0x78D]  }
0x239: {  	[tilespmem:s4], [sflag:$0x1] =	stream.linear.gather [spmem:s3], $0x80, $0x38;
	[tilespmem:$0x1E280] =	vst v63  }
0x23a: {  	s6 =	simm.s32 $0x17900;
	s7 =	rddreg [dreg:$0xe]  }
0x23b: {  	[tilespmem:s6], [sflag:$0x1] =	stream.linear.gather [spmem:s5], $0x80, $0x38;
	[tilespmem:$0x1E280] =	vst v63  }
0x23c: {  	s12 =	simm.s32 $0x14180;
	s13 =	sld [smem:$0x78E]  }
0x23d: {  	[tilespmem:s12], [sflag:$0x1] =	stream.linear.gather [spmem:s7], $0x80, $0x38;
	[tilespmem:$0x1E280] =	vst v63  }
0x23e: {  	s14 =	simm.s32 $0x14580;
	s15 =	sld [smem:$0x78F]  }
0x23f: {  	[tilespmem:s14], [sflag:$0x1] =	stream.linear.gather [spmem:s13], $0x80, $0x38;
	[tilespmem:$0x1E280] =	vst v63  }
0x240: {  	s16 =	simm.s32 $0x14980;
	s17 =	sld [smem:$0x790]  }
0x241: {  	[tilespmem:s16], [sflag:$0x1] =	stream.linear.gather [spmem:s15], $0x80, $0x38;
	[tilespmem:$0x1E280] =	vst v63  }
0x242: {  	s18 =	simm.s32 $0x14D80;
	s19 =	sld [smem:$0x791]  }
0x243: {  	[tilespmem:s18], [sflag:$0x1] =	stream.linear.gather [spmem:s17], $0x80, $0x38;
	[tilespmem:$0x1E280] =	vst v63  }
0x244: {  	s20 =	simm.s32 $0x15180;
	s21 =	rddreg [dreg:$0xf]  }
0x245: {  	[tilespmem:s20], [sflag:$0x1] =	stream.linear.gather [spmem:s19], $0x80, $0x38;
	[tilespmem:$0x1E280] =	vst v63  }
0x246: {  	s22 =	simm.s32 $0x16980;
	s23 =	sld [smem:$0x792]  }
0x247: {  	[tilespmem:s22], [sflag:$0x1] =	stream.linear.gather [spmem:s21], $0x80, $0x38;
	[tilespmem:$0x1E280] =	vst v63  }
0x248: {  	s24 =	simm.s32 $0x16D80;
	s25 =	sld [smem:$0x793]  }
0x249: {  	[tilespmem:s24], [sflag:$0x1] =	stream.linear.gather [spmem:s23], $0x80, $0x38;
	[tilespmem:$0x1E280] =	vst v63  }
0x24a: {  	s26 =	simm.s32 $0x17180;
	s28 =	sld [smem:$0x794]  }
0x24b: {  	[tilespmem:s26], [sflag:$0x1] =	stream.linear.gather [spmem:s25], $0x80, $0x38;
	[tilespmem:$0x1E280] =	vst v63  }
0x24c: {  	s29 =	simm.s32 $0x17580;
	s30 =	sld [smem:$0x795]  }
0x24d: {  	[tilespmem:s29], [sflag:$0x1] =	stream.linear.gather [spmem:s28], $0x80, $0x38;
	[tilespmem:$0x1E280] =	vst v63  }
0x24e: {  	s31 =	simm.s32 $0x17980;
	s3 =	rddreg [dreg:$0x10]  }
0x24f: {  	[tilespmem:s31], [sflag:$0x1] =	stream.linear.gather [spmem:s30], $0x80, $0x38;
	[tilespmem:$0x1E280] =	vst v63  }
0x250: {  	s4 =	simm.s32 $0x14200;
	s5 =	sld [smem:$0x796]  }
0x251: {  	[tilespmem:s4], [sflag:$0x1] =	stream.linear.gather [spmem:s3], $0x80, $0x38;
	[tilespmem:$0x1E280] =	vst v63  }
0x252: {  	s6 =	simm.s32 $0x14600;
	s7 =	sld [smem:$0x797]  }
0x253: {  	[tilespmem:s6], [sflag:$0x1] =	stream.linear.gather [spmem:s5], $0x80, $0x38;
	[tilespmem:$0x1E280] =	vst v63  }
0x254: {  	s12 =	simm.s32 $0x14A00;
	s13 =	sld [smem:$0x798]  }
0x255: {  	[tilespmem:s12], [sflag:$0x1] =	stream.linear.gather [spmem:s7], $0x80, $0x38;
	[tilespmem:$0x1E280] =	vst v63  }
0x256: {  	s14 =	simm.s32 $0x14E00;
	s15 =	sld [smem:$0x799]  }
0x257: {  	[tilespmem:s14], [sflag:$0x1] =	stream.linear.gather [spmem:s13], $0x80, $0x38;
	[tilespmem:$0x1E280] =	vst v63  }
0x258: {  	s16 =	simm.s32 $0x15200;
	s17 =	rddreg [dreg:$0x11]  }
0x259: {  	[tilespmem:s16], [sflag:$0x1] =	stream.linear.gather [spmem:s15], $0x80, $0x38;
	[tilespmem:$0x1E280] =	vst v63  }
0x25a: {  	s18 =	simm.s32 $0x16A00;
	s19 =	sld [smem:$0x79A]  }
0x25b: {  	[tilespmem:s18], [sflag:$0x1] =	stream.linear.gather [spmem:s17], $0x80, $0x38;
	[tilespmem:$0x1E280] =	vst v63  }
0x25c: {  	s20 =	simm.s32 $0x16E00;
	s21 =	sld [smem:$0x79B]  }
0x25d: {  	[tilespmem:s20], [sflag:$0x1] =	stream.linear.gather [spmem:s19], $0x80, $0x38;
	[tilespmem:$0x1E280] =	vst v63  }
0x25e: {  	s22 =	simm.s32 $0x17200;
	s23 =	sld [smem:$0x79C]  }
0x25f: {  	[tilespmem:s22], [sflag:$0x1] =	stream.linear.gather [spmem:s21], $0x80, $0x38;
	[tilespmem:$0x1E280] =	vst v63  }
0x260: {  	s24 =	simm.s32 $0x17600;
	s25 =	sld [smem:$0x79D]  }
0x261: {  	[tilespmem:s24], [sflag:$0x1] =	stream.linear.gather [spmem:s23], $0x80, $0x38;
	[tilespmem:$0x1E280] =	vst v63  }
0x262: {  	s26 =	simm.s32 $0x17A00;
	s28 =	rddreg [dreg:$0x12]  }
0x263: {  	[tilespmem:s26], [sflag:$0x1] =	stream.linear.gather [spmem:s25], $0x80, $0x38;
	[tilespmem:$0x1E280] =	vst v63  }
0x264: {  	s29 =	simm.s32 $0x14280;
	s30 =	sld [smem:$0x79E]  }
0x265: {  	[tilespmem:s29], [sflag:$0x1] =	stream.linear.gather [spmem:s28], $0x80, $0x38;
	[tilespmem:$0x1E280] =	vst v63  }
0x266: {  	s31 =	simm.s32 $0x14680;
	s3 =	sld [smem:$0x79F]  }
0x267: {  	[tilespmem:s31], [sflag:$0x1] =	stream.linear.gather [spmem:s30], $0x80, $0x38;
	[tilespmem:$0x1E280] =	vst v63  }
0x268: {  	s4 =	simm.s32 $0x14A80;
	s5 =	sld [smem:$0x7A0]  }
0x269: {  	[tilespmem:s4], [sflag:$0x1] =	stream.linear.gather [spmem:s3], $0x80, $0x38;
	[tilespmem:$0x1E280] =	vst v63  }
0x26a: {  	s6 =	simm.s32 $0x14E80;
	s7 =	sld [smem:$0x7A1]  }
0x26b: {  	[tilespmem:s6], [sflag:$0x1] =	stream.linear.gather [spmem:s5], $0x80, $0x38;
	[tilespmem:$0x1E280] =	vst v63  }
0x26c: {  	s12 =	simm.s32 $0x15280;
	s13 =	rddreg [dreg:$0x13]  }
0x26d: {  	[tilespmem:s12], [sflag:$0x1] =	stream.linear.gather [spmem:s7], $0x80, $0x38;
	[tilespmem:$0x1E280] =	vst v63  }
0x26e: {  	s14 =	simm.s32 $0x16A80;
	s15 =	sld [smem:$0x7A2]  }
0x26f: {  	[tilespmem:s14], [sflag:$0x1] =	stream.linear.gather [spmem:s13], $0x80, $0x38;
	[tilespmem:$0x1E280] =	vst v63  }
0x270: {  	s16 =	simm.s32 $0x16E80;
	s17 =	sld [smem:$0x7A3]  }
0x271: {  	[tilespmem:s16], [sflag:$0x1] =	stream.linear.gather [spmem:s15], $0x80, $0x38;
	[tilespmem:$0x1E280] =	vst v63  }
0x272: {  	s18 =	simm.s32 $0x17280;
	s19 =	sld [smem:$0x7A4]  }
0x273: {  	[tilespmem:s18], [sflag:$0x1] =	stream.linear.gather [spmem:s17], $0x80, $0x38;
	[tilespmem:$0x1E280] =	vst v63  }
0x274: {  	s20 =	simm.s32 $0x17680;
	s21 =	sld [smem:$0x7A5]  }
0x275: {  	[tilespmem:s20], [sflag:$0x1] =	stream.linear.gather [spmem:s19], $0x80, $0x38;
	[tilespmem:$0x1E280] =	vst v63  }
0x276: {  	s22 =	simm.s32 $0x17A80;
	s23 =	rddreg [dreg:$0x14]  }
0x277: {  	[tilespmem:s22], [sflag:$0x1] =	stream.linear.gather [spmem:s21], $0x80, $0x38;
	[tilespmem:$0x1E280] =	vst v63  }
0x278: {  	s24 =	simm.s32 $0x14300;
	s25 =	sld [smem:$0x7A6]  }
0x279: {  	[tilespmem:s24], [sflag:$0x1] =	stream.linear.gather [spmem:s23], $0x80, $0x38;
	[tilespmem:$0x1E280] =	vst v63  }
0x27a: {  	s26 =	simm.s32 $0x14700;
	s28 =	sld [smem:$0x7A7]  }
0x27b: {  	[tilespmem:s26], [sflag:$0x1] =	stream.linear.gather [spmem:s25], $0x80, $0x38;
	[tilespmem:$0x1E280] =	vst v63  }
0x27c: {  	s29 =	simm.s32 $0x14B00;
	s30 =	sld [smem:$0x7A8]  }
0x27d: {  	[tilespmem:s29], [sflag:$0x1] =	stream.linear.gather [spmem:s28], $0x80, $0x38;
	[tilespmem:$0x1E280] =	vst v63  }
0x27e: {  	s31 =	simm.s32 $0x14F00;
	s3 =	sld [smem:$0x7A9]  }
0x27f: {  	[tilespmem:s31], [sflag:$0x1] =	stream.linear.gather [spmem:s30], $0x80, $0x38;
	[tilespmem:$0x1E280] =	vst v63  }
0x280: {  	s4 =	simm.s32 $0x15300;
	s5 =	rddreg [dreg:$0x15]  }
0x281: {  	[tilespmem:s4], [sflag:$0x1] =	stream.linear.gather [spmem:s3], $0x80, $0x38;
	[tilespmem:$0x1E280] =	vst v63  }
0x282: {  	s6 =	simm.s32 $0x16B00;
	s7 =	sld [smem:$0x7AA]  }
0x283: {  	[tilespmem:s6], [sflag:$0x1] =	stream.linear.gather [spmem:s5], $0x80, $0x38;
	[tilespmem:$0x1E280] =	vst v63  }
0x284: {  	s12 =	simm.s32 $0x16F00;
	s13 =	sld [smem:$0x7AB]  }
0x285: {  	[tilespmem:s12], [sflag:$0x1] =	stream.linear.gather [spmem:s7], $0x80, $0x38;
	[tilespmem:$0x1E280] =	vst v63  }
0x286: {  	s14 =	simm.s32 $0x17300;
	s15 =	sld [smem:$0x7AC]  }
0x287: {  	[tilespmem:s14], [sflag:$0x1] =	stream.linear.gather [spmem:s13], $0x80, $0x38;
	[tilespmem:$0x1E280] =	vst v63  }
0x288: {  	s16 =	simm.s32 $0x17700;
	s17 =	sld [smem:$0x7AD]  }
0x289: {  	[tilespmem:s16], [sflag:$0x1] =	stream.linear.gather [spmem:s15], $0x80, $0x38;
	[tilespmem:$0x1E280] =	vst v63  }
0x28a: {  	s18 =	simm.s32 $0x17B00;
	s19 =	rddreg [dreg:$0x16]  }
0x28b: {  	[tilespmem:s18], [sflag:$0x1] =	stream.linear.gather [spmem:s17], $0x80, $0x38;
	[tilespmem:$0x1E280] =	vst v63  }
0x28c: {  	s20 =	simm.s32 $0x14380;
	s21 =	sld [smem:$0x7AE]  }
0x28d: {  	[tilespmem:s20], [sflag:$0x1] =	stream.linear.gather [spmem:s19], $0x80, $0x38;
	[tilespmem:$0x1E280] =	vst v63  }
0x28e: {  	s22 =	simm.s32 $0x14780;
	s23 =	sld [smem:$0x7AF]  }
0x28f: {  	[tilespmem:s22], [sflag:$0x1] =	stream.linear.gather [spmem:s21], $0x80, $0x38;
	[tilespmem:$0x1E280] =	vst v63  }
0x290: {  	s24 =	simm.s32 $0x14B80;
	s25 =	sld [smem:$0x7B0]  }
0x291: {  	[tilespmem:s24], [sflag:$0x1] =	stream.linear.gather [spmem:s23], $0x80, $0x38;
	[tilespmem:$0x1E280] =	vst v63  }
0x292: {  	s26 =	simm.s32 $0x14F80;
	s28 =	sld [smem:$0x7B1]  }
0x293: {  	[tilespmem:s26], [sflag:$0x1] =	stream.linear.gather [spmem:s25], $0x80, $0x38;
	[tilespmem:$0x1E280] =	vst v63  }
0x294: {  	s29 =	simm.s32 $0x15380;
	s30 =	rddreg [dreg:$0x17]  }
0x295: {  	[tilespmem:s29], [sflag:$0x1] =	stream.linear.gather [spmem:s28], $0x80, $0x38;
	[tilespmem:$0x1E280] =	vst v63  }
0x296: {  	s31 =	simm.s32 $0x16B80;
	s3 =	sld [smem:$0x7B2]  }
0x297: {  	[tilespmem:s31], [sflag:$0x1] =	stream.linear.gather [spmem:s30], $0x80, $0x38;
	[tilespmem:$0x1E280] =	vst v63  }
0x298: {  	s4 =	simm.s32 $0x16F80;
	s5 =	sld [smem:$0x7B3]  }
0x299: {  	[tilespmem:s4], [sflag:$0x1] =	stream.linear.gather [spmem:s3], $0x80, $0x38;
	[tilespmem:$0x1E280] =	vst v63  }
0x29a: {  	s6 =	simm.s32 $0x17380;
	s7 =	sld [smem:$0x7B4]  }
0x29b: {  	[tilespmem:s6], [sflag:$0x1] =	stream.linear.gather [spmem:s5], $0x80, $0x38;
	[tilespmem:$0x1E280] =	vst v63  }
0x29c: {  	s12 =	simm.s32 $0x17780;
	s13 =	sld [smem:$0x7B5]  }
0x29d: {  	[tilespmem:s12], [sflag:$0x1] =	stream.linear.gather [spmem:s7], $0x80, $0x38;
	[tilespmem:$0x1E280] =	vst v63  }
0x29e: {  	s14 =	simm.s32 $0x17B80;
	s15 =	rddreg [dreg:$0x18]  }
0x29f: {  	[tilespmem:s14], [sflag:$0x1] =	stream.linear.gather [spmem:s13], $0x80, $0x38;
	[tilespmem:$0x1E280] =	vst v63  }
0x2a0: {  	s16 =	simm.s32 $0x15400;
	s17 =	sld [smem:$0x7B6]  }
0x2a1: {  	[tilespmem:s16], [sflag:$0x1] =	stream.linear.gather [spmem:s15], $0x80, $0x38;
	[tilespmem:$0x1E280] =	vst v63  }
0x2a2: {  	s18 =	simm.s32 $0x15800;
	s19 =	sld [smem:$0x7B7]  }
0x2a3: {  	[tilespmem:s18], [sflag:$0x1] =	stream.linear.gather [spmem:s17], $0x80, $0x38;
	[tilespmem:$0x1E280] =	vst v63  }
0x2a4: {  	s20 =	simm.s32 $0x15C00;
	s21 =	sld [smem:$0x7B8]  }
0x2a5: {  	[tilespmem:s20], [sflag:$0x1] =	stream.linear.gather [spmem:s19], $0x80, $0x38;
	[tilespmem:$0x1E280] =	vst v63  }
0x2a6: {  	s22 =	simm.s32 $0x16000;
	s23 =	sld [smem:$0x7B9]  }
0x2a7: {  	[tilespmem:s22], [sflag:$0x1] =	stream.linear.gather [spmem:s21], $0x80, $0x38;
	[tilespmem:$0x1E280] =	vst v63  }
0x2a8: {  	s24 =	simm.s32 $0x16400;
	s25 =	rddreg [dreg:$0x19]  }
0x2a9: {  	[tilespmem:s24], [sflag:$0x1] =	stream.linear.gather [spmem:s23], $0x80, $0x38;
	[tilespmem:$0x1E280] =	vst v63  }
0x2aa: {  	s26 =	simm.s32 $0x17C00;
	s28 =	sld [smem:$0x7BA]  }
0x2ab: {  	[tilespmem:s26], [sflag:$0x1] =	stream.linear.gather [spmem:s25], $0x80, $0x38;
	[tilespmem:$0x1E280] =	vst v63  }
0x2ac: {  	s29 =	simm.s32 $0x18000;
	s30 =	sld [smem:$0x7BB]  }
0x2ad: {  	[tilespmem:s29], [sflag:$0x1] =	stream.linear.gather [spmem:s28], $0x80, $0x38;
	[tilespmem:$0x1E280] =	vst v63  }
0x2ae: {  	s31 =	simm.s32 $0x18400;
	s3 =	sld [smem:$0x7BC]  }
0x2af: {  	[tilespmem:s31], [sflag:$0x1] =	stream.linear.gather [spmem:s30], $0x80, $0x38;
	[tilespmem:$0x1E280] =	vst v63  }
0x2b0: {  	s4 =	simm.s32 $0x18800;
	s5 =	sld [smem:$0x7BD]  }
0x2b1: {  	[tilespmem:s4], [sflag:$0x1] =	stream.linear.gather [spmem:s3], $0x80, $0x38;
	[tilespmem:$0x1E280] =	vst v63  }
0x2b2: {  	s6 =	simm.s32 $0x18C00;
	s7 =	rddreg [dreg:$0x1a]  }
0x2b3: {  	[tilespmem:s6], [sflag:$0x1] =	stream.linear.gather [spmem:s5], $0x80, $0x38;
	[tilespmem:$0x1E280] =	vst v63  }
0x2b4: {  	s12 =	simm.s32 $0x15480;
	s13 =	sld [smem:$0x7BE]  }
0x2b5: {  	[tilespmem:s12], [sflag:$0x1] =	stream.linear.gather [spmem:s7], $0x80, $0x38;
	[tilespmem:$0x1E280] =	vst v63  }
0x2b6: {  	s14 =	simm.s32 $0x15880;
	s15 =	sld [smem:$0x7BF]  }
0x2b7: {  	[tilespmem:s14], [sflag:$0x1] =	stream.linear.gather [spmem:s13], $0x80, $0x38;
	[tilespmem:$0x1E280] =	vst v63  }
0x2b8: {  	s16 =	simm.s32 $0x15C80;
	s17 =	sld [smem:$0x7C0]  }
0x2b9: {  	[tilespmem:s16], [sflag:$0x1] =	stream.linear.gather [spmem:s15], $0x80, $0x38;
	[tilespmem:$0x1E280] =	vst v63  }
0x2ba: {  	s18 =	simm.s32 $0x16080;
	s19 =	sld [smem:$0x7C1]  }
0x2bb: {  	[tilespmem:s18], [sflag:$0x1] =	stream.linear.gather [spmem:s17], $0x80, $0x38;
	[tilespmem:$0x1E280] =	vst v63  }
0x2bc: {  	s20 =	simm.s32 $0x16480;
	s21 =	rddreg [dreg:$0x1b]  }
0x2bd: {  	[tilespmem:s20], [sflag:$0x1] =	stream.linear.gather [spmem:s19], $0x80, $0x38;
	[tilespmem:$0x1E280] =	vst v63  }
0x2be: {  	s22 =	simm.s32 $0x17C80;
	s23 =	sld [smem:$0x7C2]  }
0x2bf: {  	[tilespmem:s22], [sflag:$0x1] =	stream.linear.gather [spmem:s21], $0x80, $0x38;
	[tilespmem:$0x1E280] =	vst v63  }
0x2c0: {  	s24 =	simm.s32 $0x18080;
	s25 =	sld [smem:$0x7C3]  }
0x2c1: {  	[tilespmem:s24], [sflag:$0x1] =	stream.linear.gather [spmem:s23], $0x80, $0x38;
	[tilespmem:$0x1E280] =	vst v63  }
0x2c2: {  	s26 =	simm.s32 $0x18480;
	s28 =	sld [smem:$0x7C4]  }
0x2c3: {  	[tilespmem:s26], [sflag:$0x1] =	stream.linear.gather [spmem:s25], $0x80, $0x38;
	[tilespmem:$0x1E280] =	vst v63  }
0x2c4: {  	s29 =	simm.s32 $0x18880;
	s30 =	sld [smem:$0x7C5]  }
0x2c5: {  	[tilespmem:s29], [sflag:$0x1] =	stream.linear.gather [spmem:s28], $0x80, $0x38;
	[tilespmem:$0x1E280] =	vst v63  }
0x2c6: {  	s31 =	simm.s32 $0x18C80;
	s3 =	rddreg [dreg:$0x1c]  }
0x2c7: {  	[tilespmem:s31], [sflag:$0x1] =	stream.linear.gather [spmem:s30], $0x80, $0x38;
	[tilespmem:$0x1E280] =	vst v63  }
0x2c8: {  	s4 =	simm.s32 $0x15500;
	s5 =	sld [smem:$0x7C6]  }
0x2c9: {  	[tilespmem:s4], [sflag:$0x1] =	stream.linear.gather [spmem:s3], $0x80, $0x38;
	[tilespmem:$0x1E280] =	vst v63  }
0x2ca: {  	s6 =	simm.s32 $0x15900;
	s7 =	sld [smem:$0x7C7]  }
0x2cb: {  	[tilespmem:s6], [sflag:$0x1] =	stream.linear.gather [spmem:s5], $0x80, $0x38;
	[tilespmem:$0x1E280] =	vst v63  }
0x2cc: {  	s12 =	simm.s32 $0x15D00;
	s13 =	sld [smem:$0x7C8]  }
0x2cd: {  	[tilespmem:s12], [sflag:$0x1] =	stream.linear.gather [spmem:s7], $0x80, $0x38;
	[tilespmem:$0x1E280] =	vst v63  }
0x2ce: {  	s14 =	simm.s32 $0x16100;
	s15 =	sld [smem:$0x7C9]  }
0x2cf: {  	[tilespmem:s14], [sflag:$0x1] =	stream.linear.gather [spmem:s13], $0x80, $0x38;
	[tilespmem:$0x1E280] =	vst v63  }
0x2d0: {  	s16 =	simm.s32 $0x16500;
	s17 =	rddreg [dreg:$0x1d]  }
0x2d1: {  	[tilespmem:s16], [sflag:$0x1] =	stream.linear.gather [spmem:s15], $0x80, $0x38;
	[tilespmem:$0x1E280] =	vst v63  }
0x2d2: {  	s18 =	simm.s32 $0x17D00;
	s19 =	sld [smem:$0x7CA]  }
0x2d3: {  	[tilespmem:s18], [sflag:$0x1] =	stream.linear.gather [spmem:s17], $0x80, $0x38;
	[tilespmem:$0x1E280] =	vst v63  }
0x2d4: {  	s20 =	simm.s32 $0x18100;
	s21 =	sld [smem:$0x7CB]  }
0x2d5: {  	[tilespmem:s20], [sflag:$0x1] =	stream.linear.gather [spmem:s19], $0x80, $0x38;
	[tilespmem:$0x1E280] =	vst v63  }
0x2d6: {  	s22 =	simm.s32 $0x18500;
	s23 =	sld [smem:$0x7CC]  }
0x2d7: {  	[tilespmem:s22], [sflag:$0x1] =	stream.linear.gather [spmem:s21], $0x80, $0x38;
	[tilespmem:$0x1E280] =	vst v63  }
0x2d8: {  	s24 =	simm.s32 $0x18900;
	s25 =	sld [smem:$0x7CD]  }
0x2d9: {  	[tilespmem:s24], [sflag:$0x1] =	stream.linear.gather [spmem:s23], $0x80, $0x38;
	[tilespmem:$0x1E280] =	vst v63  }
0x2da: {  	s26 =	simm.s32 $0x18D00;
	s28 =	rddreg [dreg:$0x1e]  }
0x2db: {  	[tilespmem:s26], [sflag:$0x1] =	stream.linear.gather [spmem:s25], $0x80, $0x38;
	[tilespmem:$0x1E280] =	vst v63  }
0x2dc: {  	s29 =	simm.s32 $0x15580;
	s30 =	sld [smem:$0x7CE]  }
0x2dd: {  	[tilespmem:s29], [sflag:$0x1] =	stream.linear.gather [spmem:s28], $0x80, $0x38;
	[tilespmem:$0x1E280] =	vst v63  }
0x2de: {  	s31 =	simm.s32 $0x15980;
	s3 =	sld [smem:$0x7CF]  }
0x2df: {  	[tilespmem:s31], [sflag:$0x1] =	stream.linear.gather [spmem:s30], $0x80, $0x38;
	[tilespmem:$0x1E280] =	vst v63  }
0x2e0: {  	s4 =	simm.s32 $0x15D80;
	s5 =	sld [smem:$0x7D0]  }
0x2e1: {  	[tilespmem:s4], [sflag:$0x1] =	stream.linear.gather [spmem:s3], $0x80, $0x38;
	[tilespmem:$0x1E280] =	vst v63  }
0x2e2: {  	s6 =	simm.s32 $0x16180;
	s7 =	sld [smem:$0x7D1]  }
0x2e3: {  	[tilespmem:s6], [sflag:$0x1] =	stream.linear.gather [spmem:s5], $0x80, $0x38;
	[tilespmem:$0x1E280] =	vst v63  }
0x2e4: {  	s12 =	simm.s32 $0x16580;
	s13 =	rddreg [dreg:$0x1f]  }
0x2e5: {  	[tilespmem:s12], [sflag:$0x1] =	stream.linear.gather [spmem:s7], $0x80, $0x38;
	[tilespmem:$0x1E280] =	vst v63  }
0x2e6: {  	s14 =	simm.s32 $0x17D80;
	s15 =	sld [smem:$0x7D2]  }
0x2e7: {  	[tilespmem:s14], [sflag:$0x1] =	stream.linear.gather [spmem:s13], $0x80, $0x38;
	[tilespmem:$0x1E280] =	vst v63  }
0x2e8: {  	s16 =	simm.s32 $0x18180;
	s17 =	sld [smem:$0x7D3]  }
0x2e9: {  	[tilespmem:s16], [sflag:$0x1] =	stream.linear.gather [spmem:s15], $0x80, $0x38;
	[tilespmem:$0x1E280] =	vst v63  }
0x2ea: {  	s18 =	simm.s32 $0x18580;
	s19 =	sld [smem:$0x7D4]  }
0x2eb: {  	[tilespmem:s18], [sflag:$0x1] =	stream.linear.gather [spmem:s17], $0x80, $0x38;
	[tilespmem:$0x1E280] =	vst v63  }
0x2ec: {  	s20 =	simm.s32 $0x18980;
	s21 =	sld [smem:$0x7D5]  }
0x2ed: {  	[tilespmem:s20], [sflag:$0x1] =	stream.linear.gather [spmem:s19], $0x80, $0x38;
	[tilespmem:$0x1E280] =	vst v63  }
0x2ee: {  	s22 =	simm.s32 $0x18D80;
	s23 =	sld [smem:$0x7D6]  }
0x2ef: {  	[tilespmem:s22], [sflag:$0x1] =	stream.linear.gather [spmem:s21], $0x80, $0x38;
	[tilespmem:$0x1E280] =	vst v63  }
0x2f0: {  	s24 =	simm.s32 $0x15600;
	s25 =	sld [smem:$0x7D7]  }
0x2f1: {  	[tilespmem:s24], [sflag:$0x1] =	stream.linear.gather [spmem:s23], $0x80, $0x38;
	[tilespmem:$0x1E280] =	vst v63  }
0x2f2: {  	s26 =	simm.s32 $0x15A00;
	s28 =	sld [smem:$0x7D8]  }
0x2f3: {  	[tilespmem:s26], [sflag:$0x1] =	stream.linear.gather [spmem:s25], $0x80, $0x38;
	[tilespmem:$0x1E280] =	vst v63  }
0x2f4: {  	s29 =	simm.s32 $0x15E00;
	s30 =	sld [smem:$0x7D9]  }
0x2f5: {  	[tilespmem:s29], [sflag:$0x1] =	stream.linear.gather [spmem:s28], $0x80, $0x38;
	[tilespmem:$0x1E280] =	vst v63  }
0x2f6: {  	s31 =	simm.s32 $0x16200;
	s3 =	sld [smem:$0x7DA]  }
0x2f7: {  	[tilespmem:s31], [sflag:$0x1] =	stream.linear.gather [spmem:s30], $0x80, $0x38;
	[tilespmem:$0x1E280] =	vst v63  }
0x2f8: {  	s4 =	simm.s32 $0x16600;
	s5 =	sld [smem:$0x7DB]  }
0x2f9: {  	[tilespmem:s4], [sflag:$0x1] =	stream.linear.gather [spmem:s3], $0x80, $0x38;
	[tilespmem:$0x1E280] =	vst v63  }
0x2fa: {  	s6 =	simm.s32 $0x17E00;
	s7 =	sld [smem:$0x7DC]  }
0x2fb: {  	[tilespmem:s6], [sflag:$0x1] =	stream.linear.gather [spmem:s5], $0x80, $0x38;
	[tilespmem:$0x1E280] =	vst v63  }
0x2fc: {  	s12 =	simm.s32 $0x18200;
	s13 =	sld [smem:$0x7DD]  }
0x2fd: {  	[tilespmem:s12], [sflag:$0x1] =	stream.linear.gather [spmem:s7], $0x80, $0x38;
	[tilespmem:$0x1E280] =	vst v63  }
0x2fe: {  	s14 =	simm.s32 $0x18600;
	s15 =	sld [smem:$0x7DE]  }
0x2ff: {  	[tilespmem:s14], [sflag:$0x1] =	stream.linear.gather [spmem:s13], $0x80, $0x38;
	[tilespmem:$0x1E280] =	vst v63  }
0x300: {  	s16 =	simm.s32 $0x18A00;
	s17 =	sld [smem:$0x7DF]  }
0x301: {  	[tilespmem:s16], [sflag:$0x1] =	stream.linear.gather [spmem:s15], $0x80, $0x38;
	[tilespmem:$0x1E280] =	vst v63  }
0x302: {  	s18 =	simm.s32 $0x18E00;
	s19 =	sld [smem:$0x7E0]  }
0x303: {  	[tilespmem:s18], [sflag:$0x1] =	stream.linear.gather [spmem:s17], $0x80, $0x38;
	[tilespmem:$0x1E280] =	vst v63  }
0x304: {  	s20 =	simm.s32 $0x15680;
	s21 =	sld [smem:$0x7E1]  }
0x305: {  	[tilespmem:s20], [sflag:$0x1] =	stream.linear.gather [spmem:s19], $0x80, $0x38;
	[tilespmem:$0x1E280] =	vst v63  }
0x306: {  	s22 =	simm.s32 $0x15A80;
	s23 =	sld [smem:$0x7E2]  }
0x307: {  	[tilespmem:s22], [sflag:$0x1] =	stream.linear.gather [spmem:s21], $0x80, $0x38;
	[tilespmem:$0x1E280] =	vst v63  }
0x308: {  	s24 =	simm.s32 $0x15E80;
	s25 =	sld [smem:$0x7E3]  }
0x309: {  	[tilespmem:s24], [sflag:$0x1] =	stream.linear.gather [spmem:s23], $0x80, $0x38;
	[tilespmem:$0x1E280] =	vst v63  }
0x30a: {  	s26 =	simm.s32 $0x16280;
	s28 =	sld [smem:$0x7E4]  }
0x30b: {  	[tilespmem:s26], [sflag:$0x1] =	stream.linear.gather [spmem:s25], $0x80, $0x38;
	[tilespmem:$0x1E280] =	vst v63  }
0x30c: {  	s29 =	simm.s32 $0x16680;
	s30 =	sld [smem:$0x7E8]  }
0x30d: {  	[tilespmem:s29], [sflag:$0x1] =	stream.linear.gather [spmem:s28], $0x80, $0x38;
	[tilespmem:$0x1E280] =	vst v63  }
0x30e: {  	s31 =	simm.s32 $0x17E80;
	s3 =	sld [smem:$0x7E5]  }
0x30f: {  	[tilespmem:s31], [sflag:$0x1] =	stream.linear.gather [spmem:s30], $0x80, $0x38;
	[tilespmem:$0x1E280] =	vst v63  }
0x310: {  	s4 =	simm.s32 $0x18280;
	s5 =	sld [smem:$0x7E6]  }
0x311: {  	[tilespmem:s4], [sflag:$0x1] =	stream.linear.gather [spmem:s3], $0x80, $0x38;
	[tilespmem:$0x1E280] =	vst v63  }
0x312: {  	s6 =	simm.s32 $0x18680;
	s7 =	sld [smem:$0x7E7]  }
0x313: {  	[tilespmem:s6], [sflag:$0x1] =	stream.linear.gather [spmem:s5], $0x80, $0x38;
	[tilespmem:$0x1E280] =	vst v63  }
0x314: {  	s12 =	simm.s32 $0x18A80;
	s13 =	sld [smem:$0x7E9]  }
0x315: {  	[tilespmem:s12], [sflag:$0x1] =	stream.linear.gather [spmem:s7], $0x80, $0x38;
	[tilespmem:$0x1E280] =	vst v63  }
0x316: {  	s14 =	simm.s32 $0x18E80;
	s15 =	sld [smem:$0x7ED]  }
0x317: {  	[tilespmem:s14], [sflag:$0x1] =	stream.linear.gather [spmem:s13], $0x80, $0x38;
	[tilespmem:$0x1E280] =	vst v63  }
0x318: {  	s16 =	simm.s32 $0x15700;
	s17 =	sld [smem:$0x7EA]  }
0x319: {  	[tilespmem:s16], [sflag:$0x1] =	stream.linear.gather [spmem:s15], $0x80, $0x38;
	[tilespmem:$0x1E280] =	vst v63  }
0x31a: {  	s18 =	simm.s32 $0x15B00;
	s19 =	sld [smem:$0x7EB]  }
0x31b: {  	[tilespmem:s18], [sflag:$0x1] =	stream.linear.gather [spmem:s17], $0x80, $0x38;
	[tilespmem:$0x1E280] =	vst v63  }
0x31c: {  	s20 =	simm.s32 $0x15F00;
	s21 =	sld [smem:$0x7EC]  }
0x31d: {  	[tilespmem:s20], [sflag:$0x1] =	stream.linear.gather [spmem:s19], $0x80, $0x38;
	[tilespmem:$0x1E280] =	vst v63  }
0x31e: {  	s22 =	simm.s32 $0x16300;
	s23 =	sld [smem:$0x7EE]  }
0x31f: {  	[tilespmem:s22], [sflag:$0x1] =	stream.linear.gather [spmem:s21], $0x80, $0x38;
	[tilespmem:$0x1E280] =	vst v63  }
0x320: {  	s24 =	simm.s32 $0x16700;
	s25 =	sld [smem:$0x7F2]  }
0x321: {  	[tilespmem:s24], [sflag:$0x1] =	stream.linear.gather [spmem:s23], $0x80, $0x38;
	[tilespmem:$0x1E280] =	vst v63  }
0x322: {  	s26 =	simm.s32 $0x17F00;
	s28 =	sld [smem:$0x7EF]  }
0x323: {  	[tilespmem:s26], [sflag:$0x1] =	stream.linear.gather [spmem:s25], $0x80, $0x38;
	[tilespmem:$0x1E280] =	vst v63  }
0x324: {  	s29 =	simm.s32 $0x18300;
	s30 =	sld [smem:$0x7F0]  }
0x325: {  	[tilespmem:s29], [sflag:$0x1] =	stream.linear.gather [spmem:s28], $0x80, $0x38;
	[tilespmem:$0x1E280] =	vst v63  }
0x326: {  	s31 =	simm.s32 $0x18700;
	s3 =	sld [smem:$0x7F1]  }
0x327: {  	[tilespmem:s31], [sflag:$0x1] =	stream.linear.gather [spmem:s30], $0x80, $0x38;
	[tilespmem:$0x1E280] =	vst v63  }
0x328: {  	s4 =	simm.s32 $0x18B00;
	s5 =	sld [smem:$0x7F3]  }
0x329: {  	[tilespmem:s4], [sflag:$0x1] =	stream.linear.gather [spmem:s3], $0x80, $0x38;
	[tilespmem:$0x1E280] =	vst v63  }
0x32a: {  	s6 =	simm.s32 $0x18F00;
	s7 =	sld [smem:$0x7F7]  }
0x32b: {  	[tilespmem:s6], [sflag:$0x1] =	stream.linear.gather [spmem:s5], $0x80, $0x38;
	[tilespmem:$0x1E280] =	vst v63  }
0x32c: {  	s12 =	simm.s32 $0x15780;
	s13 =	sld [smem:$0x7F4]  }
0x32d: {  	[tilespmem:s12], [sflag:$0x1] =	stream.linear.gather [spmem:s7], $0x80, $0x38;
	[tilespmem:$0x1E280] =	vst v63  }
0x32e: {  	s14 =	simm.s32 $0x15B80;
	s15 =	sld [smem:$0x7F5]  }
0x32f: {  	[tilespmem:s14], [sflag:$0x1] =	stream.linear.gather [spmem:s13], $0x80, $0x38;
	[tilespmem:$0x1E280] =	vst v63  }
0x330: {  	s16 =	simm.s32 $0x15F80;
	s17 =	sld [smem:$0x7F6]  }
0x331: {  	[tilespmem:s16], [sflag:$0x1] =	stream.linear.gather [spmem:s15], $0x80, $0x38;
	[tilespmem:$0x1E280] =	vst v63  }
0x332: {  	s18 =	simm.s32 $0x16380;
	s19 =	sld [smem:$0x7F8]  }
0x333: {  	[tilespmem:s18], [sflag:$0x1] =	stream.linear.gather [spmem:s17], $0x80, $0x38;
	[tilespmem:$0x1E280] =	vst v63  }
0x334: {  	s20 =	simm.s32 $0x16780;
	s21 =	sld [smem:$0x7FC]  }
0x335: {  	[tilespmem:s20], [sflag:$0x1] =	stream.linear.gather [spmem:s19], $0x80, $0x38;
	[tilespmem:$0x1E280] =	vst v63  }
0x336: {  	s22 =	simm.s32 $0x17F80;
	s23 =	sld [smem:$0x7F9]  }
0x337: {  	[tilespmem:s22], [sflag:$0x1] =	stream.linear.gather [spmem:s21], $0x80, $0x38;
	[tilespmem:$0x1E280] =	vst v63  }
0x338: {  	s24 =	simm.s32 $0x18380;
	s25 =	sld [smem:$0x7FA]  }
0x339: {  	[tilespmem:s24], [sflag:$0x1] =	stream.linear.gather [spmem:s23], $0x80, $0x38;
	[tilespmem:$0x1E280] =	vst v63  }
0x33a: {  	s26 =	simm.s32 $0x18780;
	s28 =	sld [smem:$0x7FB]  }
0x33b: {  	[tilespmem:s26], [sflag:$0x1] =	stream.linear.gather [spmem:s25], $0x80, $0x38;
	[tilespmem:$0x1E280] =	vst v63  }
0x33c: {  	s29 =	simm.s32 $0x18B80;
	s30 =	sld [smem:$0x7FD]  }
0x33d: {  	[tilespmem:s29], [sflag:$0x1] =	stream.linear.gather [spmem:s28], $0x80, $0x38;
	[tilespmem:$0x1E280] =	vst v63  }
0x33e: {  	s31 =	simm.s32 $0x18F80  }
0x33f: {  	[tilespmem:s31], [sflag:$0x1] =	stream.linear.gather [spmem:s30], $0x80, $0x38;
	[tilespmem:$0x1E280] =	vst v63  }
0x340: {  	_ =	swait.ge [sflag:s9], $0x280  }
0x341: {  	[sflag:s9] =	ssyncset.done $0x0  }
0x342: {  	[sflag:s9] =	ssyncadd.s32 $0xFFFFFD80  }
0x343: {  	_ =	swait.ge [sflag:s9], $0x280  }
0x344: {  	[sflag:s9] =	ssyncset.done $0x0  }
0x345: {  	[sflag:s9] =	ssyncadd.s32 $0xFFFFFD80  }
0x346: {  	_ =	swait.ge [sflag:s9], $0x280  }
0x347: {  	[sflag:s9] =	ssyncset.done $0x0  }
0x348: {  	[sflag:s9] =	ssyncadd.s32 $0xFFFFFD80  }
0x349: {  	_ =	swait.ge [sflag:s9], $0x280  }
0x34a: {  	[sflag:s9] =	ssyncset.done $0x0  }
0x34b: {  	[sflag:s9] =	ssyncadd.s32 $0xFFFFFD80  }
0x34c: {  	_ =	swait.ge [sflag:s9], $0x280  }
0x34d: {  	[sflag:s9] =	ssyncset.done $0x0  }
0x34e: {  	[sflag:s9] =	ssyncadd.s32 $0xFFFFFD80  }
0x34f: {  	_ =	swait.ge [sflag:s9], $0x280  }
0x350: {  	[sflag:s9] =	ssyncset.done $0x0  }
0x351: {  	[sflag:s9] =	ssyncadd.s32 $0xFFFFFD80  }
0x352: {  	_ =	swait.ge [sflag:s9], $0x280  }
0x353: {  	[sflag:s9] =	ssyncset.done $0x0  }
0x354: {  	[sflag:s9] =	ssyncadd.s32 $0xFFFFFD80  }
0x355: {  	_ =	swait.ge [sflag:s9], $0x280  }
0x356: {  	[sflag:s9] =	ssyncset.done $0x0  }
0x357: {  	[sflag:s9] =	ssyncadd.s32 $0xFFFFFD80  }
0x358: {  	_ =	swait.ge [sflag:s9], $0x280  }
0x359: {  	[sflag:s9] =	ssyncset.done $0x0  }
0x35a: {  	[sflag:s9] =	ssyncadd.s32 $0xFFFFFD80  }
0x35b: {  	_ =	swait.ge [sflag:s9], $0x280  }
0x35c: {  	[sflag:s9] =	ssyncset.done $0x0  }
0x35d: {  	[sflag:s9] =	ssyncadd.s32 $0xFFFFFD80  }
0x35e: {  	_ =	swait.ge [sflag:s9], $0x280  }
0x35f: {  	[sflag:s9] =	ssyncset.done $0x0  }
0x360: {  	[sflag:s9] =	ssyncadd.s32 $0xFFFFFD80  }
0x361: {  	_ =	swait.ge [sflag:s9], $0x280  }
0x362: {  	[sflag:s9] =	ssyncset.done $0x0  }
0x363: {  	[sflag:s9] =	ssyncadd.s32 $0xFFFFFD80  }
0x364: {  	_ =	swait.ge [sflag:s9], $0x280  }
0x365: {  	[sflag:s9] =	ssyncset.done $0x0  }
0x366: {  	[sflag:s9] =	ssyncadd.s32 $0xFFFFFD80  }
0x367: {  	_ =	swait.ge [sflag:s9], $0x280  }
0x368: {  	[sflag:s9] =	ssyncset.done $0x0  }
0x369: {  	[sflag:s9] =	ssyncadd.s32 $0xFFFFFD80  }
0x36a: {  	_ =	swait.ge [sflag:s9], $0x280  }
0x36b: {  	[sflag:s9] =	ssyncset.done $0x0  }
0x36c: {  	[sflag:s9] =	ssyncadd.s32 $0xFFFFFD80  }
0x36d: {  	_ =	swait.ge [sflag:s9], $0x280  }
0x36e: {  	[sflag:s9] =	ssyncset.done $0x0  }
0x36f: {  	[sflag:s9] =	ssyncadd.s32 $0xFFFFFD80  }
0x370: {  	_ =	swait.ge [sflag:s9], $0x280  }
0x371: {  	[sflag:s9] =	ssyncset.done $0x0  }
0x372: {  	[sflag:s9] =	ssyncadd.s32 $0xFFFFFD80  }
0x373: {  	_ =	swait.ge [sflag:s9], $0x280  }
0x374: {  	[sflag:s9] =	ssyncset.done $0x0  }
0x375: {  	[sflag:s9] =	ssyncadd.s32 $0xFFFFFD80  }
0x376: {  	_ =	swait.ge [sflag:s9], $0x280  }
0x377: {  	[sflag:s9] =	ssyncset.done $0x0  }
0x378: {  	[sflag:s9] =	ssyncadd.s32 $0xFFFFFD80  }
0x379: {  	_ =	swait.ge [sflag:s9], $0x280  }
0x37a: {  	[sflag:s9] =	ssyncset.done $0x0  }
0x37b: {  	[sflag:s9] =	ssyncadd.s32 $0xFFFFFD80  }
0x37c: {  	_ =	swait.ge [sflag:s9], $0x280  }
0x37d: {  	[sflag:s9] =	ssyncset.done $0x0  }
0x37e: {  	[sflag:s9] =	ssyncadd.s32 $0xFFFFFD80  }
0x37f: {  	_ =	swait.ge [sflag:s9], $0x280  }
0x380: {  	[sflag:s9] =	ssyncset.done $0x0  }
0x381: {  	[sflag:s9] =	ssyncadd.s32 $0xFFFFFD80  }
0x382: {  	_ =	swait.ge [sflag:s9], $0x280  }
0x383: {  	[sflag:s9] =	ssyncset.done $0x0  }
0x384: {  	[sflag:s9] =	ssyncadd.s32 $0xFFFFFD80  }
0x385: {  	_ =	swait.ge [sflag:s9], $0x280  }
0x386: {  	[sflag:s9] =	ssyncset.done $0x0  }
0x387: {  	[sflag:s9] =	ssyncadd.s32 $0xFFFFFD80  }
0x388: {  	_ =	swait.ge [sflag:s9], $0x280  }
0x389: {  	[sflag:s9] =	ssyncset.done $0x0  }
0x38a: {  	[sflag:s9] =	ssyncadd.s32 $0xFFFFFD80  }
0x38b: {  	_ =	swait.ge [sflag:s9], $0x280  }
0x38c: {  	[sflag:s9] =	ssyncset.done $0x0  }
0x38d: {  	[sflag:s9] =	ssyncadd.s32 $0xFFFFFD80  }
0x38e: {  	_ =	swait.ge [sflag:s9], $0x280  }
0x38f: {  	[sflag:s9] =	ssyncset.done $0x0  }
0x390: {  	[sflag:s9] =	ssyncadd.s32 $0xFFFFFD80  }
0x391: {  	_ =	swait.ge [sflag:s9], $0x280  }
0x392: {  	[sflag:s9] =	ssyncset.done $0x0  }
0x393: {  	[sflag:s9] =	ssyncadd.s32 $0xFFFFFD80  }
0x394: {  	_ =	swait.ge [sflag:s9], $0x280  }
0x395: {  	[sflag:s9] =	ssyncset.done $0x0  }
0x396: {  	[sflag:s9] =	ssyncadd.s32 $0xFFFFFD80  }
0x397: {  	_ =	swait.ge [sflag:s9], $0x280  }
0x398: {  	[sflag:s9] =	ssyncset.done $0x0  }
0x399: {  	[sflag:s9] =	ssyncadd.s32 $0xFFFFFD80  }
0x39a: {  	_ =	swait.ge [sflag:s9], $0x280  }
0x39b: {  	[sflag:s9] =	ssyncset.done $0x0  }
0x39c: {  	s16 =	simm.s32 $0x0;
	[sflag:s9] =	ssyncadd.s32 $0xFFFFFD80  }
0x39d: {  	s0 =	sand.u32 $0x60, s16;
	_ =	swait.ge [sflag:s9], $0x280  }
0x39e: {  	s14 =	sand.u32 $0x1C00, s16;
	s17 =	sor.u32 $0x10, s0;
	[sflag:s9] =	ssyncset.done $0x0  }
0x39f: {  	s15 =	sor.u32 s14, s17;
	[sflag:s9] =	ssyncadd.s32 $0xFFFFFD80  }
0x3a0: {  	v1 =	vld [tilespmem:s15+$0x14000]  }
0x3a1: {  	s3 =	sor.u32 s0, s14;
	v2 =	vld [tilespmem:s15+$0x14080]  }
0x3a2: {  	v15 =	vld [tilespmem:s3+$0x14000]  }
0x3a3: {  	v3 =	vld [tilespmem:s15+$0x14100]  }
0x3a4: {  	v17 =	vld [tilespmem:s3+$0x14080]  }
0x3a5: {  	v4 =	vld [tilespmem:s15+$0x14180]  }
0x3a6: {  	s18 =	sand.u32 $0x3, s16;
	v13 =	vld [tilespmem:s3+$0x14100]  }
0x3a7: {  	s18 =	sshll.u32 s18, $0x5;
	v5 =	vld [tilespmem:s15+$0x14200]  }
0x3a8: {  	s18 =	sadd.s32 $0x0, s18;
	v11 =	vld [tilespmem:s3+$0x14180]  }
0x3a9: {  	s19 =	sadd.s32 $0x10, s18;
	v18 =	vld [tilespmem:s15+$0x14280]  }
0x3aa: {  	s20 =	sor.u32 $0x300, s19;
	v19 =	vld [tilespmem:s15+$0x16800]  }
0x3ab: {  	v20 =	vld [tilespmem:s20+$0x14000]  }
0x3ac: {  	s19 =	sor.u32 $0x380, s19;
	v21 =	vld [tilespmem:s15+$0x16880]  }
0x3ad: {  	s21 =	sadd.s32 $0x1400, s14;
	v22 =	vld [tilespmem:s19+$0x14000]  }
0x3ae: {  	s22 =	sor.u32 s17, s21;
	v23 =	vld [tilespmem:s15+$0x16900]  }
0x3af: {  	s23 =	sadd.s32 $0x1480, s14;
	v24 =	vld [tilespmem:s22+$0x14000]  }
0x3b0: {  	s24 =	sor.u32 s17, s23;
	v25 =	vld [tilespmem:s15+$0x16980]  }
0x3b1: {  	s25 =	sadd.s32 $0x1500, s14;
	v26 =	vld [tilespmem:s24+$0x14000]  }
0x3b2: {  	s26 =	sor.u32 s17, s25;
	v27 =	vld [tilespmem:s15+$0x16A00]  }
0x3b3: {  	s28 =	sadd.s32 $0x1580, s14;
	v28 =	vld [tilespmem:s26+$0x14000]  }
0x3b4: {  	s4 =	sor.u32 s17, s28;
	v29 =	vld [tilespmem:s15+$0x16A80]  }
0x3b5: {  	s29 =	sadd.s32 $0x1600, s14;
	v30 =	vld [tilespmem:s4+$0x14000]  }
0x3b6: {  	s30 =	sor.u32 s17, s29;
	v31 =	vld [tilespmem:s20+$0x16800]  }
0x3b7: {  	s5 =	sadd.s32 $0x1680, s14;
	v32 =	vld [tilespmem:s30+$0x14000]  }
0x3b8: {  	s6 =	sor.u32 s17, s5;
	v33 =	vld [tilespmem:s19+$0x16800]  }
0x3b9: {  	v34 =	vld [tilespmem:s6+$0x14000]  }
0x3ba: {  	s7 =	sadd.s32 $0x1700, s14;
	v35 =	vld [tilespmem:s22+$0x16800]  }
0x3bb: {  	s12 =	sor.u32 s17, s7;
	v36 =	vld [tilespmem:s24+$0x16800]  }
0x3bc: {  	s14 =	sadd.s32 $0x1780, s14;
	v37 =	vld [tilespmem:s12+$0x14000]  }
0x3bd: {  	s13 =	sor.u32 s17, s14;
	v38 =	vld [tilespmem:s26+$0x16800]  }
0x3be: {  	v39 =	vld [tilespmem:s13+$0x14000]  }
0x3bf: {  	v40 =	vld [tilespmem:s3+$0x14200]  }
0x3c0: {  	v41 =	vld [tilespmem:s3+$0x14280]  }
0x3c1: {  	s18 =	sor.u32 $0x300, s18;
	v42 =	vld [tilespmem:s4+$0x16800]  }
0x3c2: {  	v43 =	vld [tilespmem:s18+$0x14000]  }
0x3c3: {  	v44 =	vld [tilespmem:s30+$0x16800]  }
0x3c4: {  	v45 =	vld [tilespmem:s3+$0x16800]  }
0x3c5: {  	v46 =	vld [tilespmem:s6+$0x16800]  }
0x3c6: {  	v47 =	vld [tilespmem:s3+$0x16880]  }
0x3c7: {  	v48 =	vld [tilespmem:s12+$0x16800]  }
0x3c8: {  	v50 =	vld [tilespmem:s13+$0x16800]  }
0x3c9: {  	s21 =	sor.u32 s0, s21;
	v51 =	vld [tilespmem:s3+$0x16900]  }
0x3ca: {  	v52 =	vld [tilespmem:s21+$0x14000]  }
0x3cb: {  	v53 =	vld [tilespmem:s3+$0x16980]  }
0x3cc: {  	v55 =	vld [tilespmem:s3+$0x16A00]  }
0x3cd: {  	s28 =	sor.u32 s0, s28;
	v57 =	vld [tilespmem:s3+$0x16A80]  }
0x3ce: {  	v58 =	vld [tilespmem:s28+$0x14000]  }
0x3cf: {  	v59 =	vld [tilespmem:s18+$0x16800]  }
0x3d0: {  	s31 =	sor.u32 s0, s7;
	v10 =	vld [tilespmem:s21+$0x16800]  }
0x3d1: {  	s24 =	sor.u32 s0, s23;
	v9 =	vld [tilespmem:s31+$0x14000]  }
0x3d2: {  	s26 =	sor.u32 s0, s25;
	v54 =	vld [tilespmem:s24+$0x14000]  }
0x3d3: {  	s30 =	sor.u32 s0, s29;
	v56 =	vld [tilespmem:s26+$0x14000]  }
0x3d4: {  	s20 =	sor.u32 s0, s5;
	v16 =	vld [tilespmem:s30+$0x14000]  }
0x3d5: {  	v12 =	vld [tilespmem:s20+$0x14000]  }
0x3d6: {  	s3 =	sor.u32 s0, s14;
	v8 =	vld [tilespmem:s24+$0x16800]  }
0x3d7: {  	s19 =	sor.u32 s16, s16;
	v7 =	vld [tilespmem:s3+$0x14000]  }
0x3d8: {  	s15 =	sor.u32 $0x380, s19;
	v6 =	vld [tilespmem:s26+$0x16800]  }
0x3d9: {  	v49 =	vld [tilespmem:s15+$0x14000];
	v1 =	vadd.f32 v2, v1  }
0x3da: {  	s18 =	simm.s32 $0x20;
	v14 =	vld [tilespmem:s15+$0x16800];
	v2 =	vadd.f32 v21, v19  }
0x3db: {  	s14 =	simm.s32 $0x100;
	s19 =	sand.u32 $0x60, s18;
	v1 =	vadd.f32 v3, v1;
	v3 =	vld [tilespmem:s20+$0x16800]  }
0x3dc: {  	s0 =	sand.u32 $0x1C00, s14;
	v62 =	vadd.f32 v23, v2;
	s20 =	sor.u32 $0x10, s19;
	v2 =	vld [tilespmem:s31+$0x16800]  }
0x3dd: {  	s15 =	simm.s32 $0x1;
	s4 =	sor.u32 s0, s20;
	v1 =	vadd.f32 v4, v1;
	v4 =	vld [tilespmem:s30+$0x16800]  }
0x3de: {  	s5 =	sand.u32 $0x3, s15;
	v15 =	vadd.f32 v17, v15;
	v21 =	vld [tilespmem:s4+$0x14080]  }
0x3df: {  	s2 =	sshll.u32 s5, $0x5;
	v23 =	vld [tilespmem:s4+$0x14100]  }
0x3e0: {  	s24 =	sadd.s32 $0x100, s2;
	v13 =	vadd.f32 v13, v15;
	v17 =	vld [tilespmem:s4+$0x16800]  }
0x3e1: {  	s2 =	sadd.s32 $0x10, s24;
	v61 =	vld [tilespmem:s4+$0x16880]  }
0x3e2: {  	v45 =	vadd.f32 v47, v45;
	s6 =	sor.u32 $0x300, s2;
	s13 =	sor.u32 $0x380, s2;
	s2 =	sadd.s32 $0x1400, s0;
	v11 =	vadd.f32 v11, v13;
	v47 =	vld [tilespmem:s4+$0x16A80]  }
0x3e3: {  	s22 =	sor.u32 s20, s2;
	v1 =	vadd.f32 v5, v1;
	v5 =	vld [tilespmem:s28+$0x16800]  }
0x3e4: {  	v11 =	vadd.f32 v40, v11;
	v40 =	vld [tilespmem:s22+$0x14000]  }
0x3e5: {  	v1 =	vadd.f32 v18, v1;
	v18 =	vadd.f32 v25, v62;
	v25 =	vld [tilespmem:s4+$0x14180]  }
0x3e6: {  	v62 =	vld [tilespmem:s13+$0x14000];
	v11 =	vadd.f32 v41, v11  }
0x3e7: {  	v41 =	vld [tilespmem:s4+$0x16980];
	v63 =	vadd.f32 v20, v1  }
0x3e8: {  	v20 =	vld [tilespmem:s4+$0x14000];
	v18 =	vadd.f32 v27, v18;
	v11 =	vadd.f32 v43, v11  }
0x3e9: {  	v1 =	vld [tilespmem:s3+$0x16800];
	v19 =	vadd.f32 v22, v63  }
0x3ea: {  	v18 =	vadd.f32 v29, v18;
	v63 =	vld [tilespmem:s4+$0x16900];
	v11 =	vadd.f32 v49, v11  }
0x3eb: {  	s21 =	sor.u32 s19, s0;
	v15 =	vadd.f32 v61, v17;
	v27 =	vld [tilespmem:s4+$0x14200];
	v19 =	vadd.f32 v24, v19  }
0x3ec: {  	v22 =	vld [tilespmem:s21+$0x14000];
	v18 =	vadd.f32 v31, v18;
	v11 =	vadd.f32 v52, v11  }
0x3ed: {  	v24 =	vld [tilespmem:s21+$0x14080];
	v20 =	vadd.f32 v21, v20;
	v19 =	vadd.f32 v26, v19  }
0x3ee: {  	v43 =	vld [tilespmem:s21+$0x14280];
	v33 =	vadd.f32 v33, v18;
	v11 =	vadd.f32 v54, v11  }
0x3ef: {  	v29 =	vld [tilespmem:s6+$0x14000];
	v20 =	vadd.f32 v23, v20;
	v15 =	vadd.f32 v63, v15  }
0x3f0: {  	v26 =	vld [tilespmem:s21+$0x14100];
	v19 =	vadd.f32 v28, v19;
	v35 =	vadd.f32 v35, v33  }
0x3f1: {  	v18 =	vld [tilespmem:s21+$0x14180];
	v11 =	vadd.f32 v56, v11;
	v20 =	vadd.f32 v25, v20  }
0x3f2: {  	v28 =	vld [tilespmem:s4+$0x14280];
	v15 =	vadd.f32 v41, v15;
	v22 =	vadd.f32 v24, v22  }
0x3f3: {  	s23 =	sadd.s32 $0x1580, s0;
	v49 =	vld [tilespmem:s6+$0x16800];
	v19 =	vadd.f32 v30, v19;
	v60 =	vadd.f32 v36, v35  }
0x3f4: {  	v52 =	vld [tilespmem:s13+$0x16800];
	s13 =	sor.u32 s20, s23;
	v11 =	vadd.f32 v58, v11;
	v20 =	vadd.f32 v27, v20  }
0x3f5: {  	s26 =	sadd.s32 $0x1600, s0;
	v61 =	vld [tilespmem:s13+$0x16800];
	v22 =	vadd.f32 v26, v22;
	v19 =	vadd.f32 v32, v19  }
0x3f6: {  	s12 =	sadd.s32 $0x1500, s0;
	s30 =	sor.u32 s20, s26;
	v54 =	vld [tilespmem:s22+$0x16800];
	v13 =	vadd.f32 v38, v60;
	v11 =	vadd.f32 v16, v11  }
0x3f7: {  	s31 =	sor.u32 s20, s12;
	v63 =	vld [tilespmem:s30+$0x16800];
	v20 =	vadd.f32 v28, v20;
	v18 =	vadd.f32 v18, v22  }
0x3f8: {  	s25 =	sadd.s32 $0x1480, s0;
	v56 =	vld [tilespmem:s31+$0x16800];
	v19 =	vadd.f32 v34, v19;
	v13 =	vadd.f32 v42, v13  }
0x3f9: {  	s7 =	sor.u32 s20, s25;
	v60 =	vld [tilespmem:s30+$0x14000];
	v34 =	vadd.f32 v51, v45;
	v20 =	vadd.f32 v29, v20  }
0x3fa: {  	v42 =	vld [tilespmem:s7+$0x14000];
	v11 =	vadd.f32 v12, v11;
	v13 =	vadd.f32 v44, v13  }
0x3fb: {  	v44 =	vld [tilespmem:s4+$0x16A00];
	v34 =	vadd.f32 v53, v34;
	v20 =	vadd.f32 v62, v20  }
0x3fc: {  	s24 =	sor.u32 $0x300, s24;
	v51 =	vld [tilespmem:s31+$0x14000];
	v19 =	vadd.f32 v37, v19;
	v9 =	vadd.f32 v9, v11  }
0x3fd: {  	s28 =	sadd.s32 $0x1680, s0;
	v45 =	vld [tilespmem:s24+$0x14000];
	v34 =	vadd.f32 v55, v34;
	v20 =	vadd.f32 v40, v20  }
0x3fe: {  	s31 =	sor.u32 s20, s28;
	v53 =	vld [tilespmem:s13+$0x14000];
	v19 =	vadd.f32 v39, v19;
	v13 =	vadd.f32 v46, v13  }
0x3ff: {  	v32 =	vld [tilespmem:s31+$0x16800];
	v34 =	vadd.f32 v57, v34;
	v20 =	vadd.f32 v42, v20  }
0x400: {  	s29 =	sadd.s32 $0x1700, s0;
	v62 =	vld [tilespmem:s31+$0x14000];
	v7 =	vadd.f32 v7, v9;
	v33 =	vadd.f32 v44, v15  }
0x401: {  	s3 =	sor.u32 s20, s29;
	v55 =	vld [tilespmem:s7+$0x16800];
	v34 =	vadd.f32 v59, v34;
	v38 =	vadd.f32 v51, v20  }
0x402: {  	v39 =	vld [tilespmem:s3+$0x16800];
	v13 =	vadd.f32 v48, v13;
	v12 =	vadd.f32 v47, v33  }
0x403: {  	s0 =	sadd.s32 $0x1780, s0;
	v42 =	vld [tilespmem:s21+$0x14200];
	v14 =	vadd.f32 v14, v34;
	v41 =	vadd.f32 v53, v38  }
0x404: {  	s5 =	sor.u32 s20, s0;
	v19 =	vadd.f32 $1.000000020e-16, v19;
	v34 =	vld [tilespmem:s3+$0x14000];
	v12 =	vadd.f32 v49, v12  }
0x405: {  	v40 =	vld [tilespmem:s5+$0x14000];
	v10 =	vadd.f32 v10, v14;
	v44 =	vadd.f32 v60, v41  }
0x406: {  	v48 =	vld [tilespmem:s21+$0x16800];
	v13 =	vadd.f32 v50, v13;
	v12 =	vadd.f32 v52, v12  }
0x407: {  	s6 =	sor.u32 s14, s18;
	v49 =	vld [tilespmem:s21+$0x16880];
	v8 =	vadd.f32 v8, v10;
	v47 =	vadd.f32 v62, v44  }
0x408: {  	s4 =	sor.u32 $0x380, s6;
	v46 =	vld [tilespmem:s5+$0x16800];
	v14 =	vadd.f32 v42, v18;
	v12 =	vadd.f32 v54, v12  }
0x409: {  	v50 =	vld [tilespmem:s4+$0x14000];
	v6 =	vadd.f32 v6, v8;
	v8 =	vadd.f32 v34, v47  }
0x40a: {  	s2 =	sor.u32 s19, s2;
	v7 =	vadd.f32 $1.000000020e-16, v7;
	v51 =	vld [tilespmem:s21+$0x16900];
	v14 =	vadd.f32 v43, v14  }
0x40b: {  	(erf) = vrcp.f32 v19;
	v52 =	vld [tilespmem:s2+$0x14000];
	v12 =	vadd.f32 v55, v12;
	v8 =	vadd.f32 v40, v8  }
0x40c: {  	s7 =	sor.u32 s19, s25;
	(erf) = vrcp.f32 v7;
	v53 =	vld [tilespmem:s21+$0x16980];
	v11 =	vadd.f32 v45, v14;
	v7 =	vadd.f32 v49, v48  }
0x40d: {  	v54 =	vld [tilespmem:s7+$0x14000];
	v12 =	vadd.f32 v56, v12;
	v8 =	vadd.f32 $1.000000020e-16, v8  }
0x40e: {  	s12 =	sor.u32 s19, s12;
	v55 =	vld [tilespmem:s21+$0x16A00];
	v9 =	vadd.f32 v50, v11;
	v5 =	vadd.f32 v5, v6  }
0x40f: {  	v7 =	vadd.f32 v51, v7;
	v6 =	vadd.f32 v61, v12;
	(erf) = vrcp.f32 v8;
	v8 =	vld [tilespmem:s12+$0x14000]  }
0x410: {  	s13 =	sor.u32 s19, s23;
	v56 =	vld [tilespmem:s21+$0x16A80];
	v9 =	vadd.f32 v52, v9;
	v4 =	vadd.f32 v4, v5  }
0x411: {  	v7 =	vadd.f32 v53, v7;
	v5 =	vadd.f32 v63, v6;
	v6 =	vld [tilespmem:s13+$0x14000]  }
0x412: {  	s26 =	sor.u32 s19, s26;
	v57 =	vld [tilespmem:s24+$0x16800];
	v9 =	vadd.f32 v54, v9;
	v3 =	vadd.f32 v3, v4  }
0x413: {  	v7 =	vadd.f32 v55, v7;
	v4 =	vadd.f32 v32, v5;
	v5 =	vld [tilespmem:s26+$0x14000]  }
0x414: {  	s22 =	sor.u32 s19, s28;
	v58 =	vld [tilespmem:s4+$0x16800];
	v2 =	vadd.f32 v2, v3;
	v8 =	vadd.f32 v8, v9  }
0x415: {  	v7 =	vadd.f32 v56, v7;
	v3 =	vadd.f32 v39, v4;
	v4 =	vld [tilespmem:s22+$0x14000]  }
0x416: {  	s23 =	sor.u32 s19, s29;
	v59 =	vld [tilespmem:s2+$0x16800];
	v6 =	vadd.f32 v6, v8  }
0x417: {  	v62 =	vld [tilespmem:s23+$0x14000];
	v60 =	vpop (erf);
	v2 =	vadd.f32 v1, v2;
	v7 =	vadd.f32 v57, v7  }
0x418: {  	s30 =	sand.u32 $0x380, s16;
	s25 =	sor.u32 s19, s0;
	v10 =	vmul.f32 v60, v13;
	v61 =	vadd.f32 v46, v3;
	v3 =	vld [tilespmem:s7+$0x16800];
	v8 =	vpop (erf);
	v6 =	vadd.f32 v5, v6  }
0x419: {  	s2 =	sor.u32 s17, s30;
	v7 =	vadd.f32 v58, v7;
	v5 =	vld [tilespmem:s25+$0x14000];
	v63 =	vpop (erf);
	v2 =	vmul.f32 v8, v2  }
0x41a: {  	s16 =	simm.s32 $0x19000;
	s31 =	sand.u32 $0x380, s18;
	[tilespmem:s2+$0x19000] =	vst v10;
	v1 =	vld [tilespmem:s12+$0x16800];
	v11 =	vmul.f32 v63, v61;
	v6 =	vadd.f32 v4, v6  }
0x41b: {  	s0 =	sor.u32 s20, s31;
	v7 =	vadd.f32 v59, v7;
	v4 =	vld [tilespmem:s13+$0x16800];
	[tilespmem:s16+$0x0] =	vst v2  }
0x41c: {  	s18 =	simm.s32 $0x40;
	s17 =	simm.s32 $0x2;
	v2 =	vld [tilespmem:s26+$0x16800];
	[tilespmem:s0+$0x19000] =	vst v11;
	v6 =	vadd.f32 v62, v6  }
.LBB2_12:
0x41d: {  	s31 =	sand.u32 $0x60, s18;
	v3 =	vadd.f32 v3, v7;
	v7 =	vld [tilespmem:s22+$0x16800];
	s14 =	sadd.s32 $0x100, s14  }
0x41e: {  	s17 =	sadd.s32 $0x2, s17;
	s2 =	sand.u32 $0x1C00, s14;
	s19 =	sor.u32 $0x10, s31;
	v8 =	vld [tilespmem:s23+$0x16800];
	v5 =	vadd.f32 v5, v6  }
0x41f: {  	p1 =	slt.u32 s17, $0x26;
	s21 =	sor.u32 s31, s2;
	s0 =	sor.u32 s2, s19;
	v1 =	vadd.f32 v1, v3;
	v3 =	vld [tilespmem:s25+$0x16800]  }
0x420: {  	s4 =	sor.u32 s14, s18;
	v6 =	vld [tilespmem:s0+$0x14000];
	v5 =	vadd.f32 $1.000000020e-16, v5  }
0x421: {  	s20 =	sor.u32 $0x380, s4;
	v9 =	vld [tilespmem:s0+$0x14080];
	v1 =	vadd.f32 v4, v1  }
0x422: {  	v4 =	vld [tilespmem:s21+$0x14000];
	(erf) = vrcp.f32 v5  }
0x423: {  	v5 =	vld [tilespmem:s0+$0x14100];
	v1 =	vadd.f32 v2, v1  }
0x424: {  	v2 =	vld [tilespmem:s21+$0x14080]  }
0x425: {  	s15 =	sadd.s32 $0x1, s15;
	v10 =	vld [tilespmem:s0+$0x14180];
	v1 =	vadd.f32 v7, v1  }
0x426: {  	s4 =	sand.u32 $0x3, s15;
	v7 =	vld [tilespmem:s21+$0x14100];
	v6 =	vadd.f32 v9, v6  }
0x427: {  	s4 =	sshll.u32 s4, $0x5;
	v9 =	vld [tilespmem:s0+$0x14200];
	v1 =	vadd.f32 v8, v1  }
0x428: {  	s4 =	sadd.s32 s4, s14;
	v8 =	vld [tilespmem:s21+$0x14180];
	v5 =	vadd.f32 v5, v6  }
0x429: {  	s24 =	sor.u32 $0x300, s4;
	s4 =	sadd.s32 $0x10, s4;
	v2 =	vadd.f32 v2, v4;
	v4 =	vld [tilespmem:s0+$0x14280];
	v1 =	vadd.f32 v3, v1  }
0x42a: {  	s23 =	sor.u32 $0x300, s4;
	v3 =	vld [tilespmem:s0+$0x16800];
	v5 =	vadd.f32 v10, v5  }
0x42b: {  	v2 =	vadd.f32 v7, v2;
	v6 =	vld [tilespmem:s23+$0x14000];
	v7 =	vpop (erf)  }
0x42c: {  	s4 =	sor.u32 $0x380, s4;
	v10 =	vld [tilespmem:s0+$0x16880];
	v5 =	vadd.f32 v9, v5;
	v1 =	vmul.f32 v7, v1  }
0x42d: {  	s16 =	sadd.s32 $0x20, s16;
	s22 =	sadd.s32 $0x1400, s2;
	v2 =	vadd.f32 v8, v2;
	v7 =	vld [tilespmem:s4+$0x14000]  }
0x42e: {  	s26 =	sor.u32 s31, s22;
	s25 =	sor.u32 s19, s22;
	v8 =	vld [tilespmem:s0+$0x16900];
	v4 =	vadd.f32 v4, v5;
	[tilespmem:s16+$0x0] =	vst v1  }
0x42f: {  	s22 =	sadd.s32 $0x1480, s2;
	v1 =	vld [tilespmem:s25+$0x14000]  }
0x430: {  	s28 =	sor.u32 s31, s22;
	s5 =	sor.u32 s19, s22;
	v5 =	vld [tilespmem:s0+$0x16980];
	v4 =	vadd.f32 v6, v4  }
0x431: {  	s22 =	sadd.s32 $0x1500, s2;
	v6 =	vld [tilespmem:s5+$0x14000]  }
0x432: {  	s29 =	sor.u32 s31, s22;
	s3 =	sor.u32 s19, s22;
	v3 =	vadd.f32 v10, v3;
	v9 =	vld [tilespmem:s0+$0x16A00];
	v4 =	vadd.f32 v7, v4  }
0x433: {  	s22 =	sadd.s32 $0x1580, s2;
	v7 =	vld [tilespmem:s3+$0x14000]  }
0x434: {  	s6 =	sadd.s32 $0x1600, s2;
	s30 =	sor.u32 s31, s22;
	s7 =	sor.u32 s19, s22;
	v3 =	vadd.f32 v8, v3;
	v8 =	vld [tilespmem:s0+$0x16A80];
	v1 =	vadd.f32 v1, v4  }
0x435: {  	s0 =	sor.u32 s31, s6;
	s6 =	sor.u32 s19, s6;
	v4 =	vld [tilespmem:s7+$0x14000]  }
0x436: {  	s12 =	sadd.s32 $0x1680, s2;
	v3 =	vadd.f32 v5, v3;
	v1 =	vadd.f32 v6, v1;
	v5 =	vld [tilespmem:s6+$0x14000]  }
0x437: {  	s22 =	sor.u32 s31, s12;
	s12 =	sor.u32 s19, s12;
	v6 =	vld [tilespmem:s23+$0x16800]  }
0x438: {  	v3 =	vadd.f32 v9, v3;
	v1 =	vadd.f32 v7, v1;
	v7 =	vld [tilespmem:s12+$0x14000]  }
0x439: {  	s13 =	sadd.s32 $0x1700, s2;
	v9 =	vld [tilespmem:s4+$0x16800]  }
0x43a: {  	s23 =	sor.u32 s31, s13;
	v3 =	vadd.f32 v8, v3;
	s4 =	sor.u32 s19, s13;
	v8 =	vld [tilespmem:s25+$0x16800];
	v1 =	vadd.f32 v4, v1  }
0x43b: {  	s2 =	sadd.s32 $0x1780, s2;
	v4 =	vld [tilespmem:s4+$0x14000]  }
0x43c: {  	s25 =	sor.u32 s31, s2;
	s2 =	sor.u32 s19, s2;
	v3 =	vadd.f32 v6, v3;
	v6 =	vld [tilespmem:s5+$0x16800];
	v1 =	vadd.f32 v5, v1  }
0x43d: {  	v5 =	vld [tilespmem:s2+$0x14000]  }
0x43e: {  	v10 =	vld [tilespmem:s21+$0x14200];
	v3 =	vadd.f32 v9, v3;
	v1 =	vadd.f32 v7, v1  }
0x43f: {  	v7 =	vld [tilespmem:s3+$0x16800]  }
0x440: {  	v9 =	vld [tilespmem:s21+$0x14280];
	v3 =	vadd.f32 v8, v3;
	v1 =	vadd.f32 v4, v1  }
0x441: {  	v4 =	vld [tilespmem:s7+$0x16800]  }
0x442: {  	v8 =	vld [tilespmem:s24+$0x14000];
	v3 =	vadd.f32 v6, v3;
	v1 =	vadd.f32 v5, v1  }
0x443: {  	v2 =	vadd.f32 v10, v2;
	v5 =	vld [tilespmem:s6+$0x16800]  }
0x444: {  	v6 =	vld [tilespmem:s21+$0x16800];
	v3 =	vadd.f32 v7, v3;
	v1 =	vadd.f32 $1.000000020e-16, v1  }
0x445: {  	v2 =	vadd.f32 v9, v2;
	v7 =	vld [tilespmem:s12+$0x16800]  }
0x446: {  	v9 =	vld [tilespmem:s21+$0x16880];
	v3 =	vadd.f32 v4, v3;
	(erf) = vrcp.f32 v1  }
0x447: {  	v1 =	vadd.f32 v8, v2;
	v2 =	vld [tilespmem:s4+$0x16800]  }
0x448: {  	v4 =	vld [tilespmem:s20+$0x14000];
	v3 =	vadd.f32 v5, v3  }
0x449: {  	v5 =	vld [tilespmem:s2+$0x16800]  }
0x44a: {  	v8 =	vld [tilespmem:s21+$0x16900];
	v3 =	vadd.f32 v7, v3  }
0x44b: {  	v6 =	vadd.f32 v9, v6;
	v7 =	vld [tilespmem:s26+$0x14000]  }
0x44c: {  	v9 =	vld [tilespmem:s21+$0x16980];
	v2 =	vadd.f32 v2, v3  }
0x44d: {  	v1 =	vadd.f32 v4, v1;
	v3 =	vld [tilespmem:s28+$0x14000]  }
0x44e: {  	v4 =	vld [tilespmem:s21+$0x16A00];
	v2 =	vadd.f32 v5, v2  }
0x44f: {  	v5 =	vadd.f32 v8, v6;
	v6 =	vld [tilespmem:s29+$0x14000];
	v8 =	vpop (erf)  }
0x450: {  	s2 =	sand.u32 $0x380, s18;
	v10 =	vld [tilespmem:s21+$0x16A80];
	v1 =	vadd.f32 v7, v1;
	v2 =	vmul.f32 v8, v2  }
0x451: {  	s2 =	sor.u32 s19, s2;
	v5 =	vadd.f32 v9, v5;
	v7 =	vld [tilespmem:s30+$0x14000]  }
0x452: {  	v8 =	vld [tilespmem:s24+$0x16800];
	v1 =	vadd.f32 v3, v1;
	[tilespmem:s2+$0x19000] =	vst v2  }
0x453: {  	v2 =	vadd.f32 v4, v5;
	v4 =	vld [tilespmem:s0+$0x14000]  }
0x454: {  	v5 =	vld [tilespmem:s20+$0x16800];
	v1 =	vadd.f32 v6, v1  }
0x455: {  	v2 =	vadd.f32 v10, v2;
	v6 =	vld [tilespmem:s22+$0x14000]  }
0x456: {  	v9 =	vld [tilespmem:s26+$0x16800];
	v1 =	vadd.f32 v7, v1  }
0x457: {  	v2 =	vadd.f32 v8, v2;
	v8 =	vld [tilespmem:s23+$0x14000]  }
.Ltmp5:
0x458: {  	v3 =	vld [tilespmem:s28+$0x16800];
	v4 =	vadd.f32 v4, v1;
	(pc) =	sbr.rel @p1 .LBB2_12-.Ltmp5, $4  }
0x459: {  	v2 =	vadd.f32 v5, v2;
	v5 =	vld [tilespmem:s25+$0x14000]  }
0x45a: {  	v1 =	vld [tilespmem:s29+$0x16800];
	v6 =	vadd.f32 v6, v4  }
0x45b: {  	v7 =	vadd.f32 v9, v2;
	v4 =	vld [tilespmem:s30+$0x16800]  }
0x45c: {  	s18 =	sadd.s32 $0x20, s18;
	v2 =	vld [tilespmem:s0+$0x16800];
	v6 =	vadd.f32 v8, v6  }
0x45d: {  	_ = 	snop  }
0x45e: {  	v3 =	vadd.f32 v3, v7;
	v5 =	vadd.f32 v5, v6;
	_ =	sdelay $0x1  }
0x45f: {  	v1 =	vadd.f32 v1, v3;
	v3 =	vadd.f32 $1.000000020e-16, v5  }
0x460: {  	v63 =	vld [tilespmem:s22+$0x16800]  }
0x461: {  	v1 =	vadd.f32 v4, v1;
	(erf) = vrcp.f32 v3  }
0x462: {  	v3 =	vld [tilespmem:s23+$0x16800]  }
0x463: {  	v1 =	vadd.f32 v2, v1  }
0x464: {  	v2 =	vld [tilespmem:s25+$0x16800]  }
0x465: {  	v1 =	vadd.f32 v63, v1;
	_ =	sdelay $0x1  }
0x466: {  	v1 =	vadd.f32 v3, v1;
	_ =	sdelay $0x1  }
0x467: {  	v1 =	vadd.f32 v2, v1  }
0x468: {  	v2 =	vpop (erf)  }
0x469: {  	v1 =	vmul.f32 v2, v1  }
0x46a: {  	s0 =	sadd.s32 $0x20, s16  }
0x46b: {  	[tilespmem:s0+$0x0] =	vst v1  }
0x46c: {  	s0 =	sld [smem:$0x770];
	_ =	sdelay $0x1  }
0x46d: {  	s2 =	simm.s32 $0x19000;
	s4 =	simm.s32 $0x2  }
0x46e: {  	[hbm4b:s0+s1] =	stream.linear.scatter [tilespmem:s2], [sflag:$0x2], $0x280, $0x38;
	[tilespmem:$0x1E280] =	vst v63  }
0x46f: {  	_ =	swait.ge [sflag:s4], $0x280  }
0x470: {  	s30 =	sld [smem:$0x76C]  }
0x471: {  	s31 =	sld [smem:$0x772];
	_ =	sdelay $0x1  }
0x472: {  	s2 =	sadd.s32 $0x1, s30  }
0x473: {  	p1 =	sne.s32 s2, s31  }
.Ltmp6:
0x474: {  	_ = 	snop;
	(pc) =	sbr.rel @p1 .LBB2_1-.Ltmp6, $3  }
0x475: {  	_ =	sdelay $0x1  }
0x476: {  	[sflag:s4] =	ssyncset.done $0x0  }
0x477: {  	[sflag:s4] =	ssyncadd.s32 $0xFFFFFD80  }
0x478: {  	_ =	sfence.sel $0x180000  }
0x479: {  	[bflag:$0x0] =	sbarrier.arrive $0xFFFF  }
0x47a: {  	_ =	strace $0x90000047  }
0x47b: {  	s0 =	stileid.u32;
	[bflag:$0x2] =	sbarrier.arrive $0xFFFF  }
0x47c: {  	p0 =	sne.s32 s0, $0x0;
	s0 =	rddreg [dreg:$0x5]  }
0x47d: {  	s0 =	sadd.s32 @!p0 $0x100000, s0  }
0x47e: {  	[sflag:s0] =	ssyncadd.tile.s32 @!p0 $0x1;
	_ =	shalt  }
.Lfunc_end2:
_tile_overlayer_lowered:
.L_overlay_start_2:
0x47f: {  	(tag) =	ssettag $0x2  }
0x480: {  	s0 =	rddreg [dreg:$0x0];
	s2 =	stileid.u32  }
0x481: {  	s1 =	rddreg [dreg:$0x1];
	p0 =	sne.s32 s2, $0x0  }
0x482: {  	s3 =	rddreg [dreg:$0x2];
	[bflag:$0x3] =	sbarrier.arrive $0xFFFF;
	s2 =	simm.s32 @!p0 $0x1C02  }
0x483: {  	[timem:s3], [sflag:s2] =	dma.local @!p0 [hbm:s0], s1  }
0x484: {  	s0 =	simm.s32 @!p0 $0x2  }
0x485: {  	_ =	swait.ge @!p0 [sflag:s0], s1  }
0x486: {  	s1 =	ssub.s32 @!p0 $0x0, s1;
	[sflag:s0] =	ssyncset.done @!p0 $0x0  }
0x487: {  	[sflag:s0] =	ssyncadd.s32 @!p0 s1  }
0x488: {  	[bflag:$0x3] =	sbarrier.arrive $0xFFFF  }
0x489: {  	_ =	shalt  }

</sc_bundles>
